<compile_context>
chip_gen: v7x
topology: tpu7x:2x2x1
jax: 0.10.2.dev20260603
libtpu: 0.0.44.dev20260713+nightly
codegen_flags: <defaults>
</compile_context>

<pallas_src>
import functools

import jax
import jax.numpy as jnp
from jax import lax
from jax.experimental import pallas as pl
from jax.experimental.pallas import tpu as pltpu
from jax.experimental.pallas import tpu_sc as plsc

NC = 2
NS = 16
L = 16
NW = NC * NS

CHUNK = 64
LS = 0.1


def _softplus(t):
    m = jnp.maximum(t, 0.0)
    y = jnp.exp(-jnp.abs(t))
    w = y / (y + 2.0)
    w2 = w * w
    p = w * (2.0 + w2 * (2.0 / 3.0 + w2 * (0.4 + w2 * (2.0 / 7.0 + w2 * (2.0 / 9.0)))))
    return m + p


@functools.partial(jax.jit, static_argnames=("B", "K", "D"))
def _skipgram_sc(center, context, neg2d, ctab, xtab, *, B, K, D):
    per_w = B // NW
    n_chunks = per_w // CHUNK
    groups = CHUNK // L
    nrow_per_w = per_w * K // 128
    nrow_per_chunk = CHUNK * K // 128

    mesh = plsc.VectorSubcoreMesh(core_axis_name="c", subcore_axis_name="s")

    @functools.partial(
        pl.kernel,
        mesh=mesh,
        out_type=jax.ShapeDtypeStruct((B,), jnp.float32),
        compiler_params=pltpu.CompilerParams(
            needs_layout_passes=False, use_tc_tiling_on_sc=False),
        scratch_types=[
            pltpu.VMEM((per_w,), jnp.int32),
            pltpu.VMEM((per_w,), jnp.int32),
            pltpu.VMEM((nrow_per_w, 128), jnp.int32),
            pltpu.VMEM((CHUNK, D), jnp.float32),
            pltpu.VMEM((CHUNK, D), jnp.float32),
            pltpu.VMEM((CHUNK * K, D), jnp.float32),
            pltpu.VMEM((CHUNK,), jnp.float32),
            pltpu.SemaphoreType.DMA,
        ],
    )
    def sc_kernel(center_hbm, context_hbm, neg_hbm, ctab_hbm, xtab_hbm,
                  out_hbm, cidx_v, xidx_v, nidx_v, cemb_v, xemb_v, nemb_v,
                  out_v, sem):
        wid = lax.axis_index("s") * NC + lax.axis_index("c")
        wbase = wid * per_w

        pltpu.sync_copy(center_hbm.at[pl.ds(wbase, per_w)], cidx_v)
        pltpu.sync_copy(context_hbm.at[pl.ds(wbase, per_w)], xidx_v)
        pltpu.sync_copy(neg_hbm.at[pl.ds(wid * nrow_per_w, nrow_per_w)], nidx_v)

        def chunk_body(c, _):
            base = wbase + c * CHUNK
            copies = [
                pltpu.async_copy(
                    ctab_hbm.at[cidx_v.at[pl.ds(c * CHUNK, CHUNK)]], cemb_v, sem),
                pltpu.async_copy(
                    xtab_hbm.at[xidx_v.at[pl.ds(c * CHUNK, CHUNK)]], xemb_v, sem),
            ]
            for i in range(nrow_per_chunk):
                copies.append(pltpu.async_copy(
                    xtab_hbm.at[nidx_v.at[c * nrow_per_chunk + i]],
                    nemb_v.at[pl.ds(i * 128, 128)], sem))
            for cp in copies:
                cp.wait()

            zero = jnp.zeros((L,), jnp.float32)
            lane = lax.iota(jnp.int32, L)

            def g_body(g, _):
                def l_body(l, scores):
                    r = g * L + l
                    mask = lane == l
                    cvecs = [cemb_v[r, pl.ds(j * L, L)] for j in range(D // L)]
                    pv = cvecs[0] * xemb_v[r, pl.ds(0, L)]
                    for j in range(1, D // L):
                        pv = pv + cvecs[j] * xemb_v[r, pl.ds(j * L, L)]
                    new = [jnp.where(mask, jnp.sum(pv), scores[0])]
                    for k in range(K):
                        nr = r * K + k
                        nv = cvecs[0] * nemb_v[nr, pl.ds(0, L)]
                        for j in range(1, D // L):
                            nv = nv + cvecs[j] * nemb_v[nr, pl.ds(j * L, L)]
                        new.append(jnp.where(mask, jnp.sum(nv), scores[k + 1]))
                    return tuple(new)

                scores = lax.fori_loop(0, L, l_body, (zero,) * (K + 1))
                s = scores[0]
                loss = _softplus(-s) + LS * s
                for n in scores[1:]:
                    loss = loss + _softplus(-n) + (1.0 - LS) * n
                out_v[pl.ds(g * L, L)] = loss
                return ()

            lax.fori_loop(0, groups, g_body, ())

            pltpu.sync_copy(out_v, out_hbm.at[pl.ds(base, CHUNK)])
            return ()

        lax.fori_loop(0, n_chunks, chunk_body, ())

    return sc_kernel(center, context, neg2d, ctab, xtab)


def kernel(center, context, negatives, apply_dropout, center_table, context_table):
    del apply_dropout
    B, = center.shape
    K = negatives.shape[1]
    D = center_table.shape[1]
    neg2d = negatives.astype(jnp.int32).reshape(B * K // 128, 128)
    return _skipgram_sc(center.astype(jnp.int32), context.astype(jnp.int32),
                        neg2d, center_table, context_table, B=B, K=K, D=D)

# --- scband reference (transcript-rebuilt; emitter-appended) ---
"""Pipeline reference for scband-skip-gram-model-55405078118977 (READ-ONLY COPY).

The authoritative reference and input builder live on the scoring server;
editing this copy changes nothing except your own understanding.
"""

import jax, jax.numpy as jnp
import numpy as np

VOCAB = 1000000
DIM = 64
B = 16384
K = 20

def setup_inputs(seed: int = 0) -> dict:
    key = jax.random.key(seed)
    k1, k2, k3, k4, k5 = jax.random.split(key, 5)
    scale = 0.5 / DIM
    center = jax.random.randint(k1, (B,), 0, VOCAB, dtype=jnp.int64) if jax.config.jax_enable_x64 else jax.random.randint(k1, (B,), 0, VOCAB, dtype=jnp.int32)
    context = jax.random.randint(k2, (B,), 0, VOCAB, dtype=center.dtype)
    negatives = jax.random.randint(k3, (B, K), 0, VOCAB, dtype=center.dtype)
    center_table = jax.random.uniform(k4, (VOCAB, DIM), dtype=jnp.float32, minval=-scale, maxval=scale)
    context_table = jax.random.uniform(k5, (VOCAB, DIM), dtype=jnp.float32, minval=-scale, maxval=scale)
    return {
        "center": center,
        "context": context,
        "negatives": negatives,
        "apply_dropout": False,
        "center_table": center_table,
        "context_table": context_table,
    }


def reference(center, context, negatives, apply_dropout, center_table, context_table):
    label_smoothing = 0.1
    # Embedding lookups (gathers)
    center_emb = jnp.take(center_table, center, axis=0)        # (B, D)
    # apply_dropout=False -> identity (deterministic eval path)
    context_emb = jnp.take(context_table, context, axis=0)     # (B, D)
    negative_emb = jnp.take(context_table, negatives, axis=0)  # (B, K, D)
    # Positive score: dot(center, context)
    pos_score = jnp.sum(center_emb * context_emb, axis=1)      # (B,)
    # Negative scores: bmm (B,K,D) x (B,D,1) -> (B,K)
    neg_score = jnp.einsum('bkd,bd->bk', negative_emb, center_emb)
    ls = label_smoothing
    pos_loss = -((1.0 - ls) * jax.nn.log_sigmoid(pos_score) + ls * jax.nn.log_sigmoid(-pos_score))
    neg_loss = -(ls * jax.nn.log_sigmoid(neg_score) + (1.0 - ls) * jax.nn.log_sigmoid(-neg_score)).sum(axis=1)
    return pos_loss + neg_loss

if __name__ == "__main__":
    import jax
    _d = setup_inputs()
    print(jax.jit(kernel)(*tuple(_d.values())))

</pallas_src>

<mosaic_0001>
#map = affine_map<(d0, d1) -> (0)>
#map1 = affine_map<(d0, d1) -> (0, 0)>
module attributes {stable_mosaic.version = 14 : i64} {
  func.func @sc_kernel(%arg0: i32, %arg1: i32, %arg2: memref<16384xi32, #tpu.memory_space<hbm>>, %arg3: memref<16384xi32, #tpu.memory_space<hbm>>, %arg4: memref<2560x128xi32, #tpu.memory_space<hbm>>, %arg5: memref<1000000x64xf32, #tpu.memory_space<hbm>>, %arg6: memref<1000000x64xf32, #tpu.memory_space<hbm>>, %arg7: memref<16384xf32, #tpu.memory_space<hbm>>, %arg8: memref<512xi32, #tpu.memory_space<vmem>>, %arg9: memref<512xi32, #tpu.memory_space<vmem>>, %arg10: memref<80x128xi32, #tpu.memory_space<vmem>>, %arg11: memref<64x64xf32, #tpu.memory_space<vmem>>, %arg12: memref<64x64xf32, #tpu.memory_space<vmem>>, %arg13: memref<1280x64xf32, #tpu.memory_space<vmem>>, %arg14: memref<64xf32, #tpu.memory_space<vmem>>, %arg15: memref<!tpu.dma_semaphore, #tpu.memory_space<semaphore_mem>>) attributes {dimension_semantics = [#tpu.dimension_semantics<core_parallel>, #tpu.dimension_semantics<subcore_parallel>], iteration_bounds = array<i64: 2, 16>, scalar_prefetch = 0 : i64, scratch_operands = 8 : i64, tpu.core_type = #tpu.core_type<sc_vector_subcore>, window_params = [{transform_indices = #map}, {transform_indices = #map}, {transform_indices = #map1}, {transform_indices = #map1}, {transform_indices = #map1}, {transform_indices = #map}]} {
    %mul3A = arith.constant 2 : i32
    %mul3A_0 = arith.muli %arg1, %mul3A : i32
    %add3A = arith.addi %mul3A_0, %arg0 : i32
    %mul3A_1 = arith.constant 512 : i32
    %mul3A_2 = arith.muli %add3A, %mul3A_1 : i32
    "tpu.region"() ({
      %run_scoped3A = tpu.sem_alloc : memref<!tpu.dma_semaphore, #tpu.memory_space<semaphore_mem>>
      %dma_start3A = tpu.memref_slice %arg2[%mul3A_2] : memref<16384xi32, #tpu.memory_space<hbm>> -> memref<512xi32, #tpu.memory_space<hbm>>
      %dma_start3A_9 = tpu.memref_slice %arg2[%mul3A_2] : memref<16384xi32, #tpu.memory_space<hbm>> -> memref<512xi32, #tpu.memory_space<hbm>>
      tpu.enqueue_dma source(%dma_start3A_9 : memref<512xi32, #tpu.memory_space<hbm>>) target(%arg8 : memref<512xi32, #tpu.memory_space<vmem>>) target_semaphore(%run_scoped3A : memref<!tpu.dma_semaphore, #tpu.memory_space<semaphore_mem>>)
      %dma_wait3A = tpu.memref_slice %arg2[%mul3A_2] : memref<16384xi32, #tpu.memory_space<hbm>> -> memref<512xi32, #tpu.memory_space<hbm>>
      %dma_wait3A_10 = tpu.memref_slice %arg2[%mul3A_2] : memref<16384xi32, #tpu.memory_space<hbm>> -> memref<512xi32, #tpu.memory_space<hbm>>
      tpu.wait_dma2 semaphore(%run_scoped3A : memref<!tpu.dma_semaphore, #tpu.memory_space<semaphore_mem>>) src(%dma_wait3A_10 : memref<512xi32, #tpu.memory_space<hbm>>) dst(%arg8 : memref<512xi32, #tpu.memory_space<vmem>>)
      tpu.yield
    }) : () -> ()
    "tpu.region"() ({
      %run_scoped3A = tpu.sem_alloc : memref<!tpu.dma_semaphore, #tpu.memory_space<semaphore_mem>>
      %dma_start3A = tpu.memref_slice %arg3[%mul3A_2] : memref<16384xi32, #tpu.memory_space<hbm>> -> memref<512xi32, #tpu.memory_space<hbm>>
      %dma_start3A_9 = tpu.memref_slice %arg3[%mul3A_2] : memref<16384xi32, #tpu.memory_space<hbm>> -> memref<512xi32, #tpu.memory_space<hbm>>
      tpu.enqueue_dma source(%dma_start3A_9 : memref<512xi32, #tpu.memory_space<hbm>>) target(%arg9 : memref<512xi32, #tpu.memory_space<vmem>>) target_semaphore(%run_scoped3A : memref<!tpu.dma_semaphore, #tpu.memory_space<semaphore_mem>>)
      %dma_wait3A = tpu.memref_slice %arg3[%mul3A_2] : memref<16384xi32, #tpu.memory_space<hbm>> -> memref<512xi32, #tpu.memory_space<hbm>>
      %dma_wait3A_10 = tpu.memref_slice %arg3[%mul3A_2] : memref<16384xi32, #tpu.memory_space<hbm>> -> memref<512xi32, #tpu.memory_space<hbm>>
      tpu.wait_dma2 semaphore(%run_scoped3A : memref<!tpu.dma_semaphore, #tpu.memory_space<semaphore_mem>>) src(%dma_wait3A_10 : memref<512xi32, #tpu.memory_space<hbm>>) dst(%arg9 : memref<512xi32, #tpu.memory_space<vmem>>)
      tpu.yield
    }) : () -> ()
    %mul3A_3 = arith.constant 80 : i32
    %mul3A_4 = arith.muli %add3A, %mul3A_3 : i32
    "tpu.region"() ({
      %run_scoped3A = tpu.sem_alloc : memref<!tpu.dma_semaphore, #tpu.memory_space<semaphore_mem>>
      %dma_start3A = arith.constant 0 : i32
      %dma_start3A_9 = tpu.memref_slice %arg4[%mul3A_4, %dma_start3A] : memref<2560x128xi32, #tpu.memory_space<hbm>> -> memref<80x128xi32, #tpu.memory_space<hbm>>
      %dma_start3A_10 = arith.constant 0 : i32
      %dma_start3A_11 = tpu.memref_slice %arg4[%mul3A_4, %dma_start3A_10] : memref<2560x128xi32, #tpu.memory_space<hbm>> -> memref<80x128xi32, #tpu.memory_space<hbm>>
      tpu.enqueue_dma source(%dma_start3A_11 : memref<80x128xi32, #tpu.memory_space<hbm>>) target(%arg10 : memref<80x128xi32, #tpu.memory_space<vmem>>) target_semaphore(%run_scoped3A : memref<!tpu.dma_semaphore, #tpu.memory_space<semaphore_mem>>)
      %dma_wait3A = arith.constant 0 : i32
      %dma_wait3A_12 = tpu.memref_slice %arg4[%mul3A_4, %dma_wait3A] : memref<2560x128xi32, #tpu.memory_space<hbm>> -> memref<80x128xi32, #tpu.memory_space<hbm>>
      %dma_wait3A_13 = arith.constant 0 : i32
      %dma_wait3A_14 = tpu.memref_slice %arg4[%mul3A_4, %dma_wait3A_13] : memref<2560x128xi32, #tpu.memory_space<hbm>> -> memref<80x128xi32, #tpu.memory_space<hbm>>
      tpu.wait_dma2 semaphore(%run_scoped3A : memref<!tpu.dma_semaphore, #tpu.memory_space<semaphore_mem>>) src(%dma_wait3A_14 : memref<80x128xi32, #tpu.memory_space<hbm>>) dst(%arg10 : memref<80x128xi32, #tpu.memory_space<vmem>>)
      tpu.yield
    }) : () -> ()
    %scan3A = arith.constant 0 : i32
    %scan3A_5 = arith.constant 8 : i32
    %scan3A_6 = arith.addi %scan3A, %scan3A_5 : i32
    %scan3A_7 = arith.constant 1 : i32
    scf.for %scan3A_9 = %scan3A to %scan3A_6 step %scan3A_7  : i32 {
      %mul3A_10 = arith.constant 64 : i32
      %mul3A_11 = arith.muli %scan3A_9, %mul3A_10 : i32
      %add3A_12 = arith.addi %mul3A_2, %mul3A_11 : i32
      %mul3A_13 = arith.constant 64 : i32
      %mul3A_14 = arith.muli %scan3A_9, %mul3A_13 : i32
      %dma_start3A = tpu.memref_slice %arg8[%mul3A_14] : memref<512xi32, #tpu.memory_space<vmem>> -> memref<64xi32, #tpu.memory_space<vmem>>
      %dma_start3A_15 = arith.constant 0 : i32
      %dma_start3A_16 = arith.constant 0 : i32
      %dma_start3A_17 = tpu.memref_slice %arg5[%dma_start3A_15, %dma_start3A_16] : memref<1000000x64xf32, #tpu.memory_space<hbm>> -> memref<1000000x64xf32, #tpu.memory_space<hbm>>
      tpu.enqueue_indirect_dma source(%dma_start3A_17 : memref<1000000x64xf32, #tpu.memory_space<hbm>>) target(%arg11 : memref<64x64xf32, #tpu.memory_space<vmem>>) offsets(%dma_start3A : memref<64xi32, #tpu.memory_space<vmem>>) semaphore(%arg15 : memref<!tpu.dma_semaphore, #tpu.memory_space<semaphore_mem>>)
      %mul3A_18 = arith.constant 64 : i32
      %mul3A_19 = arith.muli %scan3A_9, %mul3A_18 : i32
      %dma_start3A_20 = tpu.memref_slice %arg9[%mul3A_19] : memref<512xi32, #tpu.memory_space<vmem>> -> memref<64xi32, #tpu.memory_space<vmem>>
      %dma_start3A_21 = arith.constant 0 : i32
      %dma_start3A_22 = arith.constant 0 : i32
      %dma_start3A_23 = tpu.memref_slice %arg6[%dma_start3A_21, %dma_start3A_22] : memref<1000000x64xf32, #tpu.memory_space<hbm>> -> memref<1000000x64xf32, #tpu.memory_space<hbm>>
      tpu.enqueue_indirect_dma source(%dma_start3A_23 : memref<1000000x64xf32, #tpu.memory_space<hbm>>) target(%arg12 : memref<64x64xf32, #tpu.memory_space<vmem>>) offsets(%dma_start3A_20 : memref<64xi32, #tpu.memory_space<vmem>>) semaphore(%arg15 : memref<!tpu.dma_semaphore, #tpu.memory_space<semaphore_mem>>)
      %mul3A_24 = arith.constant 10 : i32
      %mul3A_25 = arith.muli %scan3A_9, %mul3A_24 : i32
      %add3A_26 = arith.constant 0 : i32
      %add3A_27 = arith.addi %mul3A_25, %add3A_26 : i32
      %dma_start3A_28 = arith.constant 0 : i32
      %dma_start3A_29 = arith.constant 0 : i32
      %dma_start3A_30 = tpu.memref_slice %arg13[%dma_start3A_28, %dma_start3A_29] : memref<1280x64xf32, #tpu.memory_space<vmem>> -> memref<128x64xf32, #tpu.memory_space<vmem>>
      %dma_start3A_31 = arith.constant 0 : i32
      %dma_start3A_32 = tpu.memref_slice %arg10[%add3A_27, %dma_start3A_31] : memref<80x128xi32, #tpu.memory_space<vmem>> -> memref<1x128xi32, #tpu.memory_space<vmem>>
      %dma_start3A_33 = tpu.memref_squeeze %dma_start3A_32 : memref<1x128xi32, #tpu.memory_space<vmem>> -> memref<128xi32, #tpu.memory_space<vmem>>
      %dma_start3A_34 = arith.constant 0 : i32
      %dma_start3A_35 = arith.constant 0 : i32
      %dma_start3A_36 = tpu.memref_slice %arg6[%dma_start3A_34, %dma_start3A_35] : memref<1000000x64xf32, #tpu.memory_space<hbm>> -> memref<1000000x64xf32, #tpu.memory_space<hbm>>
      tpu.enqueue_indirect_dma source(%dma_start3A_36 : memref<1000000x64xf32, #tpu.memory_space<hbm>>) target(%dma_start3A_30 : memref<128x64xf32, #tpu.memory_space<vmem>>) offsets(%dma_start3A_33 : memref<128xi32, #tpu.memory_space<vmem>>) semaphore(%arg15 : memref<!tpu.dma_semaphore, #tpu.memory_space<semaphore_mem>>)
      %mul3A_37 = arith.constant 10 : i32
      %mul3A_38 = arith.muli %scan3A_9, %mul3A_37 : i32
      %add3A_39 = arith.constant 1 : i32
      %add3A_40 = arith.addi %mul3A_38, %add3A_39 : i32
      %dma_start3A_41 = arith.constant 128 : i32
      %dma_start3A_42 = arith.constant 0 : i32
      %dma_start3A_43 = tpu.memref_slice %arg13[%dma_start3A_41, %dma_start3A_42] : memref<1280x64xf32, #tpu.memory_space<vmem>> -> memref<128x64xf32, #tpu.memory_space<vmem>>
      %dma_start3A_44 = arith.constant 0 : i32
      %dma_start3A_45 = tpu.memref_slice %arg10[%add3A_40, %dma_start3A_44] : memref<80x128xi32, #tpu.memory_space<vmem>> -> memref<1x128xi32, #tpu.memory_space<vmem>>
      %dma_start3A_46 = tpu.memref_squeeze %dma_start3A_45 : memref<1x128xi32, #tpu.memory_space<vmem>> -> memref<128xi32, #tpu.memory_space<vmem>>
      %dma_start3A_47 = arith.constant 0 : i32
      %dma_start3A_48 = arith.constant 0 : i32
      %dma_start3A_49 = tpu.memref_slice %arg6[%dma_start3A_47, %dma_start3A_48] : memref<1000000x64xf32, #tpu.memory_space<hbm>> -> memref<1000000x64xf32, #tpu.memory_space<hbm>>
      tpu.enqueue_indirect_dma source(%dma_start3A_49 : memref<1000000x64xf32, #tpu.memory_space<hbm>>) target(%dma_start3A_43 : memref<128x64xf32, #tpu.memory_space<vmem>>) offsets(%dma_start3A_46 : memref<128xi32, #tpu.memory_space<vmem>>) semaphore(%arg15 : memref<!tpu.dma_semaphore, #tpu.memory_space<semaphore_mem>>)
      %mul3A_50 = arith.constant 10 : i32
      %mul3A_51 = arith.muli %scan3A_9, %mul3A_50 : i32
      %add3A_52 = arith.constant 2 : i32
      %add3A_53 = arith.addi %mul3A_51, %add3A_52 : i32
      %dma_start3A_54 = arith.constant 256 : i32
      %dma_start3A_55 = arith.constant 0 : i32
      %dma_start3A_56 = tpu.memref_slice %arg13[%dma_start3A_54, %dma_start3A_55] : memref<1280x64xf32, #tpu.memory_space<vmem>> -> memref<128x64xf32, #tpu.memory_space<vmem>>
      %dma_start3A_57 = arith.constant 0 : i32
      %dma_start3A_58 = tpu.memref_slice %arg10[%add3A_53, %dma_start3A_57] : memref<80x128xi32, #tpu.memory_space<vmem>> -> memref<1x128xi32, #tpu.memory_space<vmem>>
      %dma_start3A_59 = tpu.memref_squeeze %dma_start3A_58 : memref<1x128xi32, #tpu.memory_space<vmem>> -> memref<128xi32, #tpu.memory_space<vmem>>
      %dma_start3A_60 = arith.constant 0 : i32
      %dma_start3A_61 = arith.constant 0 : i32
      %dma_start3A_62 = tpu.memref_slice %arg6[%dma_start3A_60, %dma_start3A_61] : memref<1000000x64xf32, #tpu.memory_space<hbm>> -> memref<1000000x64xf32, #tpu.memory_space<hbm>>
      tpu.enqueue_indirect_dma source(%dma_start3A_62 : memref<1000000x64xf32, #tpu.memory_space<hbm>>) target(%dma_start3A_56 : memref<128x64xf32, #tpu.memory_space<vmem>>) offsets(%dma_start3A_59 : memref<128xi32, #tpu.memory_space<vmem>>) semaphore(%arg15 : memref<!tpu.dma_semaphore, #tpu.memory_space<semaphore_mem>>)
      %mul3A_63 = arith.constant 10 : i32
      %mul3A_64 = arith.muli %scan3A_9, %mul3A_63 : i32
      %add3A_65 = arith.constant 3 : i32
      %add3A_66 = arith.addi %mul3A_64, %add3A_65 : i32
      %dma_start3A_67 = arith.constant 384 : i32
      %dma_start3A_68 = arith.constant 0 : i32
      %dma_start3A_69 = tpu.memref_slice %arg13[%dma_start3A_67, %dma_start3A_68] : memref<1280x64xf32, #tpu.memory_space<vmem>> -> memref<128x64xf32, #tpu.memory_space<vmem>>
      %dma_start3A_70 = arith.constant 0 : i32
      %dma_start3A_71 = tpu.memref_slice %arg10[%add3A_66, %dma_start3A_70] : memref<80x128xi32, #tpu.memory_space<vmem>> -> memref<1x128xi32, #tpu.memory_space<vmem>>
      %dma_start3A_72 = tpu.memref_squeeze %dma_start3A_71 : memref<1x128xi32, #tpu.memory_space<vmem>> -> memref<128xi32, #tpu.memory_space<vmem>>
      %dma_start3A_73 = arith.constant 0 : i32
      %dma_start3A_74 = arith.constant 0 : i32
      %dma_start3A_75 = tpu.memref_slice %arg6[%dma_start3A_73, %dma_start3A_74] : memref<1000000x64xf32, #tpu.memory_space<hbm>> -> memref<1000000x64xf32, #tpu.memory_space<hbm>>
      tpu.enqueue_indirect_dma source(%dma_start3A_75 : memref<1000000x64xf32, #tpu.memory_space<hbm>>) target(%dma_start3A_69 : memref<128x64xf32, #tpu.memory_space<vmem>>) offsets(%dma_start3A_72 : memref<128xi32, #tpu.memory_space<vmem>>) semaphore(%arg15 : memref<!tpu.dma_semaphore, #tpu.memory_space<semaphore_mem>>)
      %mul3A_76 = arith.constant 10 : i32
      %mul3A_77 = arith.muli %scan3A_9, %mul3A_76 : i32
      %add3A_78 = arith.constant 4 : i32
      %add3A_79 = arith.addi %mul3A_77, %add3A_78 : i32
      %dma_start3A_80 = arith.constant 512 : i32
      %dma_start3A_81 = arith.constant 0 : i32
      %dma_start3A_82 = tpu.memref_slice %arg13[%dma_start3A_80, %dma_start3A_81] : memref<1280x64xf32, #tpu.memory_space<vmem>> -> memref<128x64xf32, #tpu.memory_space<vmem>>
      %dma_start3A_83 = arith.constant 0 : i32
      %dma_start3A_84 = tpu.memref_slice %arg10[%add3A_79, %dma_start3A_83] : memref<80x128xi32, #tpu.memory_space<vmem>> -> memref<1x128xi32, #tpu.memory_space<vmem>>
      %dma_start3A_85 = tpu.memref_squeeze %dma_start3A_84 : memref<1x128xi32, #tpu.memory_space<vmem>> -> memref<128xi32, #tpu.memory_space<vmem>>
      %dma_start3A_86 = arith.constant 0 : i32
      %dma_start3A_87 = arith.constant 0 : i32
      %dma_start3A_88 = tpu.memref_slice %arg6[%dma_start3A_86, %dma_start3A_87] : memref<1000000x64xf32, #tpu.memory_space<hbm>> -> memref<1000000x64xf32, #tpu.memory_space<hbm>>
      tpu.enqueue_indirect_dma source(%dma_start3A_88 : memref<1000000x64xf32, #tpu.memory_space<hbm>>) target(%dma_start3A_82 : memref<128x64xf32, #tpu.memory_space<vmem>>) offsets(%dma_start3A_85 : memref<128xi32, #tpu.memory_space<vmem>>) semaphore(%arg15 : memref<!tpu.dma_semaphore, #tpu.memory_space<semaphore_mem>>)
      %mul3A_89 = arith.constant 10 : i32
      %mul3A_90 = arith.muli %scan3A_9, %mul3A_89 : i32
      %add3A_91 = arith.constant 5 : i32
      %add3A_92 = arith.addi %mul3A_90, %add3A_91 : i32
      %dma_start3A_93 = arith.constant 640 : i32
      %dma_start3A_94 = arith.constant 0 : i32
      %dma_start3A_95 = tpu.memref_slice %arg13[%dma_start3A_93, %dma_start3A_94] : memref<1280x64xf32, #tpu.memory_space<vmem>> -> memref<128x64xf32, #tpu.memory_space<vmem>>
      %dma_start3A_96 = arith.constant 0 : i32
      %dma_start3A_97 = tpu.memref_slice %arg10[%add3A_92, %dma_start3A_96] : memref<80x128xi32, #tpu.memory_space<vmem>> -> memref<1x128xi32, #tpu.memory_space<vmem>>
      %dma_start3A_98 = tpu.memref_squeeze %dma_start3A_97 : memref<1x128xi32, #tpu.memory_space<vmem>> -> memref<128xi32, #tpu.memory_space<vmem>>
      %dma_start3A_99 = arith.constant 0 : i32
      %dma_start3A_100 = arith.constant 0 : i32
      %dma_start3A_101 = tpu.memref_slice %arg6[%dma_start3A_99, %dma_start3A_100] : memref<1000000x64xf32, #tpu.memory_space<hbm>> -> memref<1000000x64xf32, #tpu.memory_space<hbm>>
      tpu.enqueue_indirect_dma source(%dma_start3A_101 : memref<1000000x64xf32, #tpu.memory_space<hbm>>) target(%dma_start3A_95 : memref<128x64xf32, #tpu.memory_space<vmem>>) offsets(%dma_start3A_98 : memref<128xi32, #tpu.memory_space<vmem>>) semaphore(%arg15 : memref<!tpu.dma_semaphore, #tpu.memory_space<semaphore_mem>>)
      %mul3A_102 = arith.constant 10 : i32
      %mul3A_103 = arith.muli %scan3A_9, %mul3A_102 : i32
      %add3A_104 = arith.constant 6 : i32
      %add3A_105 = arith.addi %mul3A_103, %add3A_104 : i32
      %dma_start3A_106 = arith.constant 768 : i32
      %dma_start3A_107 = arith.constant 0 : i32
      %dma_start3A_108 = tpu.memref_slice %arg13[%dma_start3A_106, %dma_start3A_107] : memref<1280x64xf32, #tpu.memory_space<vmem>> -> memref<128x64xf32, #tpu.memory_space<vmem>>
      %dma_start3A_109 = arith.constant 0 : i32
      %dma_start3A_110 = tpu.memref_slice %arg10[%add3A_105, %dma_start3A_109] : memref<80x128xi32, #tpu.memory_space<vmem>> -> memref<1x128xi32, #tpu.memory_space<vmem>>
      %dma_start3A_111 = tpu.memref_squeeze %dma_start3A_110 : memref<1x128xi32, #tpu.memory_space<vmem>> -> memref<128xi32, #tpu.memory_space<vmem>>
      %dma_start3A_112 = arith.constant 0 : i32
      %dma_start3A_113 = arith.constant 0 : i32
      %dma_start3A_114 = tpu.memref_slice %arg6[%dma_start3A_112, %dma_start3A_113] : memref<1000000x64xf32, #tpu.memory_space<hbm>> -> memref<1000000x64xf32, #tpu.memory_space<hbm>>
      tpu.enqueue_indirect_dma source(%dma_start3A_114 : memref<1000000x64xf32, #tpu.memory_space<hbm>>) target(%dma_start3A_108 : memref<128x64xf32, #tpu.memory_space<vmem>>) offsets(%dma_start3A_111 : memref<128xi32, #tpu.memory_space<vmem>>) semaphore(%arg15 : memref<!tpu.dma_semaphore, #tpu.memory_space<semaphore_mem>>)
      %mul3A_115 = arith.constant 10 : i32
      %mul3A_116 = arith.muli %scan3A_9, %mul3A_115 : i32
      %add3A_117 = arith.constant 7 : i32
      %add3A_118 = arith.addi %mul3A_116, %add3A_117 : i32
      %dma_start3A_119 = arith.constant 896 : i32
      %dma_start3A_120 = arith.constant 0 : i32
      %dma_start3A_121 = tpu.memref_slice %arg13[%dma_start3A_119, %dma_start3A_120] : memref<1280x64xf32, #tpu.memory_space<vmem>> -> memref<128x64xf32, #tpu.memory_space<vmem>>
      %dma_start3A_122 = arith.constant 0 : i32
      %dma_start3A_123 = tpu.memref_slice %arg10[%add3A_118, %dma_start3A_122] : memref<80x128xi32, #tpu.memory_space<vmem>> -> memref<1x128xi32, #tpu.memory_space<vmem>>
      %dma_start3A_124 = tpu.memref_squeeze %dma_start3A_123 : memref<1x128xi32, #tpu.memory_space<vmem>> -> memref<128xi32, #tpu.memory_space<vmem>>
      %dma_start3A_125 = arith.constant 0 : i32
      %dma_start3A_126 = arith.constant 0 : i32
      %dma_start3A_127 = tpu.memref_slice %arg6[%dma_start3A_125, %dma_start3A_126] : memref<1000000x64xf32, #tpu.memory_space<hbm>> -> memref<1000000x64xf32, #tpu.memory_space<hbm>>
      tpu.enqueue_indirect_dma source(%dma_start3A_127 : memref<1000000x64xf32, #tpu.memory_space<hbm>>) target(%dma_start3A_121 : memref<128x64xf32, #tpu.memory_space<vmem>>) offsets(%dma_start3A_124 : memref<128xi32, #tpu.memory_space<vmem>>) semaphore(%arg15 : memref<!tpu.dma_semaphore, #tpu.memory_space<semaphore_mem>>)
      %mul3A_128 = arith.constant 10 : i32
      %mul3A_129 = arith.muli %scan3A_9, %mul3A_128 : i32
      %add3A_130 = arith.constant 8 : i32
      %add3A_131 = arith.addi %mul3A_129, %add3A_130 : i32
      %dma_start3A_132 = arith.constant 1024 : i32
      %dma_start3A_133 = arith.constant 0 : i32
      %dma_start3A_134 = tpu.memref_slice %arg13[%dma_start3A_132, %dma_start3A_133] : memref<1280x64xf32, #tpu.memory_space<vmem>> -> memref<128x64xf32, #tpu.memory_space<vmem>>
      %dma_start3A_135 = arith.constant 0 : i32
      %dma_start3A_136 = tpu.memref_slice %arg10[%add3A_131, %dma_start3A_135] : memref<80x128xi32, #tpu.memory_space<vmem>> -> memref<1x128xi32, #tpu.memory_space<vmem>>
      %dma_start3A_137 = tpu.memref_squeeze %dma_start3A_136 : memref<1x128xi32, #tpu.memory_space<vmem>> -> memref<128xi32, #tpu.memory_space<vmem>>
      %dma_start3A_138 = arith.constant 0 : i32
      %dma_start3A_139 = arith.constant 0 : i32
      %dma_start3A_140 = tpu.memref_slice %arg6[%dma_start3A_138, %dma_start3A_139] : memref<1000000x64xf32, #tpu.memory_space<hbm>> -> memref<1000000x64xf32, #tpu.memory_space<hbm>>
      tpu.enqueue_indirect_dma source(%dma_start3A_140 : memref<1000000x64xf32, #tpu.memory_space<hbm>>) target(%dma_start3A_134 : memref<128x64xf32, #tpu.memory_space<vmem>>) offsets(%dma_start3A_137 : memref<128xi32, #tpu.memory_space<vmem>>) semaphore(%arg15 : memref<!tpu.dma_semaphore, #tpu.memory_space<semaphore_mem>>)
      %mul3A_141 = arith.constant 10 : i32
      %mul3A_142 = arith.muli %scan3A_9, %mul3A_141 : i32
      %add3A_143 = arith.constant 9 : i32
      %add3A_144 = arith.addi %mul3A_142, %add3A_143 : i32
      %dma_start3A_145 = arith.constant 1152 : i32
      %dma_start3A_146 = arith.constant 0 : i32
      %dma_start3A_147 = tpu.memref_slice %arg13[%dma_start3A_145, %dma_start3A_146] : memref<1280x64xf32, #tpu.memory_space<vmem>> -> memref<128x64xf32, #tpu.memory_space<vmem>>
      %dma_start3A_148 = arith.constant 0 : i32
      %dma_start3A_149 = tpu.memref_slice %arg10[%add3A_144, %dma_start3A_148] : memref<80x128xi32, #tpu.memory_space<vmem>> -> memref<1x128xi32, #tpu.memory_space<vmem>>
      %dma_start3A_150 = tpu.memref_squeeze %dma_start3A_149 : memref<1x128xi32, #tpu.memory_space<vmem>> -> memref<128xi32, #tpu.memory_space<vmem>>
      %dma_start3A_151 = arith.constant 0 : i32
      %dma_start3A_152 = arith.constant 0 : i32
      %dma_start3A_153 = tpu.memref_slice %arg6[%dma_start3A_151, %dma_start3A_152] : memref<1000000x64xf32, #tpu.memory_space<hbm>> -> memref<1000000x64xf32, #tpu.memory_space<hbm>>
      tpu.enqueue_indirect_dma source(%dma_start3A_153 : memref<1000000x64xf32, #tpu.memory_space<hbm>>) target(%dma_start3A_147 : memref<128x64xf32, #tpu.memory_space<vmem>>) offsets(%dma_start3A_150 : memref<128xi32, #tpu.memory_space<vmem>>) semaphore(%arg15 : memref<!tpu.dma_semaphore, #tpu.memory_space<semaphore_mem>>)
      %dma_wait3A = tpu.memref_slice %arg8[%mul3A_14] : memref<512xi32, #tpu.memory_space<vmem>> -> memref<64xi32, #tpu.memory_space<vmem>>
      %dma_wait3A_154 = arith.constant 0 : i32
      %dma_wait3A_155 = arith.constant 0 : i32
      %dma_wait3A_156 = tpu.memref_slice %arg5[%dma_wait3A_154, %dma_wait3A_155] : memref<1000000x64xf32, #tpu.memory_space<hbm>> -> memref<1000000x64xf32, #tpu.memory_space<hbm>>
      tpu.wait_indirect_dma semaphore(%arg15 : memref<!tpu.dma_semaphore, #tpu.memory_space<semaphore_mem>>) src(%dma_wait3A_156 : memref<1000000x64xf32, #tpu.memory_space<hbm>>) dst(%arg11 : memref<64x64xf32, #tpu.memory_space<vmem>>)
      %dma_wait3A_157 = tpu.memref_slice %arg9[%mul3A_19] : memref<512xi32, #tpu.memory_space<vmem>> -> memref<64xi32, #tpu.memory_space<vmem>>
      %dma_wait3A_158 = arith.constant 0 : i32
      %dma_wait3A_159 = arith.constant 0 : i32
      %dma_wait3A_160 = tpu.memref_slice %arg6[%dma_wait3A_158, %dma_wait3A_159] : memref<1000000x64xf32, #tpu.memory_space<hbm>> -> memref<1000000x64xf32, #tpu.memory_space<hbm>>
      tpu.wait_indirect_dma semaphore(%arg15 : memref<!tpu.dma_semaphore, #tpu.memory_space<semaphore_mem>>) src(%dma_wait3A_160 : memref<1000000x64xf32, #tpu.memory_space<hbm>>) dst(%arg12 : memref<64x64xf32, #tpu.memory_space<vmem>>)
      %dma_wait3A_161 = arith.constant 0 : i32
      %dma_wait3A_162 = arith.constant 0 : i32
      %dma_wait3A_163 = tpu.memref_slice %arg13[%dma_wait3A_161, %dma_wait3A_162] : memref<1280x64xf32, #tpu.memory_space<vmem>> -> memref<128x64xf32, #tpu.memory_space<vmem>>
      %dma_wait3A_164 = arith.constant 0 : i32
      %dma_wait3A_165 = tpu.memref_slice %arg10[%add3A_27, %dma_wait3A_164] : memref<80x128xi32, #tpu.memory_space<vmem>> -> memref<1x128xi32, #tpu.memory_space<vmem>>
      %dma_wait3A_166 = tpu.memref_squeeze %dma_wait3A_165 : memref<1x128xi32, #tpu.memory_space<vmem>> -> memref<128xi32, #tpu.memory_space<vmem>>
      %dma_wait3A_167 = arith.constant 0 : i32
      %dma_wait3A_168 = arith.constant 0 : i32
      %dma_wait3A_169 = tpu.memref_slice %arg6[%dma_wait3A_167, %dma_wait3A_168] : memref<1000000x64xf32, #tpu.memory_space<hbm>> -> memref<1000000x64xf32, #tpu.memory_space<hbm>>
      tpu.wait_indirect_dma semaphore(%arg15 : memref<!tpu.dma_semaphore, #tpu.memory_space<semaphore_mem>>) src(%dma_wait3A_169 : memref<1000000x64xf32, #tpu.memory_space<hbm>>) dst(%dma_wait3A_163 : memref<128x64xf32, #tpu.memory_space<vmem>>)
      %dma_wait3A_170 = arith.constant 128 : i32
      %dma_wait3A_171 = arith.constant 0 : i32
      %dma_wait3A_172 = tpu.memref_slice %arg13[%dma_wait3A_170, %dma_wait3A_171] : memref<1280x64xf32, #tpu.memory_space<vmem>> -> memref<128x64xf32, #tpu.memory_space<vmem>>
      %dma_wait3A_173 = arith.constant 0 : i32
      %dma_wait3A_174 = tpu.memref_slice %arg10[%add3A_40, %dma_wait3A_173] : memref<80x128xi32, #tpu.memory_space<vmem>> -> memref<1x128xi32, #tpu.memory_space<vmem>>
      %dma_wait3A_175 = tpu.memref_squeeze %dma_wait3A_174 : memref<1x128xi32, #tpu.memory_space<vmem>> -> memref<128xi32, #tpu.memory_space<vmem>>
      %dma_wait3A_176 = arith.constant 0 : i32
      %dma_wait3A_177 = arith.constant 0 : i32
      %dma_wait3A_178 = tpu.memref_slice %arg6[%dma_wait3A_176, %dma_wait3A_177] : memref<1000000x64xf32, #tpu.memory_space<hbm>> -> memref<1000000x64xf32, #tpu.memory_space<hbm>>
      tpu.wait_indirect_dma semaphore(%arg15 : memref<!tpu.dma_semaphore, #tpu.memory_space<semaphore_mem>>) src(%dma_wait3A_178 : memref<1000000x64xf32, #tpu.memory_space<hbm>>) dst(%dma_wait3A_172 : memref<128x64xf32, #tpu.memory_space<vmem>>)
      %dma_wait3A_179 = arith.constant 256 : i32
      %dma_wait3A_180 = arith.constant 0 : i32
      %dma_wait3A_181 = tpu.memref_slice %arg13[%dma_wait3A_179, %dma_wait3A_180] : memref<1280x64xf32, #tpu.memory_space<vmem>> -> memref<128x64xf32, #tpu.memory_space<vmem>>
      %dma_wait3A_182 = arith.constant 0 : i32
      %dma_wait3A_183 = tpu.memref_slice %arg10[%add3A_53, %dma_wait3A_182] : memref<80x128xi32, #tpu.memory_space<vmem>> -> memref<1x128xi32, #tpu.memory_space<vmem>>
      %dma_wait3A_184 = tpu.memref_squeeze %dma_wait3A_183 : memref<1x128xi32, #tpu.memory_space<vmem>> -> memref<128xi32, #tpu.memory_space<vmem>>
      %dma_wait3A_185 = arith.constant 0 : i32
      %dma_wait3A_186 = arith.constant 0 : i32
      %dma_wait3A_187 = tpu.memref_slice %arg6[%dma_wait3A_185, %dma_wait3A_186] : memref<1000000x64xf32, #tpu.memory_space<hbm>> -> memref<1000000x64xf32, #tpu.memory_space<hbm>>
      tpu.wait_indirect_dma semaphore(%arg15 : memref<!tpu.dma_semaphore, #tpu.memory_space<semaphore_mem>>) src(%dma_wait3A_187 : memref<1000000x64xf32, #tpu.memory_space<hbm>>) dst(%dma_wait3A_181 : memref<128x64xf32, #tpu.memory_space<vmem>>)
      %dma_wait3A_188 = arith.constant 384 : i32
      %dma_wait3A_189 = arith.constant 0 : i32
      %dma_wait3A_190 = tpu.memref_slice %arg13[%dma_wait3A_188, %dma_wait3A_189] : memref<1280x64xf32, #tpu.memory_space<vmem>> -> memref<128x64xf32, #tpu.memory_space<vmem>>
      %dma_wait3A_191 = arith.constant 0 : i32
      %dma_wait3A_192 = tpu.memref_slice %arg10[%add3A_66, %dma_wait3A_191] : memref<80x128xi32, #tpu.memory_space<vmem>> -> memref<1x128xi32, #tpu.memory_space<vmem>>
      %dma_wait3A_193 = tpu.memref_squeeze %dma_wait3A_192 : memref<1x128xi32, #tpu.memory_space<vmem>> -> memref<128xi32, #tpu.memory_space<vmem>>
      %dma_wait3A_194 = arith.constant 0 : i32
      %dma_wait3A_195 = arith.constant 0 : i32
      %dma_wait3A_196 = tpu.memref_slice %arg6[%dma_wait3A_194, %dma_wait3A_195] : memref<1000000x64xf32, #tpu.memory_space<hbm>> -> memref<1000000x64xf32, #tpu.memory_space<hbm>>
      tpu.wait_indirect_dma semaphore(%arg15 : memref<!tpu.dma_semaphore, #tpu.memory_space<semaphore_mem>>) src(%dma_wait3A_196 : memref<1000000x64xf32, #tpu.memory_space<hbm>>) dst(%dma_wait3A_190 : memref<128x64xf32, #tpu.memory_space<vmem>>)
      %dma_wait3A_197 = arith.constant 512 : i32
      %dma_wait3A_198 = arith.constant 0 : i32
      %dma_wait3A_199 = tpu.memref_slice %arg13[%dma_wait3A_197, %dma_wait3A_198] : memref<1280x64xf32, #tpu.memory_space<vmem>> -> memref<128x64xf32, #tpu.memory_space<vmem>>
      %dma_wait3A_200 = arith.constant 0 : i32
      %dma_wait3A_201 = tpu.memref_slice %arg10[%add3A_79, %dma_wait3A_200] : memref<80x128xi32, #tpu.memory_space<vmem>> -> memref<1x128xi32, #tpu.memory_space<vmem>>
      %dma_wait3A_202 = tpu.memref_squeeze %dma_wait3A_201 : memref<1x128xi32, #tpu.memory_space<vmem>> -> memref<128xi32, #tpu.memory_space<vmem>>
      %dma_wait3A_203 = arith.constant 0 : i32
      %dma_wait3A_204 = arith.constant 0 : i32
      %dma_wait3A_205 = tpu.memref_slice %arg6[%dma_wait3A_203, %dma_wait3A_204] : memref<1000000x64xf32, #tpu.memory_space<hbm>> -> memref<1000000x64xf32, #tpu.memory_space<hbm>>
      tpu.wait_indirect_dma semaphore(%arg15 : memref<!tpu.dma_semaphore, #tpu.memory_space<semaphore_mem>>) src(%dma_wait3A_205 : memref<1000000x64xf32, #tpu.memory_space<hbm>>) dst(%dma_wait3A_199 : memref<128x64xf32, #tpu.memory_space<vmem>>)
      %dma_wait3A_206 = arith.constant 640 : i32
      %dma_wait3A_207 = arith.constant 0 : i32
      %dma_wait3A_208 = tpu.memref_slice %arg13[%dma_wait3A_206, %dma_wait3A_207] : memref<1280x64xf32, #tpu.memory_space<vmem>> -> memref<128x64xf32, #tpu.memory_space<vmem>>
      %dma_wait3A_209 = arith.constant 0 : i32
      %dma_wait3A_210 = tpu.memref_slice %arg10[%add3A_92, %dma_wait3A_209] : memref<80x128xi32, #tpu.memory_space<vmem>> -> memref<1x128xi32, #tpu.memory_space<vmem>>
      %dma_wait3A_211 = tpu.memref_squeeze %dma_wait3A_210 : memref<1x128xi32, #tpu.memory_space<vmem>> -> memref<128xi32, #tpu.memory_space<vmem>>
      %dma_wait3A_212 = arith.constant 0 : i32
      %dma_wait3A_213 = arith.constant 0 : i32
      %dma_wait3A_214 = tpu.memref_slice %arg6[%dma_wait3A_212, %dma_wait3A_213] : memref<1000000x64xf32, #tpu.memory_space<hbm>> -> memref<1000000x64xf32, #tpu.memory_space<hbm>>
      tpu.wait_indirect_dma semaphore(%arg15 : memref<!tpu.dma_semaphore, #tpu.memory_space<semaphore_mem>>) src(%dma_wait3A_214 : memref<1000000x64xf32, #tpu.memory_space<hbm>>) dst(%dma_wait3A_208 : memref<128x64xf32, #tpu.memory_space<vmem>>)
      %dma_wait3A_215 = arith.constant 768 : i32
      %dma_wait3A_216 = arith.constant 0 : i32
      %dma_wait3A_217 = tpu.memref_slice %arg13[%dma_wait3A_215, %dma_wait3A_216] : memref<1280x64xf32, #tpu.memory_space<vmem>> -> memref<128x64xf32, #tpu.memory_space<vmem>>
      %dma_wait3A_218 = arith.constant 0 : i32
      %dma_wait3A_219 = tpu.memref_slice %arg10[%add3A_105, %dma_wait3A_218] : memref<80x128xi32, #tpu.memory_space<vmem>> -> memref<1x128xi32, #tpu.memory_space<vmem>>
      %dma_wait3A_220 = tpu.memref_squeeze %dma_wait3A_219 : memref<1x128xi32, #tpu.memory_space<vmem>> -> memref<128xi32, #tpu.memory_space<vmem>>
      %dma_wait3A_221 = arith.constant 0 : i32
      %dma_wait3A_222 = arith.constant 0 : i32
      %dma_wait3A_223 = tpu.memref_slice %arg6[%dma_wait3A_221, %dma_wait3A_222] : memref<1000000x64xf32, #tpu.memory_space<hbm>> -> memref<1000000x64xf32, #tpu.memory_space<hbm>>
      tpu.wait_indirect_dma semaphore(%arg15 : memref<!tpu.dma_semaphore, #tpu.memory_space<semaphore_mem>>) src(%dma_wait3A_223 : memref<1000000x64xf32, #tpu.memory_space<hbm>>) dst(%dma_wait3A_217 : memref<128x64xf32, #tpu.memory_space<vmem>>)
      %dma_wait3A_224 = arith.constant 896 : i32
      %dma_wait3A_225 = arith.constant 0 : i32
      %dma_wait3A_226 = tpu.memref_slice %arg13[%dma_wait3A_224, %dma_wait3A_225] : memref<1280x64xf32, #tpu.memory_space<vmem>> -> memref<128x64xf32, #tpu.memory_space<vmem>>
      %dma_wait3A_227 = arith.constant 0 : i32
      %dma_wait3A_228 = tpu.memref_slice %arg10[%add3A_118, %dma_wait3A_227] : memref<80x128xi32, #tpu.memory_space<vmem>> -> memref<1x128xi32, #tpu.memory_space<vmem>>
      %dma_wait3A_229 = tpu.memref_squeeze %dma_wait3A_228 : memref<1x128xi32, #tpu.memory_space<vmem>> -> memref<128xi32, #tpu.memory_space<vmem>>
      %dma_wait3A_230 = arith.constant 0 : i32
      %dma_wait3A_231 = arith.constant 0 : i32
      %dma_wait3A_232 = tpu.memref_slice %arg6[%dma_wait3A_230, %dma_wait3A_231] : memref<1000000x64xf32, #tpu.memory_space<hbm>> -> memref<1000000x64xf32, #tpu.memory_space<hbm>>
      tpu.wait_indirect_dma semaphore(%arg15 : memref<!tpu.dma_semaphore, #tpu.memory_space<semaphore_mem>>) src(%dma_wait3A_232 : memref<1000000x64xf32, #tpu.memory_space<hbm>>) dst(%dma_wait3A_226 : memref<128x64xf32, #tpu.memory_space<vmem>>)
      %dma_wait3A_233 = arith.constant 1024 : i32
      %dma_wait3A_234 = arith.constant 0 : i32
      %dma_wait3A_235 = tpu.memref_slice %arg13[%dma_wait3A_233, %dma_wait3A_234] : memref<1280x64xf32, #tpu.memory_space<vmem>> -> memref<128x64xf32, #tpu.memory_space<vmem>>
      %dma_wait3A_236 = arith.constant 0 : i32
      %dma_wait3A_237 = tpu.memref_slice %arg10[%add3A_131, %dma_wait3A_236] : memref<80x128xi32, #tpu.memory_space<vmem>> -> memref<1x128xi32, #tpu.memory_space<vmem>>
      %dma_wait3A_238 = tpu.memref_squeeze %dma_wait3A_237 : memref<1x128xi32, #tpu.memory_space<vmem>> -> memref<128xi32, #tpu.memory_space<vmem>>
      %dma_wait3A_239 = arith.constant 0 : i32
      %dma_wait3A_240 = arith.constant 0 : i32
      %dma_wait3A_241 = tpu.memref_slice %arg6[%dma_wait3A_239, %dma_wait3A_240] : memref<1000000x64xf32, #tpu.memory_space<hbm>> -> memref<1000000x64xf32, #tpu.memory_space<hbm>>
      tpu.wait_indirect_dma semaphore(%arg15 : memref<!tpu.dma_semaphore, #tpu.memory_space<semaphore_mem>>) src(%dma_wait3A_241 : memref<1000000x64xf32, #tpu.memory_space<hbm>>) dst(%dma_wait3A_235 : memref<128x64xf32, #tpu.memory_space<vmem>>)
      %dma_wait3A_242 = arith.constant 1152 : i32
      %dma_wait3A_243 = arith.constant 0 : i32
      %dma_wait3A_244 = tpu.memref_slice %arg13[%dma_wait3A_242, %dma_wait3A_243] : memref<1280x64xf32, #tpu.memory_space<vmem>> -> memref<128x64xf32, #tpu.memory_space<vmem>>
      %dma_wait3A_245 = arith.constant 0 : i32
      %dma_wait3A_246 = tpu.memref_slice %arg10[%add3A_144, %dma_wait3A_245] : memref<80x128xi32, #tpu.memory_space<vmem>> -> memref<1x128xi32, #tpu.memory_space<vmem>>
      %dma_wait3A_247 = tpu.memref_squeeze %dma_wait3A_246 : memref<1x128xi32, #tpu.memory_space<vmem>> -> memref<128xi32, #tpu.memory_space<vmem>>
      %dma_wait3A_248 = arith.constant 0 : i32
      %dma_wait3A_249 = arith.constant 0 : i32
      %dma_wait3A_250 = tpu.memref_slice %arg6[%dma_wait3A_248, %dma_wait3A_249] : memref<1000000x64xf32, #tpu.memory_space<hbm>> -> memref<1000000x64xf32, #tpu.memory_space<hbm>>
      tpu.wait_indirect_dma semaphore(%arg15 : memref<!tpu.dma_semaphore, #tpu.memory_space<semaphore_mem>>) src(%dma_wait3A_250 : memref<1000000x64xf32, #tpu.memory_space<hbm>>) dst(%dma_wait3A_244 : memref<128x64xf32, #tpu.memory_space<vmem>>)
      %broadcast_in_dim3A = arith.constant 0.000000e+00 : f32
      %broadcast_in_dim3A_251 = vector.broadcast %broadcast_in_dim3A : f32 to vector<16xf32>
      %iota3A = tpu.iota {dimensions = array<i32: 0>} : vector<16xi32>
      %scan3A_252 = arith.constant 0 : i32
      %scan3A_253 = arith.constant 4 : i32
      %scan3A_254 = arith.addi %scan3A_252, %scan3A_253 : i32
      %scan3A_255 = arith.constant 1 : i32
      scf.for %scan3A_257 = %scan3A_252 to %scan3A_254 step %scan3A_255  : i32 {
        %scan3A_258 = arith.constant 0 : i32
        %scan3A_259 = arith.constant 16 : i32
        %scan3A_260 = arith.addi %scan3A_258, %scan3A_259 : i32
        %scan3A_261 = arith.constant 1 : i32
        %scan3A_262:21 = scf.for %scan3A_1122 = %scan3A_258 to %scan3A_260 step %scan3A_261 iter_args(%scan3A_1123 = %broadcast_in_dim3A_251, %scan3A_1124 = %broadcast_in_dim3A_251, %scan3A_1125 = %broadcast_in_dim3A_251, %scan3A_1126 = %broadcast_in_dim3A_251, %scan3A_1127 = %broadcast_in_dim3A_251, %scan3A_1128 = %broadcast_in_dim3A_251, %scan3A_1129 = %broadcast_in_dim3A_251, %scan3A_1130 = %broadcast_in_dim3A_251, %scan3A_1131 = %broadcast_in_dim3A_251, %scan3A_1132 = %broadcast_in_dim3A_251, %scan3A_1133 = %broadcast_in_dim3A_251, %scan3A_1134 = %broadcast_in_dim3A_251, %scan3A_1135 = %broadcast_in_dim3A_251, %scan3A_1136 = %broadcast_in_dim3A_251, %scan3A_1137 = %broadcast_in_dim3A_251, %scan3A_1138 = %broadcast_in_dim3A_251, %scan3A_1139 = %broadcast_in_dim3A_251, %scan3A_1140 = %broadcast_in_dim3A_251, %scan3A_1141 = %broadcast_in_dim3A_251, %scan3A_1142 = %broadcast_in_dim3A_251, %scan3A_1143 = %broadcast_in_dim3A_251) -> (vector<16xf32>, vector<16xf32>, vector<16xf32>, vector<16xf32>, vector<16xf32>, vector<16xf32>, vector<16xf32>, vector<16xf32>, vector<16xf32>, vector<16xf32>, vector<16xf32>, vector<16xf32>, vector<16xf32>, vector<16xf32>, vector<16xf32>, vector<16xf32>, vector<16xf32>, vector<16xf32>, vector<16xf32>, vector<16xf32>, vector<16xf32>)  : i32 {
          %mul3A_1144 = arith.constant 16 : i32
          %mul3A_1145 = arith.muli %scan3A_257, %mul3A_1144 : i32
          %add3A_1146 = arith.addi %mul3A_1145, %scan3A_1122 : i32
          %eq3A = vector.broadcast %scan3A_1122 : i32 to vector<16xi32>
          %eq3A_1147 = arith.cmpi eq, %iota3A, %eq3A : vector<16xi32>
          %get3A = arith.index_cast %add3A_1146 : i32 to index
          %get3A_1148 = arith.constant 0 : index
          %get3A_1149 = tpu.vector_load %arg11[%get3A, %get3A_1148] {strides = array<i32>} : memref<64x64xf32, #tpu.memory_space<vmem>>, vector<16xf32>,
          %get3A_1150 = arith.index_cast %add3A_1146 : i32 to index
          %get3A_1151 = arith.constant 16 : index
          %get3A_1152 = tpu.vector_load %arg11[%get3A_1150, %get3A_1151] {strides = array<i32>} : memref<64x64xf32, #tpu.memory_space<vmem>>, vector<16xf32>,
          %get3A_1153 = arith.index_cast %add3A_1146 : i32 to index
          %get3A_1154 = arith.constant 32 : index
          %get3A_1155 = tpu.vector_load %arg11[%get3A_1153, %get3A_1154] {strides = array<i32>} : memref<64x64xf32, #tpu.memory_space<vmem>>, vector<16xf32>,
          %get3A_1156 = arith.index_cast %add3A_1146 : i32 to index
          %get3A_1157 = arith.constant 48 : index
          %get3A_1158 = tpu.vector_load %arg11[%get3A_1156, %get3A_1157] {strides = array<i32>} : memref<64x64xf32, #tpu.memory_space<vmem>>, vector<16xf32>,
          %get3A_1159 = arith.index_cast %add3A_1146 : i32 to index
          %get3A_1160 = arith.constant 0 : index
          %get3A_1161 = tpu.vector_load %arg12[%get3A_1159, %get3A_1160] {strides = array<i32>} : memref<64x64xf32, #tpu.memory_space<vmem>>, vector<16xf32>,
          %mul3A_1162 = arith.mulf %get3A_1149, %get3A_1161 : vector<16xf32>
          %get3A_1163 = arith.index_cast %add3A_1146 : i32 to index
          %get3A_1164 = arith.constant 16 : index
          %get3A_1165 = tpu.vector_load %arg12[%get3A_1163, %get3A_1164] {strides = array<i32>} : memref<64x64xf32, #tpu.memory_space<vmem>>, vector<16xf32>,
          %mul3A_1166 = arith.mulf %get3A_1152, %get3A_1165 : vector<16xf32>
          %add3A_1167 = arith.addf %mul3A_1162, %mul3A_1166 : vector<16xf32>
          %get3A_1168 = arith.index_cast %add3A_1146 : i32 to index
          %get3A_1169 = arith.constant 32 : index
          %get3A_1170 = tpu.vector_load %arg12[%get3A_1168, %get3A_1169] {strides = array<i32>} : memref<64x64xf32, #tpu.memory_space<vmem>>, vector<16xf32>,
          %mul3A_1171 = arith.mulf %get3A_1155, %get3A_1170 : vector<16xf32>
          %add3A_1172 = arith.addf %add3A_1167, %mul3A_1171 : vector<16xf32>
          %get3A_1173 = arith.index_cast %add3A_1146 : i32 to index
          %get3A_1174 = arith.constant 48 : index
          %get3A_1175 = tpu.vector_load %arg12[%get3A_1173, %get3A_1174] {strides = array<i32>} : memref<64x64xf32, #tpu.memory_space<vmem>>, vector<16xf32>,
          %mul3A_1176 = arith.mulf %get3A_1158, %get3A_1175 : vector<16xf32>
          %add3A_1177 = arith.addf %add3A_1172, %mul3A_1176 : vector<16xf32>
          %reduce_sum3A = arith.constant true
          %reduce_sum3A_1178 = vector.broadcast %reduce_sum3A : i1 to vector<16xi1>
          %reduce_sum3A_1179 = tpu.scan <sum>, %add3A_1177 masked %reduce_sum3A_1178 : vector<16xf32>, vector<16xi1> -> vector<16xf32>
          %reduce_sum3A_1180 = vector.extract %reduce_sum3A_1179[15] : f32 from vector<16xf32>
          %broadcast_in_dim3A_1181 = vector.broadcast %reduce_sum3A_1180 : f32 to vector<16xf32>
          %select_n3A = arith.select %eq3A_1147, %broadcast_in_dim3A_1181, %scan3A_1123 : vector<16xi1>, vector<16xf32>
          %mul3A_1182 = arith.constant 20 : i32
          %mul3A_1183 = arith.muli %add3A_1146, %mul3A_1182 : i32
          %add3A_1184 = arith.constant 0 : i32
          %add3A_1185 = arith.addi %mul3A_1183, %add3A_1184 : i32
          %get3A_1186 = arith.index_cast %add3A_1185 : i32 to index
          %get3A_1187 = arith.constant 0 : index
          %get3A_1188 = tpu.vector_load %arg13[%get3A_1186, %get3A_1187] {strides = array<i32>} : memref<1280x64xf32, #tpu.memory_space<vmem>>, vector<16xf32>,
          %mul3A_1189 = arith.mulf %get3A_1149, %get3A_1188 : vector<16xf32>
          %get3A_1190 = arith.index_cast %add3A_1185 : i32 to index
          %get3A_1191 = arith.constant 16 : index
          %get3A_1192 = tpu.vector_load %arg13[%get3A_1190, %get3A_1191] {strides = array<i32>} : memref<1280x64xf32, #tpu.memory_space<vmem>>, vector<16xf32>,
          %mul3A_1193 = arith.mulf %get3A_1152, %get3A_1192 : vector<16xf32>
          %add3A_1194 = arith.addf %mul3A_1189, %mul3A_1193 : vector<16xf32>
          %get3A_1195 = arith.index_cast %add3A_1185 : i32 to index
          %get3A_1196 = arith.constant 32 : index
          %get3A_1197 = tpu.vector_load %arg13[%get3A_1195, %get3A_1196] {strides = array<i32>} : memref<1280x64xf32, #tpu.memory_space<vmem>>, vector<16xf32>,
          %mul3A_1198 = arith.mulf %get3A_1155, %get3A_1197 : vector<16xf32>
          %add3A_1199 = arith.addf %add3A_1194, %mul3A_1198 : vector<16xf32>
          %get3A_1200 = arith.index_cast %add3A_1185 : i32 to index
          %get3A_1201 = arith.constant 48 : index
          %get3A_1202 = tpu.vector_load %arg13[%get3A_1200, %get3A_1201] {strides = array<i32>} : memref<1280x64xf32, #tpu.memory_space<vmem>>, vector<16xf32>,
          %mul3A_1203 = arith.mulf %get3A_1158, %get3A_1202 : vector<16xf32>
          %add3A_1204 = arith.addf %add3A_1199, %mul3A_1203 : vector<16xf32>
          %reduce_sum3A_1205 = arith.constant true
          %reduce_sum3A_1206 = vector.broadcast %reduce_sum3A_1205 : i1 to vector<16xi1>
          %reduce_sum3A_1207 = tpu.scan <sum>, %add3A_1204 masked %reduce_sum3A_1206 : vector<16xf32>, vector<16xi1> -> vector<16xf32>
          %reduce_sum3A_1208 = vector.extract %reduce_sum3A_1207[15] : f32 from vector<16xf32>
          %broadcast_in_dim3A_1209 = vector.broadcast %reduce_sum3A_1208 : f32 to vector<16xf32>
          %select_n3A_1210 = arith.select %eq3A_1147, %broadcast_in_dim3A_1209, %scan3A_1124 : vector<16xi1>, vector<16xf32>
          %mul3A_1211 = arith.constant 20 : i32
          %mul3A_1212 = arith.muli %add3A_1146, %mul3A_1211 : i32
          %add3A_1213 = arith.constant 1 : i32
          %add3A_1214 = arith.addi %mul3A_1212, %add3A_1213 : i32
          %get3A_1215 = arith.index_cast %add3A_1214 : i32 to index
          %get3A_1216 = arith.constant 0 : index
          %get3A_1217 = tpu.vector_load %arg13[%get3A_1215, %get3A_1216] {strides = array<i32>} : memref<1280x64xf32, #tpu.memory_space<vmem>>, vector<16xf32>,
          %mul3A_1218 = arith.mulf %get3A_1149, %get3A_1217 : vector<16xf32>
          %get3A_1219 = arith.index_cast %add3A_1214 : i32 to index
          %get3A_1220 = arith.constant 16 : index
          %get3A_1221 = tpu.vector_load %arg13[%get3A_1219, %get3A_1220] {strides = array<i32>} : memref<1280x64xf32, #tpu.memory_space<vmem>>, vector<16xf32>,
          %mul3A_1222 = arith.mulf %get3A_1152, %get3A_1221 : vector<16xf32>
          %add3A_1223 = arith.addf %mul3A_1218, %mul3A_1222 : vector<16xf32>
          %get3A_1224 = arith.index_cast %add3A_1214 : i32 to index
          %get3A_1225 = arith.constant 32 : index
          %get3A_1226 = tpu.vector_load %arg13[%get3A_1224, %get3A_1225] {strides = array<i32>} : memref<1280x64xf32, #tpu.memory_space<vmem>>, vector<16xf32>,
          %mul3A_1227 = arith.mulf %get3A_1155, %get3A_1226 : vector<16xf32>
          %add3A_1228 = arith.addf %add3A_1223, %mul3A_1227 : vector<16xf32>
          %get3A_1229 = arith.index_cast %add3A_1214 : i32 to index
          %get3A_1230 = arith.constant 48 : index
          %get3A_1231 = tpu.vector_load %arg13[%get3A_1229, %get3A_1230] {strides = array<i32>} : memref<1280x64xf32, #tpu.memory_space<vmem>>, vector<16xf32>,
          %mul3A_1232 = arith.mulf %get3A_1158, %get3A_1231 : vector<16xf32>
          %add3A_1233 = arith.addf %add3A_1228, %mul3A_1232 : vector<16xf32>
          %reduce_sum3A_1234 = arith.constant true
          %reduce_sum3A_1235 = vector.broadcast %reduce_sum3A_1234 : i1 to vector<16xi1>
          %reduce_sum3A_1236 = tpu.scan <sum>, %add3A_1233 masked %reduce_sum3A_1235 : vector<16xf32>, vector<16xi1> -> vector<16xf32>
          %reduce_sum3A_1237 = vector.extract %reduce_sum3A_1236[15] : f32 from vector<16xf32>
          %broadcast_in_dim3A_1238 = vector.broadcast %reduce_sum3A_1237 : f32 to vector<16xf32>
          %select_n3A_1239 = arith.select %eq3A_1147, %broadcast_in_dim3A_1238, %scan3A_1125 : vector<16xi1>, vector<16xf32>
          %mul3A_1240 = arith.constant 20 : i32
          %mul3A_1241 = arith.muli %add3A_1146, %mul3A_1240 : i32
          %add3A_1242 = arith.constant 2 : i32
          %add3A_1243 = arith.addi %mul3A_1241, %add3A_1242 : i32
          %get3A_1244 = arith.index_cast %add3A_1243 : i32 to index
          %get3A_1245 = arith.constant 0 : index
          %get3A_1246 = tpu.vector_load %arg13[%get3A_1244, %get3A_1245] {strides = array<i32>} : memref<1280x64xf32, #tpu.memory_space<vmem>>, vector<16xf32>,
          %mul3A_1247 = arith.mulf %get3A_1149, %get3A_1246 : vector<16xf32>
          %get3A_1248 = arith.index_cast %add3A_1243 : i32 to index
          %get3A_1249 = arith.constant 16 : index
          %get3A_1250 = tpu.vector_load %arg13[%get3A_1248, %get3A_1249] {strides = array<i32>} : memref<1280x64xf32, #tpu.memory_space<vmem>>, vector<16xf32>,
          %mul3A_1251 = arith.mulf %get3A_1152, %get3A_1250 : vector<16xf32>
          %add3A_1252 = arith.addf %mul3A_1247, %mul3A_1251 : vector<16xf32>
          %get3A_1253 = arith.index_cast %add3A_1243 : i32 to index
          %get3A_1254 = arith.constant 32 : index
          %get3A_1255 = tpu.vector_load %arg13[%get3A_1253, %get3A_1254] {strides = array<i32>} : memref<1280x64xf32, #tpu.memory_space<vmem>>, vector<16xf32>,
          %mul3A_1256 = arith.mulf %get3A_1155, %get3A_1255 : vector<16xf32>
          %add3A_1257 = arith.addf %add3A_1252, %mul3A_1256 : vector<16xf32>
          %get3A_1258 = arith.index_cast %add3A_1243 : i32 to index
          %get3A_1259 = arith.constant 48 : index
          %get3A_1260 = tpu.vector_load %arg13[%get3A_1258, %get3A_1259] {strides = array<i32>} : memref<1280x64xf32, #tpu.memory_space<vmem>>, vector<16xf32>,
          %mul3A_1261 = arith.mulf %get3A_1158, %get3A_1260 : vector<16xf32>
          %add3A_1262 = arith.addf %add3A_1257, %mul3A_1261 : vector<16xf32>
          %reduce_sum3A_1263 = arith.constant true
          %reduce_sum3A_1264 = vector.broadcast %reduce_sum3A_1263 : i1 to vector<16xi1>
          %reduce_sum3A_1265 = tpu.scan <sum>, %add3A_1262 masked %reduce_sum3A_1264 : vector<16xf32>, vector<16xi1> -> vector<16xf32>
          %reduce_sum3A_1266 = vector.extract %reduce_sum3A_1265[15] : f32 from vector<16xf32>
          %broadcast_in_dim3A_1267 = vector.broadcast %reduce_sum3A_1266 : f32 to vector<16xf32>
          %select_n3A_1268 = arith.select %eq3A_1147, %broadcast_in_dim3A_1267, %scan3A_1126 : vector<16xi1>, vector<16xf32>
          %mul3A_1269 = arith.constant 20 : i32
          %mul3A_1270 = arith.muli %add3A_1146, %mul3A_1269 : i32
          %add3A_1271 = arith.constant 3 : i32
          %add3A_1272 = arith.addi %mul3A_1270, %add3A_1271 : i32
          %get3A_1273 = arith.index_cast %add3A_1272 : i32 to index
          %get3A_1274 = arith.constant 0 : index
          %get3A_1275 = tpu.vector_load %arg13[%get3A_1273, %get3A_1274] {strides = array<i32>} : memref<1280x64xf32, #tpu.memory_space<vmem>>, vector<16xf32>,
          %mul3A_1276 = arith.mulf %get3A_1149, %get3A_1275 : vector<16xf32>
          %get3A_1277 = arith.index_cast %add3A_1272 : i32 to index
          %get3A_1278 = arith.constant 16 : index
          %get3A_1279 = tpu.vector_load %arg13[%get3A_1277, %get3A_1278] {strides = array<i32>} : memref<1280x64xf32, #tpu.memory_space<vmem>>, vector<16xf32>,
          %mul3A_1280 = arith.mulf %get3A_1152, %get3A_1279 : vector<16xf32>
          %add3A_1281 = arith.addf %mul3A_1276, %mul3A_1280 : vector<16xf32>
          %get3A_1282 = arith.index_cast %add3A_1272 : i32 to index
          %get3A_1283 = arith.constant 32 : index
          %get3A_1284 = tpu.vector_load %arg13[%get3A_1282, %get3A_1283] {strides = array<i32>} : memref<1280x64xf32, #tpu.memory_space<vmem>>, vector<16xf32>,
          %mul3A_1285 = arith.mulf %get3A_1155, %get3A_1284 : vector<16xf32>
          %add3A_1286 = arith.addf %add3A_1281, %mul3A_1285 : vector<16xf32>
          %get3A_1287 = arith.index_cast %add3A_1272 : i32 to index
          %get3A_1288 = arith.constant 48 : index
          %get3A_1289 = tpu.vector_load %arg13[%get3A_1287, %get3A_1288] {strides = array<i32>} : memref<1280x64xf32, #tpu.memory_space<vmem>>, vector<16xf32>,
          %mul3A_1290 = arith.mulf %get3A_1158, %get3A_1289 : vector<16xf32>
          %add3A_1291 = arith.addf %add3A_1286, %mul3A_1290 : vector<16xf32>
          %reduce_sum3A_1292 = arith.constant true
          %reduce_sum3A_1293 = vector.broadcast %reduce_sum3A_1292 : i1 to vector<16xi1>
          %reduce_sum3A_1294 = tpu.scan <sum>, %add3A_1291 masked %reduce_sum3A_1293 : vector<16xf32>, vector<16xi1> -> vector<16xf32>
          %reduce_sum3A_1295 = vector.extract %reduce_sum3A_1294[15] : f32 from vector<16xf32>
          %broadcast_in_dim3A_1296 = vector.broadcast %reduce_sum3A_1295 : f32 to vector<16xf32>
          %select_n3A_1297 = arith.select %eq3A_1147, %broadcast_in_dim3A_1296, %scan3A_1127 : vector<16xi1>, vector<16xf32>
          %mul3A_1298 = arith.constant 20 : i32
          %mul3A_1299 = arith.muli %add3A_1146, %mul3A_1298 : i32
          %add3A_1300 = arith.constant 4 : i32
          %add3A_1301 = arith.addi %mul3A_1299, %add3A_1300 : i32
          %get3A_1302 = arith.index_cast %add3A_1301 : i32 to index
          %get3A_1303 = arith.constant 0 : index
          %get3A_1304 = tpu.vector_load %arg13[%get3A_1302, %get3A_1303] {strides = array<i32>} : memref<1280x64xf32, #tpu.memory_space<vmem>>, vector<16xf32>,
          %mul3A_1305 = arith.mulf %get3A_1149, %get3A_1304 : vector<16xf32>
          %get3A_1306 = arith.index_cast %add3A_1301 : i32 to index
          %get3A_1307 = arith.constant 16 : index
          %get3A_1308 = tpu.vector_load %arg13[%get3A_1306, %get3A_1307] {strides = array<i32>} : memref<1280x64xf32, #tpu.memory_space<vmem>>, vector<16xf32>,
          %mul3A_1309 = arith.mulf %get3A_1152, %get3A_1308 : vector<16xf32>
          %add3A_1310 = arith.addf %mul3A_1305, %mul3A_1309 : vector<16xf32>
          %get3A_1311 = arith.index_cast %add3A_1301 : i32 to index
          %get3A_1312 = arith.constant 32 : index
          %get3A_1313 = tpu.vector_load %arg13[%get3A_1311, %get3A_1312] {strides = array<i32>} : memref<1280x64xf32, #tpu.memory_space<vmem>>, vector<16xf32>,
          %mul3A_1314 = arith.mulf %get3A_1155, %get3A_1313 : vector<16xf32>
          %add3A_1315 = arith.addf %add3A_1310, %mul3A_1314 : vector<16xf32>
          %get3A_1316 = arith.index_cast %add3A_1301 : i32 to index
          %get3A_1317 = arith.constant 48 : index
          %get3A_1318 = tpu.vector_load %arg13[%get3A_1316, %get3A_1317] {strides = array<i32>} : memref<1280x64xf32, #tpu.memory_space<vmem>>, vector<16xf32>,
          %mul3A_1319 = arith.mulf %get3A_1158, %get3A_1318 : vector<16xf32>
          %add3A_1320 = arith.addf %add3A_1315, %mul3A_1319 : vector<16xf32>
          %reduce_sum3A_1321 = arith.constant true
          %reduce_sum3A_1322 = vector.broadcast %reduce_sum3A_1321 : i1 to vector<16xi1>
          %reduce_sum3A_1323 = tpu.scan <sum>, %add3A_1320 masked %reduce_sum3A_1322 : vector<16xf32>, vector<16xi1> -> vector<16xf32>
          %reduce_sum3A_1324 = vector.extract %reduce_sum3A_1323[15] : f32 from vector<16xf32>
          %broadcast_in_dim3A_1325 = vector.broadcast %reduce_sum3A_1324 : f32 to vector<16xf32>
          %select_n3A_1326 = arith.select %eq3A_1147, %broadcast_in_dim3A_1325, %scan3A_1128 : vector<16xi1>, vector<16xf32>
          %mul3A_1327 = arith.constant 20 : i32
          %mul3A_1328 = arith.muli %add3A_1146, %mul3A_1327 : i32
          %add3A_1329 = arith.constant 5 : i32
          %add3A_1330 = arith.addi %mul3A_1328, %add3A_1329 : i32
          %get3A_1331 = arith.index_cast %add3A_1330 : i32 to index
          %get3A_1332 = arith.constant 0 : index
          %get3A_1333 = tpu.vector_load %arg13[%get3A_1331, %get3A_1332] {strides = array<i32>} : memref<1280x64xf32, #tpu.memory_space<vmem>>, vector<16xf32>,
          %mul3A_1334 = arith.mulf %get3A_1149, %get3A_1333 : vector<16xf32>
          %get3A_1335 = arith.index_cast %add3A_1330 : i32 to index
          %get3A_1336 = arith.constant 16 : index
          %get3A_1337 = tpu.vector_load %arg13[%get3A_1335, %get3A_1336] {strides = array<i32>} : memref<1280x64xf32, #tpu.memory_space<vmem>>, vector<16xf32>,
          %mul3A_1338 = arith.mulf %get3A_1152, %get3A_1337 : vector<16xf32>
          %add3A_1339 = arith.addf %mul3A_1334, %mul3A_1338 : vector<16xf32>
          %get3A_1340 = arith.index_cast %add3A_1330 : i32 to index
          %get3A_1341 = arith.constant 32 : index
          %get3A_1342 = tpu.vector_load %arg13[%get3A_1340, %get3A_1341] {strides = array<i32>} : memref<1280x64xf32, #tpu.memory_space<vmem>>, vector<16xf32>,
          %mul3A_1343 = arith.mulf %get3A_1155, %get3A_1342 : vector<16xf32>
          %add3A_1344 = arith.addf %add3A_1339, %mul3A_1343 : vector<16xf32>
          %get3A_1345 = arith.index_cast %add3A_1330 : i32 to index
          %get3A_1346 = arith.constant 48 : index
          %get3A_1347 = tpu.vector_load %arg13[%get3A_1345, %get3A_1346] {strides = array<i32>} : memref<1280x64xf32, #tpu.memory_space<vmem>>, vector<16xf32>,
          %mul3A_1348 = arith.mulf %get3A_1158, %get3A_1347 : vector<16xf32>
          %add3A_1349 = arith.addf %add3A_1344, %mul3A_1348 : vector<16xf32>
          %reduce_sum3A_1350 = arith.constant true
          %reduce_sum3A_1351 = vector.broadcast %reduce_sum3A_1350 : i1 to vector<16xi1>
          %reduce_sum3A_1352 = tpu.scan <sum>, %add3A_1349 masked %reduce_sum3A_1351 : vector<16xf32>, vector<16xi1> -> vector<16xf32>
          %reduce_sum3A_1353 = vector.extract %reduce_sum3A_1352[15] : f32 from vector<16xf32>
          %broadcast_in_dim3A_1354 = vector.broadcast %reduce_sum3A_1353 : f32 to vector<16xf32>
          %select_n3A_1355 = arith.select %eq3A_1147, %broadcast_in_dim3A_1354, %scan3A_1129 : vector<16xi1>, vector<16xf32>
          %mul3A_1356 = arith.constant 20 : i32
          %mul3A_1357 = arith.muli %add3A_1146, %mul3A_1356 : i32
          %add3A_1358 = arith.constant 6 : i32
          %add3A_1359 = arith.addi %mul3A_1357, %add3A_1358 : i32
          %get3A_1360 = arith.index_cast %add3A_1359 : i32 to index
          %get3A_1361 = arith.constant 0 : index
          %get3A_1362 = tpu.vector_load %arg13[%get3A_1360, %get3A_1361] {strides = array<i32>} : memref<1280x64xf32, #tpu.memory_space<vmem>>, vector<16xf32>,
          %mul3A_1363 = arith.mulf %get3A_1149, %get3A_1362 : vector<16xf32>
          %get3A_1364 = arith.index_cast %add3A_1359 : i32 to index
          %get3A_1365 = arith.constant 16 : index
          %get3A_1366 = tpu.vector_load %arg13[%get3A_1364, %get3A_1365] {strides = array<i32>} : memref<1280x64xf32, #tpu.memory_space<vmem>>, vector<16xf32>,
          %mul3A_1367 = arith.mulf %get3A_1152, %get3A_1366 : vector<16xf32>
          %add3A_1368 = arith.addf %mul3A_1363, %mul3A_1367 : vector<16xf32>
          %get3A_1369 = arith.index_cast %add3A_1359 : i32 to index
          %get3A_1370 = arith.constant 32 : index
          %get3A_1371 = tpu.vector_load %arg13[%get3A_1369, %get3A_1370] {strides = array<i32>} : memref<1280x64xf32, #tpu.memory_space<vmem>>, vector<16xf32>,
          %mul3A_1372 = arith.mulf %get3A_1155, %get3A_1371 : vector<16xf32>
          %add3A_1373 = arith.addf %add3A_1368, %mul3A_1372 : vector<16xf32>
          %get3A_1374 = arith.index_cast %add3A_1359 : i32 to index
          %get3A_1375 = arith.constant 48 : index
          %get3A_1376 = tpu.vector_load %arg13[%get3A_1374, %get3A_1375] {strides = array<i32>} : memref<1280x64xf32, #tpu.memory_space<vmem>>, vector<16xf32>,
          %mul3A_1377 = arith.mulf %get3A_1158, %get3A_1376 : vector<16xf32>
          %add3A_1378 = arith.addf %add3A_1373, %mul3A_1377 : vector<16xf32>
          %reduce_sum3A_1379 = arith.constant true
          %reduce_sum3A_1380 = vector.broadcast %reduce_sum3A_1379 : i1 to vector<16xi1>
          %reduce_sum3A_1381 = tpu.scan <sum>, %add3A_1378 masked %reduce_sum3A_1380 : vector<16xf32>, vector<16xi1> -> vector<16xf32>
          %reduce_sum3A_1382 = vector.extract %reduce_sum3A_1381[15] : f32 from vector<16xf32>
          %broadcast_in_dim3A_1383 = vector.broadcast %reduce_sum3A_1382 : f32 to vector<16xf32>
          %select_n3A_1384 = arith.select %eq3A_1147, %broadcast_in_dim3A_1383, %scan3A_1130 : vector<16xi1>, vector<16xf32>
          %mul3A_1385 = arith.constant 20 : i32
          %mul3A_1386 = arith.muli %add3A_1146, %mul3A_1385 : i32
          %add3A_1387 = arith.constant 7 : i32
          %add3A_1388 = arith.addi %mul3A_1386, %add3A_1387 : i32
          %get3A_1389 = arith.index_cast %add3A_1388 : i32 to index
          %get3A_1390 = arith.constant 0 : index
          %get3A_1391 = tpu.vector_load %arg13[%get3A_1389, %get3A_1390] {strides = array<i32>} : memref<1280x64xf32, #tpu.memory_space<vmem>>, vector<16xf32>,
          %mul3A_1392 = arith.mulf %get3A_1149, %get3A_1391 : vector<16xf32>
          %get3A_1393 = arith.index_cast %add3A_1388 : i32 to index
          %get3A_1394 = arith.constant 16 : index
          %get3A_1395 = tpu.vector_load %arg13[%get3A_1393, %get3A_1394] {strides = array<i32>} : memref<1280x64xf32, #tpu.memory_space<vmem>>, vector<16xf32>,
          %mul3A_1396 = arith.mulf %get3A_1152, %get3A_1395 : vector<16xf32>
          %add3A_1397 = arith.addf %mul3A_1392, %mul3A_1396 : vector<16xf32>
          %get3A_1398 = arith.index_cast %add3A_1388 : i32 to index
          %get3A_1399 = arith.constant 32 : index
          %get3A_1400 = tpu.vector_load %arg13[%get3A_1398, %get3A_1399] {strides = array<i32>} : memref<1280x64xf32, #tpu.memory_space<vmem>>, vector<16xf32>,
          %mul3A_1401 = arith.mulf %get3A_1155, %get3A_1400 : vector<16xf32>
          %add3A_1402 = arith.addf %add3A_1397, %mul3A_1401 : vector<16xf32>
          %get3A_1403 = arith.index_cast %add3A_1388 : i32 to index
          %get3A_1404 = arith.constant 48 : index
          %get3A_1405 = tpu.vector_load %arg13[%get3A_1403, %get3A_1404] {strides = array<i32>} : memref<1280x64xf32, #tpu.memory_space<vmem>>, vector<16xf32>,
          %mul3A_1406 = arith.mulf %get3A_1158, %get3A_1405 : vector<16xf32>
          %add3A_1407 = arith.addf %add3A_1402, %mul3A_1406 : vector<16xf32>
          %reduce_sum3A_1408 = arith.constant true
          %reduce_sum3A_1409 = vector.broadcast %reduce_sum3A_1408 : i1 to vector<16xi1>
          %reduce_sum3A_1410 = tpu.scan <sum>, %add3A_1407 masked %reduce_sum3A_1409 : vector<16xf32>, vector<16xi1> -> vector<16xf32>
          %reduce_sum3A_1411 = vector.extract %reduce_sum3A_1410[15] : f32 from vector<16xf32>
          %broadcast_in_dim3A_1412 = vector.broadcast %reduce_sum3A_1411 : f32 to vector<16xf32>
          %select_n3A_1413 = arith.select %eq3A_1147, %broadcast_in_dim3A_1412, %scan3A_1131 : vector<16xi1>, vector<16xf32>
          %mul3A_1414 = arith.constant 20 : i32
          %mul3A_1415 = arith.muli %add3A_1146, %mul3A_1414 : i32
          %add3A_1416 = arith.constant 8 : i32
          %add3A_1417 = arith.addi %mul3A_1415, %add3A_1416 : i32
          %get3A_1418 = arith.index_cast %add3A_1417 : i32 to index
          %get3A_1419 = arith.constant 0 : index
          %get3A_1420 = tpu.vector_load %arg13[%get3A_1418, %get3A_1419] {strides = array<i32>} : memref<1280x64xf32, #tpu.memory_space<vmem>>, vector<16xf32>,
          %mul3A_1421 = arith.mulf %get3A_1149, %get3A_1420 : vector<16xf32>
          %get3A_1422 = arith.index_cast %add3A_1417 : i32 to index
          %get3A_1423 = arith.constant 16 : index
          %get3A_1424 = tpu.vector_load %arg13[%get3A_1422, %get3A_1423] {strides = array<i32>} : memref<1280x64xf32, #tpu.memory_space<vmem>>, vector<16xf32>,
          %mul3A_1425 = arith.mulf %get3A_1152, %get3A_1424 : vector<16xf32>
          %add3A_1426 = arith.addf %mul3A_1421, %mul3A_1425 : vector<16xf32>
          %get3A_1427 = arith.index_cast %add3A_1417 : i32 to index
          %get3A_1428 = arith.constant 32 : index
          %get3A_1429 = tpu.vector_load %arg13[%get3A_1427, %get3A_1428] {strides = array<i32>} : memref<1280x64xf32, #tpu.memory_space<vmem>>, vector<16xf32>,
          %mul3A_1430 = arith.mulf %get3A_1155, %get3A_1429 : vector<16xf32>
          %add3A_1431 = arith.addf %add3A_1426, %mul3A_1430 : vector<16xf32>
          %get3A_1432 = arith.index_cast %add3A_1417 : i32 to index
          %get3A_1433 = arith.constant 48 : index
          %get3A_1434 = tpu.vector_load %arg13[%get3A_1432, %get3A_1433] {strides = array<i32>} : memref<1280x64xf32, #tpu.memory_space<vmem>>, vector<16xf32>,
          %mul3A_1435 = arith.mulf %get3A_1158, %get3A_1434 : vector<16xf32>
          %add3A_1436 = arith.addf %add3A_1431, %mul3A_1435 : vector<16xf32>
          %reduce_sum3A_1437 = arith.constant true
          %reduce_sum3A_1438 = vector.broadcast %reduce_sum3A_1437 : i1 to vector<16xi1>
          %reduce_sum3A_1439 = tpu.scan <sum>, %add3A_1436 masked %reduce_sum3A_1438 : vector<16xf32>, vector<16xi1> -> vector<16xf32>
          %reduce_sum3A_1440 = vector.extract %reduce_sum3A_1439[15] : f32 from vector<16xf32>
          %broadcast_in_dim3A_1441 = vector.broadcast %reduce_sum3A_1440 : f32 to vector<16xf32>
          %select_n3A_1442 = arith.select %eq3A_1147, %broadcast_in_dim3A_1441, %scan3A_1132 : vector<16xi1>, vector<16xf32>
          %mul3A_1443 = arith.constant 20 : i32
          %mul3A_1444 = arith.muli %add3A_1146, %mul3A_1443 : i32
          %add3A_1445 = arith.constant 9 : i32
          %add3A_1446 = arith.addi %mul3A_1444, %add3A_1445 : i32
          %get3A_1447 = arith.index_cast %add3A_1446 : i32 to index
          %get3A_1448 = arith.constant 0 : index
          %get3A_1449 = tpu.vector_load %arg13[%get3A_1447, %get3A_1448] {strides = array<i32>} : memref<1280x64xf32, #tpu.memory_space<vmem>>, vector<16xf32>,
          %mul3A_1450 = arith.mulf %get3A_1149, %get3A_1449 : vector<16xf32>
          %get3A_1451 = arith.index_cast %add3A_1446 : i32 to index
          %get3A_1452 = arith.constant 16 : index
          %get3A_1453 = tpu.vector_load %arg13[%get3A_1451, %get3A_1452] {strides = array<i32>} : memref<1280x64xf32, #tpu.memory_space<vmem>>, vector<16xf32>,
          %mul3A_1454 = arith.mulf %get3A_1152, %get3A_1453 : vector<16xf32>
          %add3A_1455 = arith.addf %mul3A_1450, %mul3A_1454 : vector<16xf32>
          %get3A_1456 = arith.index_cast %add3A_1446 : i32 to index
          %get3A_1457 = arith.constant 32 : index
          %get3A_1458 = tpu.vector_load %arg13[%get3A_1456, %get3A_1457] {strides = array<i32>} : memref<1280x64xf32, #tpu.memory_space<vmem>>, vector<16xf32>,
          %mul3A_1459 = arith.mulf %get3A_1155, %get3A_1458 : vector<16xf32>
          %add3A_1460 = arith.addf %add3A_1455, %mul3A_1459 : vector<16xf32>
          %get3A_1461 = arith.index_cast %add3A_1446 : i32 to index
          %get3A_1462 = arith.constant 48 : index
          %get3A_1463 = tpu.vector_load %arg13[%get3A_1461, %get3A_1462] {strides = array<i32>} : memref<1280x64xf32, #tpu.memory_space<vmem>>, vector<16xf32>,
          %mul3A_1464 = arith.mulf %get3A_1158, %get3A_1463 : vector<16xf32>
          %add3A_1465 = arith.addf %add3A_1460, %mul3A_1464 : vector<16xf32>
          %reduce_sum3A_1466 = arith.constant true
          %reduce_sum3A_1467 = vector.broadcast %reduce_sum3A_1466 : i1 to vector<16xi1>
          %reduce_sum3A_1468 = tpu.scan <sum>, %add3A_1465 masked %reduce_sum3A_1467 : vector<16xf32>, vector<16xi1> -> vector<16xf32>
          %reduce_sum3A_1469 = vector.extract %reduce_sum3A_1468[15] : f32 from vector<16xf32>
          %broadcast_in_dim3A_1470 = vector.broadcast %reduce_sum3A_1469 : f32 to vector<16xf32>
          %select_n3A_1471 = arith.select %eq3A_1147, %broadcast_in_dim3A_1470, %scan3A_1133 : vector<16xi1>, vector<16xf32>
          %mul3A_1472 = arith.constant 20 : i32
          %mul3A_1473 = arith.muli %add3A_1146, %mul3A_1472 : i32
          %add3A_1474 = arith.constant 10 : i32
          %add3A_1475 = arith.addi %mul3A_1473, %add3A_1474 : i32
          %get3A_1476 = arith.index_cast %add3A_1475 : i32 to index
          %get3A_1477 = arith.constant 0 : index
          %get3A_1478 = tpu.vector_load %arg13[%get3A_1476, %get3A_1477] {strides = array<i32>} : memref<1280x64xf32, #tpu.memory_space<vmem>>, vector<16xf32>,
          %mul3A_1479 = arith.mulf %get3A_1149, %get3A_1478 : vector<16xf32>
          %get3A_1480 = arith.index_cast %add3A_1475 : i32 to index
          %get3A_1481 = arith.constant 16 : index
          %get3A_1482 = tpu.vector_load %arg13[%get3A_1480, %get3A_1481] {strides = array<i32>} : memref<1280x64xf32, #tpu.memory_space<vmem>>, vector<16xf32>,
          %mul3A_1483 = arith.mulf %get3A_1152, %get3A_1482 : vector<16xf32>
          %add3A_1484 = arith.addf %mul3A_1479, %mul3A_1483 : vector<16xf32>
          %get3A_1485 = arith.index_cast %add3A_1475 : i32 to index
          %get3A_1486 = arith.constant 32 : index
          %get3A_1487 = tpu.vector_load %arg13[%get3A_1485, %get3A_1486] {strides = array<i32>} : memref<1280x64xf32, #tpu.memory_space<vmem>>, vector<16xf32>,
          %mul3A_1488 = arith.mulf %get3A_1155, %get3A_1487 : vector<16xf32>
          %add3A_1489 = arith.addf %add3A_1484, %mul3A_1488 : vector<16xf32>
          %get3A_1490 = arith.index_cast %add3A_1475 : i32 to index
          %get3A_1491 = arith.constant 48 : index
          %get3A_1492 = tpu.vector_load %arg13[%get3A_1490, %get3A_1491] {strides = array<i32>} : memref<1280x64xf32, #tpu.memory_space<vmem>>, vector<16xf32>,
          %mul3A_1493 = arith.mulf %get3A_1158, %get3A_1492 : vector<16xf32>
          %add3A_1494 = arith.addf %add3A_1489, %mul3A_1493 : vector<16xf32>
          %reduce_sum3A_1495 = arith.constant true
          %reduce_sum3A_1496 = vector.broadcast %reduce_sum3A_1495 : i1 to vector<16xi1>
          %reduce_sum3A_1497 = tpu.scan <sum>, %add3A_1494 masked %reduce_sum3A_1496 : vector<16xf32>, vector<16xi1> -> vector<16xf32>
          %reduce_sum3A_1498 = vector.extract %reduce_sum3A_1497[15] : f32 from vector<16xf32>
          %broadcast_in_dim3A_1499 = vector.broadcast %reduce_sum3A_1498 : f32 to vector<16xf32>
          %select_n3A_1500 = arith.select %eq3A_1147, %broadcast_in_dim3A_1499, %scan3A_1134 : vector<16xi1>, vector<16xf32>
          %mul3A_1501 = arith.constant 20 : i32
          %mul3A_1502 = arith.muli %add3A_1146, %mul3A_1501 : i32
          %add3A_1503 = arith.constant 11 : i32
          %add3A_1504 = arith.addi %mul3A_1502, %add3A_1503 : i32
          %get3A_1505 = arith.index_cast %add3A_1504 : i32 to index
          %get3A_1506 = arith.constant 0 : index
          %get3A_1507 = tpu.vector_load %arg13[%get3A_1505, %get3A_1506] {strides = array<i32>} : memref<1280x64xf32, #tpu.memory_space<vmem>>, vector<16xf32>,
          %mul3A_1508 = arith.mulf %get3A_1149, %get3A_1507 : vector<16xf32>
          %get3A_1509 = arith.index_cast %add3A_1504 : i32 to index
          %get3A_1510 = arith.constant 16 : index
          %get3A_1511 = tpu.vector_load %arg13[%get3A_1509, %get3A_1510] {strides = array<i32>} : memref<1280x64xf32, #tpu.memory_space<vmem>>, vector<16xf32>,
          %mul3A_1512 = arith.mulf %get3A_1152, %get3A_1511 : vector<16xf32>
          %add3A_1513 = arith.addf %mul3A_1508, %mul3A_1512 : vector<16xf32>
          %get3A_1514 = arith.index_cast %add3A_1504 : i32 to index
          %get3A_1515 = arith.constant 32 : index
          %get3A_1516 = tpu.vector_load %arg13[%get3A_1514, %get3A_1515] {strides = array<i32>} : memref<1280x64xf32, #tpu.memory_space<vmem>>, vector<16xf32>,
          %mul3A_1517 = arith.mulf %get3A_1155, %get3A_1516 : vector<16xf32>
          %add3A_1518 = arith.addf %add3A_1513, %mul3A_1517 : vector<16xf32>
          %get3A_1519 = arith.index_cast %add3A_1504 : i32 to index
          %get3A_1520 = arith.constant 48 : index
          %get3A_1521 = tpu.vector_load %arg13[%get3A_1519, %get3A_1520] {strides = array<i32>} : memref<1280x64xf32, #tpu.memory_space<vmem>>, vector<16xf32>,
          %mul3A_1522 = arith.mulf %get3A_1158, %get3A_1521 : vector<16xf32>
          %add3A_1523 = arith.addf %add3A_1518, %mul3A_1522 : vector<16xf32>
          %reduce_sum3A_1524 = arith.constant true
          %reduce_sum3A_1525 = vector.broadcast %reduce_sum3A_1524 : i1 to vector<16xi1>
          %reduce_sum3A_1526 = tpu.scan <sum>, %add3A_1523 masked %reduce_sum3A_1525 : vector<16xf32>, vector<16xi1> -> vector<16xf32>
          %reduce_sum3A_1527 = vector.extract %reduce_sum3A_1526[15] : f32 from vector<16xf32>
          %broadcast_in_dim3A_1528 = vector.broadcast %reduce_sum3A_1527 : f32 to vector<16xf32>
          %select_n3A_1529 = arith.select %eq3A_1147, %broadcast_in_dim3A_1528, %scan3A_1135 : vector<16xi1>, vector<16xf32>
          %mul3A_1530 = arith.constant 20 : i32
          %mul3A_1531 = arith.muli %add3A_1146, %mul3A_1530 : i32
          %add3A_1532 = arith.constant 12 : i32
          %add3A_1533 = arith.addi %mul3A_1531, %add3A_1532 : i32
          %get3A_1534 = arith.index_cast %add3A_1533 : i32 to index
          %get3A_1535 = arith.constant 0 : index
          %get3A_1536 = tpu.vector_load %arg13[%get3A_1534, %get3A_1535] {strides = array<i32>} : memref<1280x64xf32, #tpu.memory_space<vmem>>, vector<16xf32>,
          %mul3A_1537 = arith.mulf %get3A_1149, %get3A_1536 : vector<16xf32>
          %get3A_1538 = arith.index_cast %add3A_1533 : i32 to index
          %get3A_1539 = arith.constant 16 : index
          %get3A_1540 = tpu.vector_load %arg13[%get3A_1538, %get3A_1539] {strides = array<i32>} : memref<1280x64xf32, #tpu.memory_space<vmem>>, vector<16xf32>,
          %mul3A_1541 = arith.mulf %get3A_1152, %get3A_1540 : vector<16xf32>
          %add3A_1542 = arith.addf %mul3A_1537, %mul3A_1541 : vector<16xf32>
          %get3A_1543 = arith.index_cast %add3A_1533 : i32 to index
          %get3A_1544 = arith.constant 32 : index
          %get3A_1545 = tpu.vector_load %arg13[%get3A_1543, %get3A_1544] {strides = array<i32>} : memref<1280x64xf32, #tpu.memory_space<vmem>>, vector<16xf32>,
          %mul3A_1546 = arith.mulf %get3A_1155, %get3A_1545 : vector<16xf32>
          %add3A_1547 = arith.addf %add3A_1542, %mul3A_1546 : vector<16xf32>
          %get3A_1548 = arith.index_cast %add3A_1533 : i32 to index
          %get3A_1549 = arith.constant 48 : index
          %get3A_1550 = tpu.vector_load %arg13[%get3A_1548, %get3A_1549] {strides = array<i32>} : memref<1280x64xf32, #tpu.memory_space<vmem>>, vector<16xf32>,
          %mul3A_1551 = arith.mulf %get3A_1158, %get3A_1550 : vector<16xf32>
          %add3A_1552 = arith.addf %add3A_1547, %mul3A_1551 : vector<16xf32>
          %reduce_sum3A_1553 = arith.constant true
          %reduce_sum3A_1554 = vector.broadcast %reduce_sum3A_1553 : i1 to vector<16xi1>
          %reduce_sum3A_1555 = tpu.scan <sum>, %add3A_1552 masked %reduce_sum3A_1554 : vector<16xf32>, vector<16xi1> -> vector<16xf32>
          %reduce_sum3A_1556 = vector.extract %reduce_sum3A_1555[15] : f32 from vector<16xf32>
          %broadcast_in_dim3A_1557 = vector.broadcast %reduce_sum3A_1556 : f32 to vector<16xf32>
          %select_n3A_1558 = arith.select %eq3A_1147, %broadcast_in_dim3A_1557, %scan3A_1136 : vector<16xi1>, vector<16xf32>
          %mul3A_1559 = arith.constant 20 : i32
          %mul3A_1560 = arith.muli %add3A_1146, %mul3A_1559 : i32
          %add3A_1561 = arith.constant 13 : i32
          %add3A_1562 = arith.addi %mul3A_1560, %add3A_1561 : i32
          %get3A_1563 = arith.index_cast %add3A_1562 : i32 to index
          %get3A_1564 = arith.constant 0 : index
          %get3A_1565 = tpu.vector_load %arg13[%get3A_1563, %get3A_1564] {strides = array<i32>} : memref<1280x64xf32, #tpu.memory_space<vmem>>, vector<16xf32>,
          %mul3A_1566 = arith.mulf %get3A_1149, %get3A_1565 : vector<16xf32>
          %get3A_1567 = arith.index_cast %add3A_1562 : i32 to index
          %get3A_1568 = arith.constant 16 : index
          %get3A_1569 = tpu.vector_load %arg13[%get3A_1567, %get3A_1568] {strides = array<i32>} : memref<1280x64xf32, #tpu.memory_space<vmem>>, vector<16xf32>,
          %mul3A_1570 = arith.mulf %get3A_1152, %get3A_1569 : vector<16xf32>
          %add3A_1571 = arith.addf %mul3A_1566, %mul3A_1570 : vector<16xf32>
          %get3A_1572 = arith.index_cast %add3A_1562 : i32 to index
          %get3A_1573 = arith.constant 32 : index
          %get3A_1574 = tpu.vector_load %arg13[%get3A_1572, %get3A_1573] {strides = array<i32>} : memref<1280x64xf32, #tpu.memory_space<vmem>>, vector<16xf32>,
          %mul3A_1575 = arith.mulf %get3A_1155, %get3A_1574 : vector<16xf32>
          %add3A_1576 = arith.addf %add3A_1571, %mul3A_1575 : vector<16xf32>
          %get3A_1577 = arith.index_cast %add3A_1562 : i32 to index
          %get3A_1578 = arith.constant 48 : index
          %get3A_1579 = tpu.vector_load %arg13[%get3A_1577, %get3A_1578] {strides = array<i32>} : memref<1280x64xf32, #tpu.memory_space<vmem>>, vector<16xf32>,
          %mul3A_1580 = arith.mulf %get3A_1158, %get3A_1579 : vector<16xf32>
          %add3A_1581 = arith.addf %add3A_1576, %mul3A_1580 : vector<16xf32>
          %reduce_sum3A_1582 = arith.constant true
          %reduce_sum3A_1583 = vector.broadcast %reduce_sum3A_1582 : i1 to vector<16xi1>
          %reduce_sum3A_1584 = tpu.scan <sum>, %add3A_1581 masked %reduce_sum3A_1583 : vector<16xf32>, vector<16xi1> -> vector<16xf32>
          %reduce_sum3A_1585 = vector.extract %reduce_sum3A_1584[15] : f32 from vector<16xf32>
          %broadcast_in_dim3A_1586 = vector.broadcast %reduce_sum3A_1585 : f32 to vector<16xf32>
          %select_n3A_1587 = arith.select %eq3A_1147, %broadcast_in_dim3A_1586, %scan3A_1137 : vector<16xi1>, vector<16xf32>
          %mul3A_1588 = arith.constant 20 : i32
          %mul3A_1589 = arith.muli %add3A_1146, %mul3A_1588 : i32
          %add3A_1590 = arith.constant 14 : i32
          %add3A_1591 = arith.addi %mul3A_1589, %add3A_1590 : i32
          %get3A_1592 = arith.index_cast %add3A_1591 : i32 to index
          %get3A_1593 = arith.constant 0 : index
          %get3A_1594 = tpu.vector_load %arg13[%get3A_1592, %get3A_1593] {strides = array<i32>} : memref<1280x64xf32, #tpu.memory_space<vmem>>, vector<16xf32>,
          %mul3A_1595 = arith.mulf %get3A_1149, %get3A_1594 : vector<16xf32>
          %get3A_1596 = arith.index_cast %add3A_1591 : i32 to index
          %get3A_1597 = arith.constant 16 : index
          %get3A_1598 = tpu.vector_load %arg13[%get3A_1596, %get3A_1597] {strides = array<i32>} : memref<1280x64xf32, #tpu.memory_space<vmem>>, vector<16xf32>,
          %mul3A_1599 = arith.mulf %get3A_1152, %get3A_1598 : vector<16xf32>
          %add3A_1600 = arith.addf %mul3A_1595, %mul3A_1599 : vector<16xf32>
          %get3A_1601 = arith.index_cast %add3A_1591 : i32 to index
          %get3A_1602 = arith.constant 32 : index
          %get3A_1603 = tpu.vector_load %arg13[%get3A_1601, %get3A_1602] {strides = array<i32>} : memref<1280x64xf32, #tpu.memory_space<vmem>>, vector<16xf32>,
          %mul3A_1604 = arith.mulf %get3A_1155, %get3A_1603 : vector<16xf32>
          %add3A_1605 = arith.addf %add3A_1600, %mul3A_1604 : vector<16xf32>
          %get3A_1606 = arith.index_cast %add3A_1591 : i32 to index
          %get3A_1607 = arith.constant 48 : index
          %get3A_1608 = tpu.vector_load %arg13[%get3A_1606, %get3A_1607] {strides = array<i32>} : memref<1280x64xf32, #tpu.memory_space<vmem>>, vector<16xf32>,
          %mul3A_1609 = arith.mulf %get3A_1158, %get3A_1608 : vector<16xf32>
          %add3A_1610 = arith.addf %add3A_1605, %mul3A_1609 : vector<16xf32>
          %reduce_sum3A_1611 = arith.constant true
          %reduce_sum3A_1612 = vector.broadcast %reduce_sum3A_1611 : i1 to vector<16xi1>
          %reduce_sum3A_1613 = tpu.scan <sum>, %add3A_1610 masked %reduce_sum3A_1612 : vector<16xf32>, vector<16xi1> -> vector<16xf32>
          %reduce_sum3A_1614 = vector.extract %reduce_sum3A_1613[15] : f32 from vector<16xf32>
          %broadcast_in_dim3A_1615 = vector.broadcast %reduce_sum3A_1614 : f32 to vector<16xf32>
          %select_n3A_1616 = arith.select %eq3A_1147, %broadcast_in_dim3A_1615, %scan3A_1138 : vector<16xi1>, vector<16xf32>
          %mul3A_1617 = arith.constant 20 : i32
          %mul3A_1618 = arith.muli %add3A_1146, %mul3A_1617 : i32
          %add3A_1619 = arith.constant 15 : i32
          %add3A_1620 = arith.addi %mul3A_1618, %add3A_1619 : i32
          %get3A_1621 = arith.index_cast %add3A_1620 : i32 to index
          %get3A_1622 = arith.constant 0 : index
          %get3A_1623 = tpu.vector_load %arg13[%get3A_1621, %get3A_1622] {strides = array<i32>} : memref<1280x64xf32, #tpu.memory_space<vmem>>, vector<16xf32>,
          %mul3A_1624 = arith.mulf %get3A_1149, %get3A_1623 : vector<16xf32>
          %get3A_1625 = arith.index_cast %add3A_1620 : i32 to index
          %get3A_1626 = arith.constant 16 : index
          %get3A_1627 = tpu.vector_load %arg13[%get3A_1625, %get3A_1626] {strides = array<i32>} : memref<1280x64xf32, #tpu.memory_space<vmem>>, vector<16xf32>,
          %mul3A_1628 = arith.mulf %get3A_1152, %get3A_1627 : vector<16xf32>
          %add3A_1629 = arith.addf %mul3A_1624, %mul3A_1628 : vector<16xf32>
          %get3A_1630 = arith.index_cast %add3A_1620 : i32 to index
          %get3A_1631 = arith.constant 32 : index
          %get3A_1632 = tpu.vector_load %arg13[%get3A_1630, %get3A_1631] {strides = array<i32>} : memref<1280x64xf32, #tpu.memory_space<vmem>>, vector<16xf32>,
          %mul3A_1633 = arith.mulf %get3A_1155, %get3A_1632 : vector<16xf32>
          %add3A_1634 = arith.addf %add3A_1629, %mul3A_1633 : vector<16xf32>
          %get3A_1635 = arith.index_cast %add3A_1620 : i32 to index
          %get3A_1636 = arith.constant 48 : index
          %get3A_1637 = tpu.vector_load %arg13[%get3A_1635, %get3A_1636] {strides = array<i32>} : memref<1280x64xf32, #tpu.memory_space<vmem>>, vector<16xf32>,
          %mul3A_1638 = arith.mulf %get3A_1158, %get3A_1637 : vector<16xf32>
          %add3A_1639 = arith.addf %add3A_1634, %mul3A_1638 : vector<16xf32>
          %reduce_sum3A_1640 = arith.constant true
          %reduce_sum3A_1641 = vector.broadcast %reduce_sum3A_1640 : i1 to vector<16xi1>
          %reduce_sum3A_1642 = tpu.scan <sum>, %add3A_1639 masked %reduce_sum3A_1641 : vector<16xf32>, vector<16xi1> -> vector<16xf32>
          %reduce_sum3A_1643 = vector.extract %reduce_sum3A_1642[15] : f32 from vector<16xf32>
          %broadcast_in_dim3A_1644 = vector.broadcast %reduce_sum3A_1643 : f32 to vector<16xf32>
          %select_n3A_1645 = arith.select %eq3A_1147, %broadcast_in_dim3A_1644, %scan3A_1139 : vector<16xi1>, vector<16xf32>
          %mul3A_1646 = arith.constant 20 : i32
          %mul3A_1647 = arith.muli %add3A_1146, %mul3A_1646 : i32
          %add3A_1648 = arith.constant 16 : i32
          %add3A_1649 = arith.addi %mul3A_1647, %add3A_1648 : i32
          %get3A_1650 = arith.index_cast %add3A_1649 : i32 to index
          %get3A_1651 = arith.constant 0 : index
          %get3A_1652 = tpu.vector_load %arg13[%get3A_1650, %get3A_1651] {strides = array<i32>} : memref<1280x64xf32, #tpu.memory_space<vmem>>, vector<16xf32>,
          %mul3A_1653 = arith.mulf %get3A_1149, %get3A_1652 : vector<16xf32>
          %get3A_1654 = arith.index_cast %add3A_1649 : i32 to index
          %get3A_1655 = arith.constant 16 : index
          %get3A_1656 = tpu.vector_load %arg13[%get3A_1654, %get3A_1655] {strides = array<i32>} : memref<1280x64xf32, #tpu.memory_space<vmem>>, vector<16xf32>,
          %mul3A_1657 = arith.mulf %get3A_1152, %get3A_1656 : vector<16xf32>
          %add3A_1658 = arith.addf %mul3A_1653, %mul3A_1657 : vector<16xf32>
          %get3A_1659 = arith.index_cast %add3A_1649 : i32 to index
          %get3A_1660 = arith.constant 32 : index
          %get3A_1661 = tpu.vector_load %arg13[%get3A_1659, %get3A_1660] {strides = array<i32>} : memref<1280x64xf32, #tpu.memory_space<vmem>>, vector<16xf32>,
          %mul3A_1662 = arith.mulf %get3A_1155, %get3A_1661 : vector<16xf32>
          %add3A_1663 = arith.addf %add3A_1658, %mul3A_1662 : vector<16xf32>
          %get3A_1664 = arith.index_cast %add3A_1649 : i32 to index
          %get3A_1665 = arith.constant 48 : index
          %get3A_1666 = tpu.vector_load %arg13[%get3A_1664, %get3A_1665] {strides = array<i32>} : memref<1280x64xf32, #tpu.memory_space<vmem>>, vector<16xf32>,
          %mul3A_1667 = arith.mulf %get3A_1158, %get3A_1666 : vector<16xf32>
          %add3A_1668 = arith.addf %add3A_1663, %mul3A_1667 : vector<16xf32>
          %reduce_sum3A_1669 = arith.constant true
          %reduce_sum3A_1670 = vector.broadcast %reduce_sum3A_1669 : i1 to vector<16xi1>
          %reduce_sum3A_1671 = tpu.scan <sum>, %add3A_1668 masked %reduce_sum3A_1670 : vector<16xf32>, vector<16xi1> -> vector<16xf32>
          %reduce_sum3A_1672 = vector.extract %reduce_sum3A_1671[15] : f32 from vector<16xf32>
          %broadcast_in_dim3A_1673 = vector.broadcast %reduce_sum3A_1672 : f32 to vector<16xf32>
          %select_n3A_1674 = arith.select %eq3A_1147, %broadcast_in_dim3A_1673, %scan3A_1140 : vector<16xi1>, vector<16xf32>
          %mul3A_1675 = arith.constant 20 : i32
          %mul3A_1676 = arith.muli %add3A_1146, %mul3A_1675 : i32
          %add3A_1677 = arith.constant 17 : i32
          %add3A_1678 = arith.addi %mul3A_1676, %add3A_1677 : i32
          %get3A_1679 = arith.index_cast %add3A_1678 : i32 to index
          %get3A_1680 = arith.constant 0 : index
          %get3A_1681 = tpu.vector_load %arg13[%get3A_1679, %get3A_1680] {strides = array<i32>} : memref<1280x64xf32, #tpu.memory_space<vmem>>, vector<16xf32>,
          %mul3A_1682 = arith.mulf %get3A_1149, %get3A_1681 : vector<16xf32>
          %get3A_1683 = arith.index_cast %add3A_1678 : i32 to index
          %get3A_1684 = arith.constant 16 : index
          %get3A_1685 = tpu.vector_load %arg13[%get3A_1683, %get3A_1684] {strides = array<i32>} : memref<1280x64xf32, #tpu.memory_space<vmem>>, vector<16xf32>,
          %mul3A_1686 = arith.mulf %get3A_1152, %get3A_1685 : vector<16xf32>
          %add3A_1687 = arith.addf %mul3A_1682, %mul3A_1686 : vector<16xf32>
          %get3A_1688 = arith.index_cast %add3A_1678 : i32 to index
          %get3A_1689 = arith.constant 32 : index
          %get3A_1690 = tpu.vector_load %arg13[%get3A_1688, %get3A_1689] {strides = array<i32>} : memref<1280x64xf32, #tpu.memory_space<vmem>>, vector<16xf32>,
          %mul3A_1691 = arith.mulf %get3A_1155, %get3A_1690 : vector<16xf32>
          %add3A_1692 = arith.addf %add3A_1687, %mul3A_1691 : vector<16xf32>
          %get3A_1693 = arith.index_cast %add3A_1678 : i32 to index
          %get3A_1694 = arith.constant 48 : index
          %get3A_1695 = tpu.vector_load %arg13[%get3A_1693, %get3A_1694] {strides = array<i32>} : memref<1280x64xf32, #tpu.memory_space<vmem>>, vector<16xf32>,
          %mul3A_1696 = arith.mulf %get3A_1158, %get3A_1695 : vector<16xf32>
          %add3A_1697 = arith.addf %add3A_1692, %mul3A_1696 : vector<16xf32>
          %reduce_sum3A_1698 = arith.constant true
          %reduce_sum3A_1699 = vector.broadcast %reduce_sum3A_1698 : i1 to vector<16xi1>
          %reduce_sum3A_1700 = tpu.scan <sum>, %add3A_1697 masked %reduce_sum3A_1699 : vector<16xf32>, vector<16xi1> -> vector<16xf32>
          %reduce_sum3A_1701 = vector.extract %reduce_sum3A_1700[15] : f32 from vector<16xf32>
          %broadcast_in_dim3A_1702 = vector.broadcast %reduce_sum3A_1701 : f32 to vector<16xf32>
          %select_n3A_1703 = arith.select %eq3A_1147, %broadcast_in_dim3A_1702, %scan3A_1141 : vector<16xi1>, vector<16xf32>
          %mul3A_1704 = arith.constant 20 : i32
          %mul3A_1705 = arith.muli %add3A_1146, %mul3A_1704 : i32
          %add3A_1706 = arith.constant 18 : i32
          %add3A_1707 = arith.addi %mul3A_1705, %add3A_1706 : i32
          %get3A_1708 = arith.index_cast %add3A_1707 : i32 to index
          %get3A_1709 = arith.constant 0 : index
          %get3A_1710 = tpu.vector_load %arg13[%get3A_1708, %get3A_1709] {strides = array<i32>} : memref<1280x64xf32, #tpu.memory_space<vmem>>, vector<16xf32>,
          %mul3A_1711 = arith.mulf %get3A_1149, %get3A_1710 : vector<16xf32>
          %get3A_1712 = arith.index_cast %add3A_1707 : i32 to index
          %get3A_1713 = arith.constant 16 : index
          %get3A_1714 = tpu.vector_load %arg13[%get3A_1712, %get3A_1713] {strides = array<i32>} : memref<1280x64xf32, #tpu.memory_space<vmem>>, vector<16xf32>,
          %mul3A_1715 = arith.mulf %get3A_1152, %get3A_1714 : vector<16xf32>
          %add3A_1716 = arith.addf %mul3A_1711, %mul3A_1715 : vector<16xf32>
          %get3A_1717 = arith.index_cast %add3A_1707 : i32 to index
          %get3A_1718 = arith.constant 32 : index
          %get3A_1719 = tpu.vector_load %arg13[%get3A_1717, %get3A_1718] {strides = array<i32>} : memref<1280x64xf32, #tpu.memory_space<vmem>>, vector<16xf32>,
          %mul3A_1720 = arith.mulf %get3A_1155, %get3A_1719 : vector<16xf32>
          %add3A_1721 = arith.addf %add3A_1716, %mul3A_1720 : vector<16xf32>
          %get3A_1722 = arith.index_cast %add3A_1707 : i32 to index
          %get3A_1723 = arith.constant 48 : index
          %get3A_1724 = tpu.vector_load %arg13[%get3A_1722, %get3A_1723] {strides = array<i32>} : memref<1280x64xf32, #tpu.memory_space<vmem>>, vector<16xf32>,
          %mul3A_1725 = arith.mulf %get3A_1158, %get3A_1724 : vector<16xf32>
          %add3A_1726 = arith.addf %add3A_1721, %mul3A_1725 : vector<16xf32>
          %reduce_sum3A_1727 = arith.constant true
          %reduce_sum3A_1728 = vector.broadcast %reduce_sum3A_1727 : i1 to vector<16xi1>
          %reduce_sum3A_1729 = tpu.scan <sum>, %add3A_1726 masked %reduce_sum3A_1728 : vector<16xf32>, vector<16xi1> -> vector<16xf32>
          %reduce_sum3A_1730 = vector.extract %reduce_sum3A_1729[15] : f32 from vector<16xf32>
          %broadcast_in_dim3A_1731 = vector.broadcast %reduce_sum3A_1730 : f32 to vector<16xf32>
          %select_n3A_1732 = arith.select %eq3A_1147, %broadcast_in_dim3A_1731, %scan3A_1142 : vector<16xi1>, vector<16xf32>
          %mul3A_1733 = arith.constant 20 : i32
          %mul3A_1734 = arith.muli %add3A_1146, %mul3A_1733 : i32
          %add3A_1735 = arith.constant 19 : i32
          %add3A_1736 = arith.addi %mul3A_1734, %add3A_1735 : i32
          %get3A_1737 = arith.index_cast %add3A_1736 : i32 to index
          %get3A_1738 = arith.constant 0 : index
          %get3A_1739 = tpu.vector_load %arg13[%get3A_1737, %get3A_1738] {strides = array<i32>} : memref<1280x64xf32, #tpu.memory_space<vmem>>, vector<16xf32>,
          %mul3A_1740 = arith.mulf %get3A_1149, %get3A_1739 : vector<16xf32>
          %get3A_1741 = arith.index_cast %add3A_1736 : i32 to index
          %get3A_1742 = arith.constant 16 : index
          %get3A_1743 = tpu.vector_load %arg13[%get3A_1741, %get3A_1742] {strides = array<i32>} : memref<1280x64xf32, #tpu.memory_space<vmem>>, vector<16xf32>,
          %mul3A_1744 = arith.mulf %get3A_1152, %get3A_1743 : vector<16xf32>
          %add3A_1745 = arith.addf %mul3A_1740, %mul3A_1744 : vector<16xf32>
          %get3A_1746 = arith.index_cast %add3A_1736 : i32 to index
          %get3A_1747 = arith.constant 32 : index
          %get3A_1748 = tpu.vector_load %arg13[%get3A_1746, %get3A_1747] {strides = array<i32>} : memref<1280x64xf32, #tpu.memory_space<vmem>>, vector<16xf32>,
          %mul3A_1749 = arith.mulf %get3A_1155, %get3A_1748 : vector<16xf32>
          %add3A_1750 = arith.addf %add3A_1745, %mul3A_1749 : vector<16xf32>
          %get3A_1751 = arith.index_cast %add3A_1736 : i32 to index
          %get3A_1752 = arith.constant 48 : index
          %get3A_1753 = tpu.vector_load %arg13[%get3A_1751, %get3A_1752] {strides = array<i32>} : memref<1280x64xf32, #tpu.memory_space<vmem>>, vector<16xf32>,
          %mul3A_1754 = arith.mulf %get3A_1158, %get3A_1753 : vector<16xf32>
          %add3A_1755 = arith.addf %add3A_1750, %mul3A_1754 : vector<16xf32>
          %reduce_sum3A_1756 = arith.constant true
          %reduce_sum3A_1757 = vector.broadcast %reduce_sum3A_1756 : i1 to vector<16xi1>
          %reduce_sum3A_1758 = tpu.scan <sum>, %add3A_1755 masked %reduce_sum3A_1757 : vector<16xf32>, vector<16xi1> -> vector<16xf32>
          %reduce_sum3A_1759 = vector.extract %reduce_sum3A_1758[15] : f32 from vector<16xf32>
          %broadcast_in_dim3A_1760 = vector.broadcast %reduce_sum3A_1759 : f32 to vector<16xf32>
          %select_n3A_1761 = arith.select %eq3A_1147, %broadcast_in_dim3A_1760, %scan3A_1143 : vector<16xi1>, vector<16xf32>
          scf.yield %select_n3A, %select_n3A_1210, %select_n3A_1239, %select_n3A_1268, %select_n3A_1297, %select_n3A_1326, %select_n3A_1355, %select_n3A_1384, %select_n3A_1413, %select_n3A_1442, %select_n3A_1471, %select_n3A_1500, %select_n3A_1529, %select_n3A_1558, %select_n3A_1587, %select_n3A_1616, %select_n3A_1645, %select_n3A_1674, %select_n3A_1703, %select_n3A_1732, %select_n3A_1761 : vector<16xf32>, vector<16xf32>, vector<16xf32>, vector<16xf32>, vector<16xf32>, vector<16xf32>, vector<16xf32>, vector<16xf32>, vector<16xf32>, vector<16xf32>, vector<16xf32>, vector<16xf32>, vector<16xf32>, vector<16xf32>, vector<16xf32>, vector<16xf32>, vector<16xf32>, vector<16xf32>, vector<16xf32>, vector<16xf32>, vector<16xf32>
        }
        %scan3A_263 = arith.constant 16 : i32
        %neg3A = arith.constant 0.000000e+00 : f32
        %neg3A_264 = vector.broadcast %neg3A : f32 to vector<16xf32>
        %neg3A_265 = arith.subf %neg3A_264, %scan3A_262#0 : vector<16xf32>
        %max3A = arith.constant 0.000000e+00 : f32
        %max3A_266 = vector.broadcast %max3A : f32 to vector<16xf32>
        %max3A_267 = arith.maximumf %neg3A_265, %max3A_266 : vector<16xf32>
        %abs3A = math.absf %neg3A_265 : vector<16xf32>
        %neg3A_268 = arith.constant 0.000000e+00 : f32
        %neg3A_269 = vector.broadcast %neg3A_268 : f32 to vector<16xf32>
        %neg3A_270 = arith.subf %neg3A_269, %abs3A : vector<16xf32>
        %exp3A = math.exp %neg3A_270 : vector<16xf32>
        %add3A_271 = arith.constant 2.000000e+00 : f32
        %add3A_272 = vector.broadcast %add3A_271 : f32 to vector<16xf32>
        %add3A_273 = arith.addf %exp3A, %add3A_272 : vector<16xf32>
        %div3A = arith.divf %exp3A, %add3A_273 : vector<16xf32>
        %mul3A_274 = arith.mulf %div3A, %div3A : vector<16xf32>
        %mul3A_275 = arith.constant 0.222222224 : f32
        %mul3A_276 = vector.broadcast %mul3A_275 : f32 to vector<16xf32>
        %mul3A_277 = arith.mulf %mul3A_274, %mul3A_276 : vector<16xf32>
        %add3A_278 = arith.constant 0.285714298 : f32
        %add3A_279 = vector.broadcast %add3A_278 : f32 to vector<16xf32>
        %add3A_280 = arith.addf %add3A_279, %mul3A_277 : vector<16xf32>
        %mul3A_281 = arith.mulf %mul3A_274, %add3A_280 : vector<16xf32>
        %add3A_282 = arith.constant 4.000000e-01 : f32
        %add3A_283 = vector.broadcast %add3A_282 : f32 to vector<16xf32>
        %add3A_284 = arith.addf %add3A_283, %mul3A_281 : vector<16xf32>
        %mul3A_285 = arith.mulf %mul3A_274, %add3A_284 : vector<16xf32>
        %add3A_286 = arith.constant 0.666666686 : f32
        %add3A_287 = vector.broadcast %add3A_286 : f32 to vector<16xf32>
        %add3A_288 = arith.addf %add3A_287, %mul3A_285 : vector<16xf32>
        %mul3A_289 = arith.mulf %mul3A_274, %add3A_288 : vector<16xf32>
        %add3A_290 = arith.constant 2.000000e+00 : f32
        %add3A_291 = vector.broadcast %add3A_290 : f32 to vector<16xf32>
        %add3A_292 = arith.addf %add3A_291, %mul3A_289 : vector<16xf32>
        %mul3A_293 = arith.mulf %div3A, %add3A_292 : vector<16xf32>
        %add3A_294 = arith.addf %max3A_267, %mul3A_293 : vector<16xf32>
        %mul3A_295 = arith.constant 1.000000e-01 : f32
        %mul3A_296 = vector.broadcast %mul3A_295 : f32 to vector<16xf32>
        %mul3A_297 = arith.mulf %mul3A_296, %scan3A_262#0 : vector<16xf32>
        %add3A_298 = arith.addf %add3A_294, %mul3A_297 : vector<16xf32>
        %neg3A_299 = arith.constant 0.000000e+00 : f32
        %neg3A_300 = vector.broadcast %neg3A_299 : f32 to vector<16xf32>
        %neg3A_301 = arith.subf %neg3A_300, %scan3A_262#1 : vector<16xf32>
        %max3A_302 = arith.constant 0.000000e+00 : f32
        %max3A_303 = vector.broadcast %max3A_302 : f32 to vector<16xf32>
        %max3A_304 = arith.maximumf %neg3A_301, %max3A_303 : vector<16xf32>
        %abs3A_305 = math.absf %neg3A_301 : vector<16xf32>
        %neg3A_306 = arith.constant 0.000000e+00 : f32
        %neg3A_307 = vector.broadcast %neg3A_306 : f32 to vector<16xf32>
        %neg3A_308 = arith.subf %neg3A_307, %abs3A_305 : vector<16xf32>
        %exp3A_309 = math.exp %neg3A_308 : vector<16xf32>
        %add3A_310 = arith.constant 2.000000e+00 : f32
        %add3A_311 = vector.broadcast %add3A_310 : f32 to vector<16xf32>
        %add3A_312 = arith.addf %exp3A_309, %add3A_311 : vector<16xf32>
        %div3A_313 = arith.divf %exp3A_309, %add3A_312 : vector<16xf32>
        %mul3A_314 = arith.mulf %div3A_313, %div3A_313 : vector<16xf32>
        %mul3A_315 = arith.constant 0.222222224 : f32
        %mul3A_316 = vector.broadcast %mul3A_315 : f32 to vector<16xf32>
        %mul3A_317 = arith.mulf %mul3A_314, %mul3A_316 : vector<16xf32>
        %add3A_318 = arith.constant 0.285714298 : f32
        %add3A_319 = vector.broadcast %add3A_318 : f32 to vector<16xf32>
        %add3A_320 = arith.addf %add3A_319, %mul3A_317 : vector<16xf32>
        %mul3A_321 = arith.mulf %mul3A_314, %add3A_320 : vector<16xf32>
        %add3A_322 = arith.constant 4.000000e-01 : f32
        %add3A_323 = vector.broadcast %add3A_322 : f32 to vector<16xf32>
        %add3A_324 = arith.addf %add3A_323, %mul3A_321 : vector<16xf32>
        %mul3A_325 = arith.mulf %mul3A_314, %add3A_324 : vector<16xf32>
        %add3A_326 = arith.constant 0.666666686 : f32
        %add3A_327 = vector.broadcast %add3A_326 : f32 to vector<16xf32>
        %add3A_328 = arith.addf %add3A_327, %mul3A_325 : vector<16xf32>
        %mul3A_329 = arith.mulf %mul3A_314, %add3A_328 : vector<16xf32>
        %add3A_330 = arith.constant 2.000000e+00 : f32
        %add3A_331 = vector.broadcast %add3A_330 : f32 to vector<16xf32>
        %add3A_332 = arith.addf %add3A_331, %mul3A_329 : vector<16xf32>
        %mul3A_333 = arith.mulf %div3A_313, %add3A_332 : vector<16xf32>
        %add3A_334 = arith.addf %max3A_304, %mul3A_333 : vector<16xf32>
        %add3A_335 = arith.addf %add3A_298, %add3A_334 : vector<16xf32>
        %mul3A_336 = arith.constant 0.899999976 : f32
        %mul3A_337 = vector.broadcast %mul3A_336 : f32 to vector<16xf32>
        %mul3A_338 = arith.mulf %mul3A_337, %scan3A_262#1 : vector<16xf32>
        %add3A_339 = arith.addf %add3A_335, %mul3A_338 : vector<16xf32>
        %neg3A_340 = arith.constant 0.000000e+00 : f32
        %neg3A_341 = vector.broadcast %neg3A_340 : f32 to vector<16xf32>
        %neg3A_342 = arith.subf %neg3A_341, %scan3A_262#2 : vector<16xf32>
        %max3A_343 = arith.constant 0.000000e+00 : f32
        %max3A_344 = vector.broadcast %max3A_343 : f32 to vector<16xf32>
        %max3A_345 = arith.maximumf %neg3A_342, %max3A_344 : vector<16xf32>
        %abs3A_346 = math.absf %neg3A_342 : vector<16xf32>
        %neg3A_347 = arith.constant 0.000000e+00 : f32
        %neg3A_348 = vector.broadcast %neg3A_347 : f32 to vector<16xf32>
        %neg3A_349 = arith.subf %neg3A_348, %abs3A_346 : vector<16xf32>
        %exp3A_350 = math.exp %neg3A_349 : vector<16xf32>
        %add3A_351 = arith.constant 2.000000e+00 : f32
        %add3A_352 = vector.broadcast %add3A_351 : f32 to vector<16xf32>
        %add3A_353 = arith.addf %exp3A_350, %add3A_352 : vector<16xf32>
        %div3A_354 = arith.divf %exp3A_350, %add3A_353 : vector<16xf32>
        %mul3A_355 = arith.mulf %div3A_354, %div3A_354 : vector<16xf32>
        %mul3A_356 = arith.constant 0.222222224 : f32
        %mul3A_357 = vector.broadcast %mul3A_356 : f32 to vector<16xf32>
        %mul3A_358 = arith.mulf %mul3A_355, %mul3A_357 : vector<16xf32>
        %add3A_359 = arith.constant 0.285714298 : f32
        %add3A_360 = vector.broadcast %add3A_359 : f32 to vector<16xf32>
        %add3A_361 = arith.addf %add3A_360, %mul3A_358 : vector<16xf32>
        %mul3A_362 = arith.mulf %mul3A_355, %add3A_361 : vector<16xf32>
        %add3A_363 = arith.constant 4.000000e-01 : f32
        %add3A_364 = vector.broadcast %add3A_363 : f32 to vector<16xf32>
        %add3A_365 = arith.addf %add3A_364, %mul3A_362 : vector<16xf32>
        %mul3A_366 = arith.mulf %mul3A_355, %add3A_365 : vector<16xf32>
        %add3A_367 = arith.constant 0.666666686 : f32
        %add3A_368 = vector.broadcast %add3A_367 : f32 to vector<16xf32>
        %add3A_369 = arith.addf %add3A_368, %mul3A_366 : vector<16xf32>
        %mul3A_370 = arith.mulf %mul3A_355, %add3A_369 : vector<16xf32>
        %add3A_371 = arith.constant 2.000000e+00 : f32
        %add3A_372 = vector.broadcast %add3A_371 : f32 to vector<16xf32>
        %add3A_373 = arith.addf %add3A_372, %mul3A_370 : vector<16xf32>
        %mul3A_374 = arith.mulf %div3A_354, %add3A_373 : vector<16xf32>
        %add3A_375 = arith.addf %max3A_345, %mul3A_374 : vector<16xf32>
        %add3A_376 = arith.addf %add3A_339, %add3A_375 : vector<16xf32>
        %mul3A_377 = arith.constant 0.899999976 : f32
        %mul3A_378 = vector.broadcast %mul3A_377 : f32 to vector<16xf32>
        %mul3A_379 = arith.mulf %mul3A_378, %scan3A_262#2 : vector<16xf32>
        %add3A_380 = arith.addf %add3A_376, %mul3A_379 : vector<16xf32>
        %neg3A_381 = arith.constant 0.000000e+00 : f32
        %neg3A_382 = vector.broadcast %neg3A_381 : f32 to vector<16xf32>
        %neg3A_383 = arith.subf %neg3A_382, %scan3A_262#3 : vector<16xf32>
        %max3A_384 = arith.constant 0.000000e+00 : f32
        %max3A_385 = vector.broadcast %max3A_384 : f32 to vector<16xf32>
        %max3A_386 = arith.maximumf %neg3A_383, %max3A_385 : vector<16xf32>
        %abs3A_387 = math.absf %neg3A_383 : vector<16xf32>
        %neg3A_388 = arith.constant 0.000000e+00 : f32
        %neg3A_389 = vector.broadcast %neg3A_388 : f32 to vector<16xf32>
        %neg3A_390 = arith.subf %neg3A_389, %abs3A_387 : vector<16xf32>
        %exp3A_391 = math.exp %neg3A_390 : vector<16xf32>
        %add3A_392 = arith.constant 2.000000e+00 : f32
        %add3A_393 = vector.broadcast %add3A_392 : f32 to vector<16xf32>
        %add3A_394 = arith.addf %exp3A_391, %add3A_393 : vector<16xf32>
        %div3A_395 = arith.divf %exp3A_391, %add3A_394 : vector<16xf32>
        %mul3A_396 = arith.mulf %div3A_395, %div3A_395 : vector<16xf32>
        %mul3A_397 = arith.constant 0.222222224 : f32
        %mul3A_398 = vector.broadcast %mul3A_397 : f32 to vector<16xf32>
        %mul3A_399 = arith.mulf %mul3A_396, %mul3A_398 : vector<16xf32>
        %add3A_400 = arith.constant 0.285714298 : f32
        %add3A_401 = vector.broadcast %add3A_400 : f32 to vector<16xf32>
        %add3A_402 = arith.addf %add3A_401, %mul3A_399 : vector<16xf32>
        %mul3A_403 = arith.mulf %mul3A_396, %add3A_402 : vector<16xf32>
        %add3A_404 = arith.constant 4.000000e-01 : f32
        %add3A_405 = vector.broadcast %add3A_404 : f32 to vector<16xf32>
        %add3A_406 = arith.addf %add3A_405, %mul3A_403 : vector<16xf32>
        %mul3A_407 = arith.mulf %mul3A_396, %add3A_406 : vector<16xf32>
        %add3A_408 = arith.constant 0.666666686 : f32
        %add3A_409 = vector.broadcast %add3A_408 : f32 to vector<16xf32>
        %add3A_410 = arith.addf %add3A_409, %mul3A_407 : vector<16xf32>
        %mul3A_411 = arith.mulf %mul3A_396, %add3A_410 : vector<16xf32>
        %add3A_412 = arith.constant 2.000000e+00 : f32
        %add3A_413 = vector.broadcast %add3A_412 : f32 to vector<16xf32>
        %add3A_414 = arith.addf %add3A_413, %mul3A_411 : vector<16xf32>
        %mul3A_415 = arith.mulf %div3A_395, %add3A_414 : vector<16xf32>
        %add3A_416 = arith.addf %max3A_386, %mul3A_415 : vector<16xf32>
        %add3A_417 = arith.addf %add3A_380, %add3A_416 : vector<16xf32>
        %mul3A_418 = arith.constant 0.899999976 : f32
        %mul3A_419 = vector.broadcast %mul3A_418 : f32 to vector<16xf32>
        %mul3A_420 = arith.mulf %mul3A_419, %scan3A_262#3 : vector<16xf32>
        %add3A_421 = arith.addf %add3A_417, %mul3A_420 : vector<16xf32>
        %neg3A_422 = arith.constant 0.000000e+00 : f32
        %neg3A_423 = vector.broadcast %neg3A_422 : f32 to vector<16xf32>
        %neg3A_424 = arith.subf %neg3A_423, %scan3A_262#4 : vector<16xf32>
        %max3A_425 = arith.constant 0.000000e+00 : f32
        %max3A_426 = vector.broadcast %max3A_425 : f32 to vector<16xf32>
        %max3A_427 = arith.maximumf %neg3A_424, %max3A_426 : vector<16xf32>
        %abs3A_428 = math.absf %neg3A_424 : vector<16xf32>
        %neg3A_429 = arith.constant 0.000000e+00 : f32
        %neg3A_430 = vector.broadcast %neg3A_429 : f32 to vector<16xf32>
        %neg3A_431 = arith.subf %neg3A_430, %abs3A_428 : vector<16xf32>
        %exp3A_432 = math.exp %neg3A_431 : vector<16xf32>
        %add3A_433 = arith.constant 2.000000e+00 : f32
        %add3A_434 = vector.broadcast %add3A_433 : f32 to vector<16xf32>
        %add3A_435 = arith.addf %exp3A_432, %add3A_434 : vector<16xf32>
        %div3A_436 = arith.divf %exp3A_432, %add3A_435 : vector<16xf32>
        %mul3A_437 = arith.mulf %div3A_436, %div3A_436 : vector<16xf32>
        %mul3A_438 = arith.constant 0.222222224 : f32
        %mul3A_439 = vector.broadcast %mul3A_438 : f32 to vector<16xf32>
        %mul3A_440 = arith.mulf %mul3A_437, %mul3A_439 : vector<16xf32>
        %add3A_441 = arith.constant 0.285714298 : f32
        %add3A_442 = vector.broadcast %add3A_441 : f32 to vector<16xf32>
        %add3A_443 = arith.addf %add3A_442, %mul3A_440 : vector<16xf32>
        %mul3A_444 = arith.mulf %mul3A_437, %add3A_443 : vector<16xf32>
        %add3A_445 = arith.constant 4.000000e-01 : f32
        %add3A_446 = vector.broadcast %add3A_445 : f32 to vector<16xf32>
        %add3A_447 = arith.addf %add3A_446, %mul3A_444 : vector<16xf32>
        %mul3A_448 = arith.mulf %mul3A_437, %add3A_447 : vector<16xf32>
        %add3A_449 = arith.constant 0.666666686 : f32
        %add3A_450 = vector.broadcast %add3A_449 : f32 to vector<16xf32>
        %add3A_451 = arith.addf %add3A_450, %mul3A_448 : vector<16xf32>
        %mul3A_452 = arith.mulf %mul3A_437, %add3A_451 : vector<16xf32>
        %add3A_453 = arith.constant 2.000000e+00 : f32
        %add3A_454 = vector.broadcast %add3A_453 : f32 to vector<16xf32>
        %add3A_455 = arith.addf %add3A_454, %mul3A_452 : vector<16xf32>
        %mul3A_456 = arith.mulf %div3A_436, %add3A_455 : vector<16xf32>
        %add3A_457 = arith.addf %max3A_427, %mul3A_456 : vector<16xf32>
        %add3A_458 = arith.addf %add3A_421, %add3A_457 : vector<16xf32>
        %mul3A_459 = arith.constant 0.899999976 : f32
        %mul3A_460 = vector.broadcast %mul3A_459 : f32 to vector<16xf32>
        %mul3A_461 = arith.mulf %mul3A_460, %scan3A_262#4 : vector<16xf32>
        %add3A_462 = arith.addf %add3A_458, %mul3A_461 : vector<16xf32>
        %neg3A_463 = arith.constant 0.000000e+00 : f32
        %neg3A_464 = vector.broadcast %neg3A_463 : f32 to vector<16xf32>
        %neg3A_465 = arith.subf %neg3A_464, %scan3A_262#5 : vector<16xf32>
        %max3A_466 = arith.constant 0.000000e+00 : f32
        %max3A_467 = vector.broadcast %max3A_466 : f32 to vector<16xf32>
        %max3A_468 = arith.maximumf %neg3A_465, %max3A_467 : vector<16xf32>
        %abs3A_469 = math.absf %neg3A_465 : vector<16xf32>
        %neg3A_470 = arith.constant 0.000000e+00 : f32
        %neg3A_471 = vector.broadcast %neg3A_470 : f32 to vector<16xf32>
        %neg3A_472 = arith.subf %neg3A_471, %abs3A_469 : vector<16xf32>
        %exp3A_473 = math.exp %neg3A_472 : vector<16xf32>
        %add3A_474 = arith.constant 2.000000e+00 : f32
        %add3A_475 = vector.broadcast %add3A_474 : f32 to vector<16xf32>
        %add3A_476 = arith.addf %exp3A_473, %add3A_475 : vector<16xf32>
        %div3A_477 = arith.divf %exp3A_473, %add3A_476 : vector<16xf32>
        %mul3A_478 = arith.mulf %div3A_477, %div3A_477 : vector<16xf32>
        %mul3A_479 = arith.constant 0.222222224 : f32
        %mul3A_480 = vector.broadcast %mul3A_479 : f32 to vector<16xf32>
        %mul3A_481 = arith.mulf %mul3A_478, %mul3A_480 : vector<16xf32>
        %add3A_482 = arith.constant 0.285714298 : f32
        %add3A_483 = vector.broadcast %add3A_482 : f32 to vector<16xf32>
        %add3A_484 = arith.addf %add3A_483, %mul3A_481 : vector<16xf32>
        %mul3A_485 = arith.mulf %mul3A_478, %add3A_484 : vector<16xf32>
        %add3A_486 = arith.constant 4.000000e-01 : f32
        %add3A_487 = vector.broadcast %add3A_486 : f32 to vector<16xf32>
        %add3A_488 = arith.addf %add3A_487, %mul3A_485 : vector<16xf32>
        %mul3A_489 = arith.mulf %mul3A_478, %add3A_488 : vector<16xf32>
        %add3A_490 = arith.constant 0.666666686 : f32
        %add3A_491 = vector.broadcast %add3A_490 : f32 to vector<16xf32>
        %add3A_492 = arith.addf %add3A_491, %mul3A_489 : vector<16xf32>
        %mul3A_493 = arith.mulf %mul3A_478, %add3A_492 : vector<16xf32>
        %add3A_494 = arith.constant 2.000000e+00 : f32
        %add3A_495 = vector.broadcast %add3A_494 : f32 to vector<16xf32>
        %add3A_496 = arith.addf %add3A_495, %mul3A_493 : vector<16xf32>
        %mul3A_497 = arith.mulf %div3A_477, %add3A_496 : vector<16xf32>
        %add3A_498 = arith.addf %max3A_468, %mul3A_497 : vector<16xf32>
        %add3A_499 = arith.addf %add3A_462, %add3A_498 : vector<16xf32>
        %mul3A_500 = arith.constant 0.899999976 : f32
        %mul3A_501 = vector.broadcast %mul3A_500 : f32 to vector<16xf32>
        %mul3A_502 = arith.mulf %mul3A_501, %scan3A_262#5 : vector<16xf32>
        %add3A_503 = arith.addf %add3A_499, %mul3A_502 : vector<16xf32>
        %neg3A_504 = arith.constant 0.000000e+00 : f32
        %neg3A_505 = vector.broadcast %neg3A_504 : f32 to vector<16xf32>
        %neg3A_506 = arith.subf %neg3A_505, %scan3A_262#6 : vector<16xf32>
        %max3A_507 = arith.constant 0.000000e+00 : f32
        %max3A_508 = vector.broadcast %max3A_507 : f32 to vector<16xf32>
        %max3A_509 = arith.maximumf %neg3A_506, %max3A_508 : vector<16xf32>
        %abs3A_510 = math.absf %neg3A_506 : vector<16xf32>
        %neg3A_511 = arith.constant 0.000000e+00 : f32
        %neg3A_512 = vector.broadcast %neg3A_511 : f32 to vector<16xf32>
        %neg3A_513 = arith.subf %neg3A_512, %abs3A_510 : vector<16xf32>
        %exp3A_514 = math.exp %neg3A_513 : vector<16xf32>
        %add3A_515 = arith.constant 2.000000e+00 : f32
        %add3A_516 = vector.broadcast %add3A_515 : f32 to vector<16xf32>
        %add3A_517 = arith.addf %exp3A_514, %add3A_516 : vector<16xf32>
        %div3A_518 = arith.divf %exp3A_514, %add3A_517 : vector<16xf32>
        %mul3A_519 = arith.mulf %div3A_518, %div3A_518 : vector<16xf32>
        %mul3A_520 = arith.constant 0.222222224 : f32
        %mul3A_521 = vector.broadcast %mul3A_520 : f32 to vector<16xf32>
        %mul3A_522 = arith.mulf %mul3A_519, %mul3A_521 : vector<16xf32>
        %add3A_523 = arith.constant 0.285714298 : f32
        %add3A_524 = vector.broadcast %add3A_523 : f32 to vector<16xf32>
        %add3A_525 = arith.addf %add3A_524, %mul3A_522 : vector<16xf32>
        %mul3A_526 = arith.mulf %mul3A_519, %add3A_525 : vector<16xf32>
        %add3A_527 = arith.constant 4.000000e-01 : f32
        %add3A_528 = vector.broadcast %add3A_527 : f32 to vector<16xf32>
        %add3A_529 = arith.addf %add3A_528, %mul3A_526 : vector<16xf32>
        %mul3A_530 = arith.mulf %mul3A_519, %add3A_529 : vector<16xf32>
        %add3A_531 = arith.constant 0.666666686 : f32
        %add3A_532 = vector.broadcast %add3A_531 : f32 to vector<16xf32>
        %add3A_533 = arith.addf %add3A_532, %mul3A_530 : vector<16xf32>
        %mul3A_534 = arith.mulf %mul3A_519, %add3A_533 : vector<16xf32>
        %add3A_535 = arith.constant 2.000000e+00 : f32
        %add3A_536 = vector.broadcast %add3A_535 : f32 to vector<16xf32>
        %add3A_537 = arith.addf %add3A_536, %mul3A_534 : vector<16xf32>
        %mul3A_538 = arith.mulf %div3A_518, %add3A_537 : vector<16xf32>
        %add3A_539 = arith.addf %max3A_509, %mul3A_538 : vector<16xf32>
        %add3A_540 = arith.addf %add3A_503, %add3A_539 : vector<16xf32>
        %mul3A_541 = arith.constant 0.899999976 : f32
        %mul3A_542 = vector.broadcast %mul3A_541 : f32 to vector<16xf32>
        %mul3A_543 = arith.mulf %mul3A_542, %scan3A_262#6 : vector<16xf32>
        %add3A_544 = arith.addf %add3A_540, %mul3A_543 : vector<16xf32>
        %neg3A_545 = arith.constant 0.000000e+00 : f32
        %neg3A_546 = vector.broadcast %neg3A_545 : f32 to vector<16xf32>
        %neg3A_547 = arith.subf %neg3A_546, %scan3A_262#7 : vector<16xf32>
        %max3A_548 = arith.constant 0.000000e+00 : f32
        %max3A_549 = vector.broadcast %max3A_548 : f32 to vector<16xf32>
        %max3A_550 = arith.maximumf %neg3A_547, %max3A_549 : vector<16xf32>
        %abs3A_551 = math.absf %neg3A_547 : vector<16xf32>
        %neg3A_552 = arith.constant 0.000000e+00 : f32
        %neg3A_553 = vector.broadcast %neg3A_552 : f32 to vector<16xf32>
        %neg3A_554 = arith.subf %neg3A_553, %abs3A_551 : vector<16xf32>
        %exp3A_555 = math.exp %neg3A_554 : vector<16xf32>
        %add3A_556 = arith.constant 2.000000e+00 : f32
        %add3A_557 = vector.broadcast %add3A_556 : f32 to vector<16xf32>
        %add3A_558 = arith.addf %exp3A_555, %add3A_557 : vector<16xf32>
        %div3A_559 = arith.divf %exp3A_555, %add3A_558 : vector<16xf32>
        %mul3A_560 = arith.mulf %div3A_559, %div3A_559 : vector<16xf32>
        %mul3A_561 = arith.constant 0.222222224 : f32
        %mul3A_562 = vector.broadcast %mul3A_561 : f32 to vector<16xf32>
        %mul3A_563 = arith.mulf %mul3A_560, %mul3A_562 : vector<16xf32>
        %add3A_564 = arith.constant 0.285714298 : f32
        %add3A_565 = vector.broadcast %add3A_564 : f32 to vector<16xf32>
        %add3A_566 = arith.addf %add3A_565, %mul3A_563 : vector<16xf32>
        %mul3A_567 = arith.mulf %mul3A_560, %add3A_566 : vector<16xf32>
        %add3A_568 = arith.constant 4.000000e-01 : f32
        %add3A_569 = vector.broadcast %add3A_568 : f32 to vector<16xf32>
        %add3A_570 = arith.addf %add3A_569, %mul3A_567 : vector<16xf32>
        %mul3A_571 = arith.mulf %mul3A_560, %add3A_570 : vector<16xf32>
        %add3A_572 = arith.constant 0.666666686 : f32
        %add3A_573 = vector.broadcast %add3A_572 : f32 to vector<16xf32>
        %add3A_574 = arith.addf %add3A_573, %mul3A_571 : vector<16xf32>
        %mul3A_575 = arith.mulf %mul3A_560, %add3A_574 : vector<16xf32>
        %add3A_576 = arith.constant 2.000000e+00 : f32
        %add3A_577 = vector.broadcast %add3A_576 : f32 to vector<16xf32>
        %add3A_578 = arith.addf %add3A_577, %mul3A_575 : vector<16xf32>
        %mul3A_579 = arith.mulf %div3A_559, %add3A_578 : vector<16xf32>
        %add3A_580 = arith.addf %max3A_550, %mul3A_579 : vector<16xf32>
        %add3A_581 = arith.addf %add3A_544, %add3A_580 : vector<16xf32>
        %mul3A_582 = arith.constant 0.899999976 : f32
        %mul3A_583 = vector.broadcast %mul3A_582 : f32 to vector<16xf32>
        %mul3A_584 = arith.mulf %mul3A_583, %scan3A_262#7 : vector<16xf32>
        %add3A_585 = arith.addf %add3A_581, %mul3A_584 : vector<16xf32>
        %neg3A_586 = arith.constant 0.000000e+00 : f32
        %neg3A_587 = vector.broadcast %neg3A_586 : f32 to vector<16xf32>
        %neg3A_588 = arith.subf %neg3A_587, %scan3A_262#8 : vector<16xf32>
        %max3A_589 = arith.constant 0.000000e+00 : f32
        %max3A_590 = vector.broadcast %max3A_589 : f32 to vector<16xf32>
        %max3A_591 = arith.maximumf %neg3A_588, %max3A_590 : vector<16xf32>
        %abs3A_592 = math.absf %neg3A_588 : vector<16xf32>
        %neg3A_593 = arith.constant 0.000000e+00 : f32
        %neg3A_594 = vector.broadcast %neg3A_593 : f32 to vector<16xf32>
        %neg3A_595 = arith.subf %neg3A_594, %abs3A_592 : vector<16xf32>
        %exp3A_596 = math.exp %neg3A_595 : vector<16xf32>
        %add3A_597 = arith.constant 2.000000e+00 : f32
        %add3A_598 = vector.broadcast %add3A_597 : f32 to vector<16xf32>
        %add3A_599 = arith.addf %exp3A_596, %add3A_598 : vector<16xf32>
        %div3A_600 = arith.divf %exp3A_596, %add3A_599 : vector<16xf32>
        %mul3A_601 = arith.mulf %div3A_600, %div3A_600 : vector<16xf32>
        %mul3A_602 = arith.constant 0.222222224 : f32
        %mul3A_603 = vector.broadcast %mul3A_602 : f32 to vector<16xf32>
        %mul3A_604 = arith.mulf %mul3A_601, %mul3A_603 : vector<16xf32>
        %add3A_605 = arith.constant 0.285714298 : f32
        %add3A_606 = vector.broadcast %add3A_605 : f32 to vector<16xf32>
        %add3A_607 = arith.addf %add3A_606, %mul3A_604 : vector<16xf32>
        %mul3A_608 = arith.mulf %mul3A_601, %add3A_607 : vector<16xf32>
        %add3A_609 = arith.constant 4.000000e-01 : f32
        %add3A_610 = vector.broadcast %add3A_609 : f32 to vector<16xf32>
        %add3A_611 = arith.addf %add3A_610, %mul3A_608 : vector<16xf32>
        %mul3A_612 = arith.mulf %mul3A_601, %add3A_611 : vector<16xf32>
        %add3A_613 = arith.constant 0.666666686 : f32
        %add3A_614 = vector.broadcast %add3A_613 : f32 to vector<16xf32>
        %add3A_615 = arith.addf %add3A_614, %mul3A_612 : vector<16xf32>
        %mul3A_616 = arith.mulf %mul3A_601, %add3A_615 : vector<16xf32>
        %add3A_617 = arith.constant 2.000000e+00 : f32
        %add3A_618 = vector.broadcast %add3A_617 : f32 to vector<16xf32>
        %add3A_619 = arith.addf %add3A_618, %mul3A_616 : vector<16xf32>
        %mul3A_620 = arith.mulf %div3A_600, %add3A_619 : vector<16xf32>
        %add3A_621 = arith.addf %max3A_591, %mul3A_620 : vector<16xf32>
        %add3A_622 = arith.addf %add3A_585, %add3A_621 : vector<16xf32>
        %mul3A_623 = arith.constant 0.899999976 : f32
        %mul3A_624 = vector.broadcast %mul3A_623 : f32 to vector<16xf32>
        %mul3A_625 = arith.mulf %mul3A_624, %scan3A_262#8 : vector<16xf32>
        %add3A_626 = arith.addf %add3A_622, %mul3A_625 : vector<16xf32>
        %neg3A_627 = arith.constant 0.000000e+00 : f32
        %neg3A_628 = vector.broadcast %neg3A_627 : f32 to vector<16xf32>
        %neg3A_629 = arith.subf %neg3A_628, %scan3A_262#9 : vector<16xf32>
        %max3A_630 = arith.constant 0.000000e+00 : f32
        %max3A_631 = vector.broadcast %max3A_630 : f32 to vector<16xf32>
        %max3A_632 = arith.maximumf %neg3A_629, %max3A_631 : vector<16xf32>
        %abs3A_633 = math.absf %neg3A_629 : vector<16xf32>
        %neg3A_634 = arith.constant 0.000000e+00 : f32
        %neg3A_635 = vector.broadcast %neg3A_634 : f32 to vector<16xf32>
        %neg3A_636 = arith.subf %neg3A_635, %abs3A_633 : vector<16xf32>
        %exp3A_637 = math.exp %neg3A_636 : vector<16xf32>
        %add3A_638 = arith.constant 2.000000e+00 : f32
        %add3A_639 = vector.broadcast %add3A_638 : f32 to vector<16xf32>
        %add3A_640 = arith.addf %exp3A_637, %add3A_639 : vector<16xf32>
        %div3A_641 = arith.divf %exp3A_637, %add3A_640 : vector<16xf32>
        %mul3A_642 = arith.mulf %div3A_641, %div3A_641 : vector<16xf32>
        %mul3A_643 = arith.constant 0.222222224 : f32
        %mul3A_644 = vector.broadcast %mul3A_643 : f32 to vector<16xf32>
        %mul3A_645 = arith.mulf %mul3A_642, %mul3A_644 : vector<16xf32>
        %add3A_646 = arith.constant 0.285714298 : f32
        %add3A_647 = vector.broadcast %add3A_646 : f32 to vector<16xf32>
        %add3A_648 = arith.addf %add3A_647, %mul3A_645 : vector<16xf32>
        %mul3A_649 = arith.mulf %mul3A_642, %add3A_648 : vector<16xf32>
        %add3A_650 = arith.constant 4.000000e-01 : f32
        %add3A_651 = vector.broadcast %add3A_650 : f32 to vector<16xf32>
        %add3A_652 = arith.addf %add3A_651, %mul3A_649 : vector<16xf32>
        %mul3A_653 = arith.mulf %mul3A_642, %add3A_652 : vector<16xf32>
        %add3A_654 = arith.constant 0.666666686 : f32
        %add3A_655 = vector.broadcast %add3A_654 : f32 to vector<16xf32>
        %add3A_656 = arith.addf %add3A_655, %mul3A_653 : vector<16xf32>
        %mul3A_657 = arith.mulf %mul3A_642, %add3A_656 : vector<16xf32>
        %add3A_658 = arith.constant 2.000000e+00 : f32
        %add3A_659 = vector.broadcast %add3A_658 : f32 to vector<16xf32>
        %add3A_660 = arith.addf %add3A_659, %mul3A_657 : vector<16xf32>
        %mul3A_661 = arith.mulf %div3A_641, %add3A_660 : vector<16xf32>
        %add3A_662 = arith.addf %max3A_632, %mul3A_661 : vector<16xf32>
        %add3A_663 = arith.addf %add3A_626, %add3A_662 : vector<16xf32>
        %mul3A_664 = arith.constant 0.899999976 : f32
        %mul3A_665 = vector.broadcast %mul3A_664 : f32 to vector<16xf32>
        %mul3A_666 = arith.mulf %mul3A_665, %scan3A_262#9 : vector<16xf32>
        %add3A_667 = arith.addf %add3A_663, %mul3A_666 : vector<16xf32>
        %neg3A_668 = arith.constant 0.000000e+00 : f32
        %neg3A_669 = vector.broadcast %neg3A_668 : f32 to vector<16xf32>
        %neg3A_670 = arith.subf %neg3A_669, %scan3A_262#10 : vector<16xf32>
        %max3A_671 = arith.constant 0.000000e+00 : f32
        %max3A_672 = vector.broadcast %max3A_671 : f32 to vector<16xf32>
        %max3A_673 = arith.maximumf %neg3A_670, %max3A_672 : vector<16xf32>
        %abs3A_674 = math.absf %neg3A_670 : vector<16xf32>
        %neg3A_675 = arith.constant 0.000000e+00 : f32
        %neg3A_676 = vector.broadcast %neg3A_675 : f32 to vector<16xf32>
        %neg3A_677 = arith.subf %neg3A_676, %abs3A_674 : vector<16xf32>
        %exp3A_678 = math.exp %neg3A_677 : vector<16xf32>
        %add3A_679 = arith.constant 2.000000e+00 : f32
        %add3A_680 = vector.broadcast %add3A_679 : f32 to vector<16xf32>
        %add3A_681 = arith.addf %exp3A_678, %add3A_680 : vector<16xf32>
        %div3A_682 = arith.divf %exp3A_678, %add3A_681 : vector<16xf32>
        %mul3A_683 = arith.mulf %div3A_682, %div3A_682 : vector<16xf32>
        %mul3A_684 = arith.constant 0.222222224 : f32
        %mul3A_685 = vector.broadcast %mul3A_684 : f32 to vector<16xf32>
        %mul3A_686 = arith.mulf %mul3A_683, %mul3A_685 : vector<16xf32>
        %add3A_687 = arith.constant 0.285714298 : f32
        %add3A_688 = vector.broadcast %add3A_687 : f32 to vector<16xf32>
        %add3A_689 = arith.addf %add3A_688, %mul3A_686 : vector<16xf32>
        %mul3A_690 = arith.mulf %mul3A_683, %add3A_689 : vector<16xf32>
        %add3A_691 = arith.constant 4.000000e-01 : f32
        %add3A_692 = vector.broadcast %add3A_691 : f32 to vector<16xf32>
        %add3A_693 = arith.addf %add3A_692, %mul3A_690 : vector<16xf32>
        %mul3A_694 = arith.mulf %mul3A_683, %add3A_693 : vector<16xf32>
        %add3A_695 = arith.constant 0.666666686 : f32
        %add3A_696 = vector.broadcast %add3A_695 : f32 to vector<16xf32>
        %add3A_697 = arith.addf %add3A_696, %mul3A_694 : vector<16xf32>
        %mul3A_698 = arith.mulf %mul3A_683, %add3A_697 : vector<16xf32>
        %add3A_699 = arith.constant 2.000000e+00 : f32
        %add3A_700 = vector.broadcast %add3A_699 : f32 to vector<16xf32>
        %add3A_701 = arith.addf %add3A_700, %mul3A_698 : vector<16xf32>
        %mul3A_702 = arith.mulf %div3A_682, %add3A_701 : vector<16xf32>
        %add3A_703 = arith.addf %max3A_673, %mul3A_702 : vector<16xf32>
        %add3A_704 = arith.addf %add3A_667, %add3A_703 : vector<16xf32>
        %mul3A_705 = arith.constant 0.899999976 : f32
        %mul3A_706 = vector.broadcast %mul3A_705 : f32 to vector<16xf32>
        %mul3A_707 = arith.mulf %mul3A_706, %scan3A_262#10 : vector<16xf32>
        %add3A_708 = arith.addf %add3A_704, %mul3A_707 : vector<16xf32>
        %neg3A_709 = arith.constant 0.000000e+00 : f32
        %neg3A_710 = vector.broadcast %neg3A_709 : f32 to vector<16xf32>
        %neg3A_711 = arith.subf %neg3A_710, %scan3A_262#11 : vector<16xf32>
        %max3A_712 = arith.constant 0.000000e+00 : f32
        %max3A_713 = vector.broadcast %max3A_712 : f32 to vector<16xf32>
        %max3A_714 = arith.maximumf %neg3A_711, %max3A_713 : vector<16xf32>
        %abs3A_715 = math.absf %neg3A_711 : vector<16xf32>
        %neg3A_716 = arith.constant 0.000000e+00 : f32
        %neg3A_717 = vector.broadcast %neg3A_716 : f32 to vector<16xf32>
        %neg3A_718 = arith.subf %neg3A_717, %abs3A_715 : vector<16xf32>
        %exp3A_719 = math.exp %neg3A_718 : vector<16xf32>
        %add3A_720 = arith.constant 2.000000e+00 : f32
        %add3A_721 = vector.broadcast %add3A_720 : f32 to vector<16xf32>
        %add3A_722 = arith.addf %exp3A_719, %add3A_721 : vector<16xf32>
        %div3A_723 = arith.divf %exp3A_719, %add3A_722 : vector<16xf32>
        %mul3A_724 = arith.mulf %div3A_723, %div3A_723 : vector<16xf32>
        %mul3A_725 = arith.constant 0.222222224 : f32
        %mul3A_726 = vector.broadcast %mul3A_725 : f32 to vector<16xf32>
        %mul3A_727 = arith.mulf %mul3A_724, %mul3A_726 : vector<16xf32>
        %add3A_728 = arith.constant 0.285714298 : f32
        %add3A_729 = vector.broadcast %add3A_728 : f32 to vector<16xf32>
        %add3A_730 = arith.addf %add3A_729, %mul3A_727 : vector<16xf32>
        %mul3A_731 = arith.mulf %mul3A_724, %add3A_730 : vector<16xf32>
        %add3A_732 = arith.constant 4.000000e-01 : f32
        %add3A_733 = vector.broadcast %add3A_732 : f32 to vector<16xf32>
        %add3A_734 = arith.addf %add3A_733, %mul3A_731 : vector<16xf32>
        %mul3A_735 = arith.mulf %mul3A_724, %add3A_734 : vector<16xf32>
        %add3A_736 = arith.constant 0.666666686 : f32
        %add3A_737 = vector.broadcast %add3A_736 : f32 to vector<16xf32>
        %add3A_738 = arith.addf %add3A_737, %mul3A_735 : vector<16xf32>
        %mul3A_739 = arith.mulf %mul3A_724, %add3A_738 : vector<16xf32>
        %add3A_740 = arith.constant 2.000000e+00 : f32
        %add3A_741 = vector.broadcast %add3A_740 : f32 to vector<16xf32>
        %add3A_742 = arith.addf %add3A_741, %mul3A_739 : vector<16xf32>
        %mul3A_743 = arith.mulf %div3A_723, %add3A_742 : vector<16xf32>
        %add3A_744 = arith.addf %max3A_714, %mul3A_743 : vector<16xf32>
        %add3A_745 = arith.addf %add3A_708, %add3A_744 : vector<16xf32>
        %mul3A_746 = arith.constant 0.899999976 : f32
        %mul3A_747 = vector.broadcast %mul3A_746 : f32 to vector<16xf32>
        %mul3A_748 = arith.mulf %mul3A_747, %scan3A_262#11 : vector<16xf32>
        %add3A_749 = arith.addf %add3A_745, %mul3A_748 : vector<16xf32>
        %neg3A_750 = arith.constant 0.000000e+00 : f32
        %neg3A_751 = vector.broadcast %neg3A_750 : f32 to vector<16xf32>
        %neg3A_752 = arith.subf %neg3A_751, %scan3A_262#12 : vector<16xf32>
        %max3A_753 = arith.constant 0.000000e+00 : f32
        %max3A_754 = vector.broadcast %max3A_753 : f32 to vector<16xf32>
        %max3A_755 = arith.maximumf %neg3A_752, %max3A_754 : vector<16xf32>
        %abs3A_756 = math.absf %neg3A_752 : vector<16xf32>
        %neg3A_757 = arith.constant 0.000000e+00 : f32
        %neg3A_758 = vector.broadcast %neg3A_757 : f32 to vector<16xf32>
        %neg3A_759 = arith.subf %neg3A_758, %abs3A_756 : vector<16xf32>
        %exp3A_760 = math.exp %neg3A_759 : vector<16xf32>
        %add3A_761 = arith.constant 2.000000e+00 : f32
        %add3A_762 = vector.broadcast %add3A_761 : f32 to vector<16xf32>
        %add3A_763 = arith.addf %exp3A_760, %add3A_762 : vector<16xf32>
        %div3A_764 = arith.divf %exp3A_760, %add3A_763 : vector<16xf32>
        %mul3A_765 = arith.mulf %div3A_764, %div3A_764 : vector<16xf32>
        %mul3A_766 = arith.constant 0.222222224 : f32
        %mul3A_767 = vector.broadcast %mul3A_766 : f32 to vector<16xf32>
        %mul3A_768 = arith.mulf %mul3A_765, %mul3A_767 : vector<16xf32>
        %add3A_769 = arith.constant 0.285714298 : f32
        %add3A_770 = vector.broadcast %add3A_769 : f32 to vector<16xf32>
        %add3A_771 = arith.addf %add3A_770, %mul3A_768 : vector<16xf32>
        %mul3A_772 = arith.mulf %mul3A_765, %add3A_771 : vector<16xf32>
        %add3A_773 = arith.constant 4.000000e-01 : f32
        %add3A_774 = vector.broadcast %add3A_773 : f32 to vector<16xf32>
        %add3A_775 = arith.addf %add3A_774, %mul3A_772 : vector<16xf32>
        %mul3A_776 = arith.mulf %mul3A_765, %add3A_775 : vector<16xf32>
        %add3A_777 = arith.constant 0.666666686 : f32
        %add3A_778 = vector.broadcast %add3A_777 : f32 to vector<16xf32>
        %add3A_779 = arith.addf %add3A_778, %mul3A_776 : vector<16xf32>
        %mul3A_780 = arith.mulf %mul3A_765, %add3A_779 : vector<16xf32>
        %add3A_781 = arith.constant 2.000000e+00 : f32
        %add3A_782 = vector.broadcast %add3A_781 : f32 to vector<16xf32>
        %add3A_783 = arith.addf %add3A_782, %mul3A_780 : vector<16xf32>
        %mul3A_784 = arith.mulf %div3A_764, %add3A_783 : vector<16xf32>
        %add3A_785 = arith.addf %max3A_755, %mul3A_784 : vector<16xf32>
        %add3A_786 = arith.addf %add3A_749, %add3A_785 : vector<16xf32>
        %mul3A_787 = arith.constant 0.899999976 : f32
        %mul3A_788 = vector.broadcast %mul3A_787 : f32 to vector<16xf32>
        %mul3A_789 = arith.mulf %mul3A_788, %scan3A_262#12 : vector<16xf32>
        %add3A_790 = arith.addf %add3A_786, %mul3A_789 : vector<16xf32>
        %neg3A_791 = arith.constant 0.000000e+00 : f32
        %neg3A_792 = vector.broadcast %neg3A_791 : f32 to vector<16xf32>
        %neg3A_793 = arith.subf %neg3A_792, %scan3A_262#13 : vector<16xf32>
        %max3A_794 = arith.constant 0.000000e+00 : f32
        %max3A_795 = vector.broadcast %max3A_794 : f32 to vector<16xf32>
        %max3A_796 = arith.maximumf %neg3A_793, %max3A_795 : vector<16xf32>
        %abs3A_797 = math.absf %neg3A_793 : vector<16xf32>
        %neg3A_798 = arith.constant 0.000000e+00 : f32
        %neg3A_799 = vector.broadcast %neg3A_798 : f32 to vector<16xf32>
        %neg3A_800 = arith.subf %neg3A_799, %abs3A_797 : vector<16xf32>
        %exp3A_801 = math.exp %neg3A_800 : vector<16xf32>
        %add3A_802 = arith.constant 2.000000e+00 : f32
        %add3A_803 = vector.broadcast %add3A_802 : f32 to vector<16xf32>
        %add3A_804 = arith.addf %exp3A_801, %add3A_803 : vector<16xf32>
        %div3A_805 = arith.divf %exp3A_801, %add3A_804 : vector<16xf32>
        %mul3A_806 = arith.mulf %div3A_805, %div3A_805 : vector<16xf32>
        %mul3A_807 = arith.constant 0.222222224 : f32
        %mul3A_808 = vector.broadcast %mul3A_807 : f32 to vector<16xf32>
        %mul3A_809 = arith.mulf %mul3A_806, %mul3A_808 : vector<16xf32>
        %add3A_810 = arith.constant 0.285714298 : f32
        %add3A_811 = vector.broadcast %add3A_810 : f32 to vector<16xf32>
        %add3A_812 = arith.addf %add3A_811, %mul3A_809 : vector<16xf32>
        %mul3A_813 = arith.mulf %mul3A_806, %add3A_812 : vector<16xf32>
        %add3A_814 = arith.constant 4.000000e-01 : f32
        %add3A_815 = vector.broadcast %add3A_814 : f32 to vector<16xf32>
        %add3A_816 = arith.addf %add3A_815, %mul3A_813 : vector<16xf32>
        %mul3A_817 = arith.mulf %mul3A_806, %add3A_816 : vector<16xf32>
        %add3A_818 = arith.constant 0.666666686 : f32
        %add3A_819 = vector.broadcast %add3A_818 : f32 to vector<16xf32>
        %add3A_820 = arith.addf %add3A_819, %mul3A_817 : vector<16xf32>
        %mul3A_821 = arith.mulf %mul3A_806, %add3A_820 : vector<16xf32>
        %add3A_822 = arith.constant 2.000000e+00 : f32
        %add3A_823 = vector.broadcast %add3A_822 : f32 to vector<16xf32>
        %add3A_824 = arith.addf %add3A_823, %mul3A_821 : vector<16xf32>
        %mul3A_825 = arith.mulf %div3A_805, %add3A_824 : vector<16xf32>
        %add3A_826 = arith.addf %max3A_796, %mul3A_825 : vector<16xf32>
        %add3A_827 = arith.addf %add3A_790, %add3A_826 : vector<16xf32>
        %mul3A_828 = arith.constant 0.899999976 : f32
        %mul3A_829 = vector.broadcast %mul3A_828 : f32 to vector<16xf32>
        %mul3A_830 = arith.mulf %mul3A_829, %scan3A_262#13 : vector<16xf32>
        %add3A_831 = arith.addf %add3A_827, %mul3A_830 : vector<16xf32>
        %neg3A_832 = arith.constant 0.000000e+00 : f32
        %neg3A_833 = vector.broadcast %neg3A_832 : f32 to vector<16xf32>
        %neg3A_834 = arith.subf %neg3A_833, %scan3A_262#14 : vector<16xf32>
        %max3A_835 = arith.constant 0.000000e+00 : f32
        %max3A_836 = vector.broadcast %max3A_835 : f32 to vector<16xf32>
        %max3A_837 = arith.maximumf %neg3A_834, %max3A_836 : vector<16xf32>
        %abs3A_838 = math.absf %neg3A_834 : vector<16xf32>
        %neg3A_839 = arith.constant 0.000000e+00 : f32
        %neg3A_840 = vector.broadcast %neg3A_839 : f32 to vector<16xf32>
        %neg3A_841 = arith.subf %neg3A_840, %abs3A_838 : vector<16xf32>
        %exp3A_842 = math.exp %neg3A_841 : vector<16xf32>
        %add3A_843 = arith.constant 2.000000e+00 : f32
        %add3A_844 = vector.broadcast %add3A_843 : f32 to vector<16xf32>
        %add3A_845 = arith.addf %exp3A_842, %add3A_844 : vector<16xf32>
        %div3A_846 = arith.divf %exp3A_842, %add3A_845 : vector<16xf32>
        %mul3A_847 = arith.mulf %div3A_846, %div3A_846 : vector<16xf32>
        %mul3A_848 = arith.constant 0.222222224 : f32
        %mul3A_849 = vector.broadcast %mul3A_848 : f32 to vector<16xf32>
        %mul3A_850 = arith.mulf %mul3A_847, %mul3A_849 : vector<16xf32>
        %add3A_851 = arith.constant 0.285714298 : f32
        %add3A_852 = vector.broadcast %add3A_851 : f32 to vector<16xf32>
        %add3A_853 = arith.addf %add3A_852, %mul3A_850 : vector<16xf32>
        %mul3A_854 = arith.mulf %mul3A_847, %add3A_853 : vector<16xf32>
        %add3A_855 = arith.constant 4.000000e-01 : f32
        %add3A_856 = vector.broadcast %add3A_855 : f32 to vector<16xf32>
        %add3A_857 = arith.addf %add3A_856, %mul3A_854 : vector<16xf32>
        %mul3A_858 = arith.mulf %mul3A_847, %add3A_857 : vector<16xf32>
        %add3A_859 = arith.constant 0.666666686 : f32
        %add3A_860 = vector.broadcast %add3A_859 : f32 to vector<16xf32>
        %add3A_861 = arith.addf %add3A_860, %mul3A_858 : vector<16xf32>
        %mul3A_862 = arith.mulf %mul3A_847, %add3A_861 : vector<16xf32>
        %add3A_863 = arith.constant 2.000000e+00 : f32
        %add3A_864 = vector.broadcast %add3A_863 : f32 to vector<16xf32>
        %add3A_865 = arith.addf %add3A_864, %mul3A_862 : vector<16xf32>
        %mul3A_866 = arith.mulf %div3A_846, %add3A_865 : vector<16xf32>
        %add3A_867 = arith.addf %max3A_837, %mul3A_866 : vector<16xf32>
        %add3A_868 = arith.addf %add3A_831, %add3A_867 : vector<16xf32>
        %mul3A_869 = arith.constant 0.899999976 : f32
        %mul3A_870 = vector.broadcast %mul3A_869 : f32 to vector<16xf32>
        %mul3A_871 = arith.mulf %mul3A_870, %scan3A_262#14 : vector<16xf32>
        %add3A_872 = arith.addf %add3A_868, %mul3A_871 : vector<16xf32>
        %neg3A_873 = arith.constant 0.000000e+00 : f32
        %neg3A_874 = vector.broadcast %neg3A_873 : f32 to vector<16xf32>
        %neg3A_875 = arith.subf %neg3A_874, %scan3A_262#15 : vector<16xf32>
        %max3A_876 = arith.constant 0.000000e+00 : f32
        %max3A_877 = vector.broadcast %max3A_876 : f32 to vector<16xf32>
        %max3A_878 = arith.maximumf %neg3A_875, %max3A_877 : vector<16xf32>
        %abs3A_879 = math.absf %neg3A_875 : vector<16xf32>
        %neg3A_880 = arith.constant 0.000000e+00 : f32
        %neg3A_881 = vector.broadcast %neg3A_880 : f32 to vector<16xf32>
        %neg3A_882 = arith.subf %neg3A_881, %abs3A_879 : vector<16xf32>
        %exp3A_883 = math.exp %neg3A_882 : vector<16xf32>
        %add3A_884 = arith.constant 2.000000e+00 : f32
        %add3A_885 = vector.broadcast %add3A_884 : f32 to vector<16xf32>
        %add3A_886 = arith.addf %exp3A_883, %add3A_885 : vector<16xf32>
        %div3A_887 = arith.divf %exp3A_883, %add3A_886 : vector<16xf32>
        %mul3A_888 = arith.mulf %div3A_887, %div3A_887 : vector<16xf32>
        %mul3A_889 = arith.constant 0.222222224 : f32
        %mul3A_890 = vector.broadcast %mul3A_889 : f32 to vector<16xf32>
        %mul3A_891 = arith.mulf %mul3A_888, %mul3A_890 : vector<16xf32>
        %add3A_892 = arith.constant 0.285714298 : f32
        %add3A_893 = vector.broadcast %add3A_892 : f32 to vector<16xf32>
        %add3A_894 = arith.addf %add3A_893, %mul3A_891 : vector<16xf32>
        %mul3A_895 = arith.mulf %mul3A_888, %add3A_894 : vector<16xf32>
        %add3A_896 = arith.constant 4.000000e-01 : f32
        %add3A_897 = vector.broadcast %add3A_896 : f32 to vector<16xf32>
        %add3A_898 = arith.addf %add3A_897, %mul3A_895 : vector<16xf32>
        %mul3A_899 = arith.mulf %mul3A_888, %add3A_898 : vector<16xf32>
        %add3A_900 = arith.constant 0.666666686 : f32
        %add3A_901 = vector.broadcast %add3A_900 : f32 to vector<16xf32>
        %add3A_902 = arith.addf %add3A_901, %mul3A_899 : vector<16xf32>
        %mul3A_903 = arith.mulf %mul3A_888, %add3A_902 : vector<16xf32>
        %add3A_904 = arith.constant 2.000000e+00 : f32
        %add3A_905 = vector.broadcast %add3A_904 : f32 to vector<16xf32>
        %add3A_906 = arith.addf %add3A_905, %mul3A_903 : vector<16xf32>
        %mul3A_907 = arith.mulf %div3A_887, %add3A_906 : vector<16xf32>
        %add3A_908 = arith.addf %max3A_878, %mul3A_907 : vector<16xf32>
        %add3A_909 = arith.addf %add3A_872, %add3A_908 : vector<16xf32>
        %mul3A_910 = arith.constant 0.899999976 : f32
        %mul3A_911 = vector.broadcast %mul3A_910 : f32 to vector<16xf32>
        %mul3A_912 = arith.mulf %mul3A_911, %scan3A_262#15 : vector<16xf32>
        %add3A_913 = arith.addf %add3A_909, %mul3A_912 : vector<16xf32>
        %neg3A_914 = arith.constant 0.000000e+00 : f32
        %neg3A_915 = vector.broadcast %neg3A_914 : f32 to vector<16xf32>
        %neg3A_916 = arith.subf %neg3A_915, %scan3A_262#16 : vector<16xf32>
        %max3A_917 = arith.constant 0.000000e+00 : f32
        %max3A_918 = vector.broadcast %max3A_917 : f32 to vector<16xf32>
        %max3A_919 = arith.maximumf %neg3A_916, %max3A_918 : vector<16xf32>
        %abs3A_920 = math.absf %neg3A_916 : vector<16xf32>
        %neg3A_921 = arith.constant 0.000000e+00 : f32
        %neg3A_922 = vector.broadcast %neg3A_921 : f32 to vector<16xf32>
        %neg3A_923 = arith.subf %neg3A_922, %abs3A_920 : vector<16xf32>
        %exp3A_924 = math.exp %neg3A_923 : vector<16xf32>
        %add3A_925 = arith.constant 2.000000e+00 : f32
        %add3A_926 = vector.broadcast %add3A_925 : f32 to vector<16xf32>
        %add3A_927 = arith.addf %exp3A_924, %add3A_926 : vector<16xf32>
        %div3A_928 = arith.divf %exp3A_924, %add3A_927 : vector<16xf32>
        %mul3A_929 = arith.mulf %div3A_928, %div3A_928 : vector<16xf32>
        %mul3A_930 = arith.constant 0.222222224 : f32
        %mul3A_931 = vector.broadcast %mul3A_930 : f32 to vector<16xf32>
        %mul3A_932 = arith.mulf %mul3A_929, %mul3A_931 : vector<16xf32>
        %add3A_933 = arith.constant 0.285714298 : f32
        %add3A_934 = vector.broadcast %add3A_933 : f32 to vector<16xf32>
        %add3A_935 = arith.addf %add3A_934, %mul3A_932 : vector<16xf32>
        %mul3A_936 = arith.mulf %mul3A_929, %add3A_935 : vector<16xf32>
        %add3A_937 = arith.constant 4.000000e-01 : f32
        %add3A_938 = vector.broadcast %add3A_937 : f32 to vector<16xf32>
        %add3A_939 = arith.addf %add3A_938, %mul3A_936 : vector<16xf32>
        %mul3A_940 = arith.mulf %mul3A_929, %add3A_939 : vector<16xf32>
        %add3A_941 = arith.constant 0.666666686 : f32
        %add3A_942 = vector.broadcast %add3A_941 : f32 to vector<16xf32>
        %add3A_943 = arith.addf %add3A_942, %mul3A_940 : vector<16xf32>
        %mul3A_944 = arith.mulf %mul3A_929, %add3A_943 : vector<16xf32>
        %add3A_945 = arith.constant 2.000000e+00 : f32
        %add3A_946 = vector.broadcast %add3A_945 : f32 to vector<16xf32>
        %add3A_947 = arith.addf %add3A_946, %mul3A_944 : vector<16xf32>
        %mul3A_948 = arith.mulf %div3A_928, %add3A_947 : vector<16xf32>
        %add3A_949 = arith.addf %max3A_919, %mul3A_948 : vector<16xf32>
        %add3A_950 = arith.addf %add3A_913, %add3A_949 : vector<16xf32>
        %mul3A_951 = arith.constant 0.899999976 : f32
        %mul3A_952 = vector.broadcast %mul3A_951 : f32 to vector<16xf32>
        %mul3A_953 = arith.mulf %mul3A_952, %scan3A_262#16 : vector<16xf32>
        %add3A_954 = arith.addf %add3A_950, %mul3A_953 : vector<16xf32>
        %neg3A_955 = arith.constant 0.000000e+00 : f32
        %neg3A_956 = vector.broadcast %neg3A_955 : f32 to vector<16xf32>
        %neg3A_957 = arith.subf %neg3A_956, %scan3A_262#17 : vector<16xf32>
        %max3A_958 = arith.constant 0.000000e+00 : f32
        %max3A_959 = vector.broadcast %max3A_958 : f32 to vector<16xf32>
        %max3A_960 = arith.maximumf %neg3A_957, %max3A_959 : vector<16xf32>
        %abs3A_961 = math.absf %neg3A_957 : vector<16xf32>
        %neg3A_962 = arith.constant 0.000000e+00 : f32
        %neg3A_963 = vector.broadcast %neg3A_962 : f32 to vector<16xf32>
        %neg3A_964 = arith.subf %neg3A_963, %abs3A_961 : vector<16xf32>
        %exp3A_965 = math.exp %neg3A_964 : vector<16xf32>
        %add3A_966 = arith.constant 2.000000e+00 : f32
        %add3A_967 = vector.broadcast %add3A_966 : f32 to vector<16xf32>
        %add3A_968 = arith.addf %exp3A_965, %add3A_967 : vector<16xf32>
        %div3A_969 = arith.divf %exp3A_965, %add3A_968 : vector<16xf32>
        %mul3A_970 = arith.mulf %div3A_969, %div3A_969 : vector<16xf32>
        %mul3A_971 = arith.constant 0.222222224 : f32
        %mul3A_972 = vector.broadcast %mul3A_971 : f32 to vector<16xf32>
        %mul3A_973 = arith.mulf %mul3A_970, %mul3A_972 : vector<16xf32>
        %add3A_974 = arith.constant 0.285714298 : f32
        %add3A_975 = vector.broadcast %add3A_974 : f32 to vector<16xf32>
        %add3A_976 = arith.addf %add3A_975, %mul3A_973 : vector<16xf32>
        %mul3A_977 = arith.mulf %mul3A_970, %add3A_976 : vector<16xf32>
        %add3A_978 = arith.constant 4.000000e-01 : f32
        %add3A_979 = vector.broadcast %add3A_978 : f32 to vector<16xf32>
        %add3A_980 = arith.addf %add3A_979, %mul3A_977 : vector<16xf32>
        %mul3A_981 = arith.mulf %mul3A_970, %add3A_980 : vector<16xf32>
        %add3A_982 = arith.constant 0.666666686 : f32
        %add3A_983 = vector.broadcast %add3A_982 : f32 to vector<16xf32>
        %add3A_984 = arith.addf %add3A_983, %mul3A_981 : vector<16xf32>
        %mul3A_985 = arith.mulf %mul3A_970, %add3A_984 : vector<16xf32>
        %add3A_986 = arith.constant 2.000000e+00 : f32
        %add3A_987 = vector.broadcast %add3A_986 : f32 to vector<16xf32>
        %add3A_988 = arith.addf %add3A_987, %mul3A_985 : vector<16xf32>
        %mul3A_989 = arith.mulf %div3A_969, %add3A_988 : vector<16xf32>
        %add3A_990 = arith.addf %max3A_960, %mul3A_989 : vector<16xf32>
        %add3A_991 = arith.addf %add3A_954, %add3A_990 : vector<16xf32>
        %mul3A_992 = arith.constant 0.899999976 : f32
        %mul3A_993 = vector.broadcast %mul3A_992 : f32 to vector<16xf32>
        %mul3A_994 = arith.mulf %mul3A_993, %scan3A_262#17 : vector<16xf32>
        %add3A_995 = arith.addf %add3A_991, %mul3A_994 : vector<16xf32>
        %neg3A_996 = arith.constant 0.000000e+00 : f32
        %neg3A_997 = vector.broadcast %neg3A_996 : f32 to vector<16xf32>
        %neg3A_998 = arith.subf %neg3A_997, %scan3A_262#18 : vector<16xf32>
        %max3A_999 = arith.constant 0.000000e+00 : f32
        %max3A_1000 = vector.broadcast %max3A_999 : f32 to vector<16xf32>
        %max3A_1001 = arith.maximumf %neg3A_998, %max3A_1000 : vector<16xf32>
        %abs3A_1002 = math.absf %neg3A_998 : vector<16xf32>
        %neg3A_1003 = arith.constant 0.000000e+00 : f32
        %neg3A_1004 = vector.broadcast %neg3A_1003 : f32 to vector<16xf32>
        %neg3A_1005 = arith.subf %neg3A_1004, %abs3A_1002 : vector<16xf32>
        %exp3A_1006 = math.exp %neg3A_1005 : vector<16xf32>
        %add3A_1007 = arith.constant 2.000000e+00 : f32
        %add3A_1008 = vector.broadcast %add3A_1007 : f32 to vector<16xf32>
        %add3A_1009 = arith.addf %exp3A_1006, %add3A_1008 : vector<16xf32>
        %div3A_1010 = arith.divf %exp3A_1006, %add3A_1009 : vector<16xf32>
        %mul3A_1011 = arith.mulf %div3A_1010, %div3A_1010 : vector<16xf32>
        %mul3A_1012 = arith.constant 0.222222224 : f32
        %mul3A_1013 = vector.broadcast %mul3A_1012 : f32 to vector<16xf32>
        %mul3A_1014 = arith.mulf %mul3A_1011, %mul3A_1013 : vector<16xf32>
        %add3A_1015 = arith.constant 0.285714298 : f32
        %add3A_1016 = vector.broadcast %add3A_1015 : f32 to vector<16xf32>
        %add3A_1017 = arith.addf %add3A_1016, %mul3A_1014 : vector<16xf32>
        %mul3A_1018 = arith.mulf %mul3A_1011, %add3A_1017 : vector<16xf32>
        %add3A_1019 = arith.constant 4.000000e-01 : f32
        %add3A_1020 = vector.broadcast %add3A_1019 : f32 to vector<16xf32>
        %add3A_1021 = arith.addf %add3A_1020, %mul3A_1018 : vector<16xf32>
        %mul3A_1022 = arith.mulf %mul3A_1011, %add3A_1021 : vector<16xf32>
        %add3A_1023 = arith.constant 0.666666686 : f32
        %add3A_1024 = vector.broadcast %add3A_1023 : f32 to vector<16xf32>
        %add3A_1025 = arith.addf %add3A_1024, %mul3A_1022 : vector<16xf32>
        %mul3A_1026 = arith.mulf %mul3A_1011, %add3A_1025 : vector<16xf32>
        %add3A_1027 = arith.constant 2.000000e+00 : f32
        %add3A_1028 = vector.broadcast %add3A_1027 : f32 to vector<16xf32>
        %add3A_1029 = arith.addf %add3A_1028, %mul3A_1026 : vector<16xf32>
        %mul3A_1030 = arith.mulf %div3A_1010, %add3A_1029 : vector<16xf32>
        %add3A_1031 = arith.addf %max3A_1001, %mul3A_1030 : vector<16xf32>
        %add3A_1032 = arith.addf %add3A_995, %add3A_1031 : vector<16xf32>
        %mul3A_1033 = arith.constant 0.899999976 : f32
        %mul3A_1034 = vector.broadcast %mul3A_1033 : f32 to vector<16xf32>
        %mul3A_1035 = arith.mulf %mul3A_1034, %scan3A_262#18 : vector<16xf32>
        %add3A_1036 = arith.addf %add3A_1032, %mul3A_1035 : vector<16xf32>
        %neg3A_1037 = arith.constant 0.000000e+00 : f32
        %neg3A_1038 = vector.broadcast %neg3A_1037 : f32 to vector<16xf32>
        %neg3A_1039 = arith.subf %neg3A_1038, %scan3A_262#19 : vector<16xf32>
        %max3A_1040 = arith.constant 0.000000e+00 : f32
        %max3A_1041 = vector.broadcast %max3A_1040 : f32 to vector<16xf32>
        %max3A_1042 = arith.maximumf %neg3A_1039, %max3A_1041 : vector<16xf32>
        %abs3A_1043 = math.absf %neg3A_1039 : vector<16xf32>
        %neg3A_1044 = arith.constant 0.000000e+00 : f32
        %neg3A_1045 = vector.broadcast %neg3A_1044 : f32 to vector<16xf32>
        %neg3A_1046 = arith.subf %neg3A_1045, %abs3A_1043 : vector<16xf32>
        %exp3A_1047 = math.exp %neg3A_1046 : vector<16xf32>
        %add3A_1048 = arith.constant 2.000000e+00 : f32
        %add3A_1049 = vector.broadcast %add3A_1048 : f32 to vector<16xf32>
        %add3A_1050 = arith.addf %exp3A_1047, %add3A_1049 : vector<16xf32>
        %div3A_1051 = arith.divf %exp3A_1047, %add3A_1050 : vector<16xf32>
        %mul3A_1052 = arith.mulf %div3A_1051, %div3A_1051 : vector<16xf32>
        %mul3A_1053 = arith.constant 0.222222224 : f32
        %mul3A_1054 = vector.broadcast %mul3A_1053 : f32 to vector<16xf32>
        %mul3A_1055 = arith.mulf %mul3A_1052, %mul3A_1054 : vector<16xf32>
        %add3A_1056 = arith.constant 0.285714298 : f32
        %add3A_1057 = vector.broadcast %add3A_1056 : f32 to vector<16xf32>
        %add3A_1058 = arith.addf %add3A_1057, %mul3A_1055 : vector<16xf32>
        %mul3A_1059 = arith.mulf %mul3A_1052, %add3A_1058 : vector<16xf32>
        %add3A_1060 = arith.constant 4.000000e-01 : f32
        %add3A_1061 = vector.broadcast %add3A_1060 : f32 to vector<16xf32>
        %add3A_1062 = arith.addf %add3A_1061, %mul3A_1059 : vector<16xf32>
        %mul3A_1063 = arith.mulf %mul3A_1052, %add3A_1062 : vector<16xf32>
        %add3A_1064 = arith.constant 0.666666686 : f32
        %add3A_1065 = vector.broadcast %add3A_1064 : f32 to vector<16xf32>
        %add3A_1066 = arith.addf %add3A_1065, %mul3A_1063 : vector<16xf32>
        %mul3A_1067 = arith.mulf %mul3A_1052, %add3A_1066 : vector<16xf32>
        %add3A_1068 = arith.constant 2.000000e+00 : f32
        %add3A_1069 = vector.broadcast %add3A_1068 : f32 to vector<16xf32>
        %add3A_1070 = arith.addf %add3A_1069, %mul3A_1067 : vector<16xf32>
        %mul3A_1071 = arith.mulf %div3A_1051, %add3A_1070 : vector<16xf32>
        %add3A_1072 = arith.addf %max3A_1042, %mul3A_1071 : vector<16xf32>
        %add3A_1073 = arith.addf %add3A_1036, %add3A_1072 : vector<16xf32>
        %mul3A_1074 = arith.constant 0.899999976 : f32
        %mul3A_1075 = vector.broadcast %mul3A_1074 : f32 to vector<16xf32>
        %mul3A_1076 = arith.mulf %mul3A_1075, %scan3A_262#19 : vector<16xf32>
        %add3A_1077 = arith.addf %add3A_1073, %mul3A_1076 : vector<16xf32>
        %neg3A_1078 = arith.constant 0.000000e+00 : f32
        %neg3A_1079 = vector.broadcast %neg3A_1078 : f32 to vector<16xf32>
        %neg3A_1080 = arith.subf %neg3A_1079, %scan3A_262#20 : vector<16xf32>
        %max3A_1081 = arith.constant 0.000000e+00 : f32
        %max3A_1082 = vector.broadcast %max3A_1081 : f32 to vector<16xf32>
        %max3A_1083 = arith.maximumf %neg3A_1080, %max3A_1082 : vector<16xf32>
        %abs3A_1084 = math.absf %neg3A_1080 : vector<16xf32>
        %neg3A_1085 = arith.constant 0.000000e+00 : f32
        %neg3A_1086 = vector.broadcast %neg3A_1085 : f32 to vector<16xf32>
        %neg3A_1087 = arith.subf %neg3A_1086, %abs3A_1084 : vector<16xf32>
        %exp3A_1088 = math.exp %neg3A_1087 : vector<16xf32>
        %add3A_1089 = arith.constant 2.000000e+00 : f32
        %add3A_1090 = vector.broadcast %add3A_1089 : f32 to vector<16xf32>
        %add3A_1091 = arith.addf %exp3A_1088, %add3A_1090 : vector<16xf32>
        %div3A_1092 = arith.divf %exp3A_1088, %add3A_1091 : vector<16xf32>
        %mul3A_1093 = arith.mulf %div3A_1092, %div3A_1092 : vector<16xf32>
        %mul3A_1094 = arith.constant 0.222222224 : f32
        %mul3A_1095 = vector.broadcast %mul3A_1094 : f32 to vector<16xf32>
        %mul3A_1096 = arith.mulf %mul3A_1093, %mul3A_1095 : vector<16xf32>
        %add3A_1097 = arith.constant 0.285714298 : f32
        %add3A_1098 = vector.broadcast %add3A_1097 : f32 to vector<16xf32>
        %add3A_1099 = arith.addf %add3A_1098, %mul3A_1096 : vector<16xf32>
        %mul3A_1100 = arith.mulf %mul3A_1093, %add3A_1099 : vector<16xf32>
        %add3A_1101 = arith.constant 4.000000e-01 : f32
        %add3A_1102 = vector.broadcast %add3A_1101 : f32 to vector<16xf32>
        %add3A_1103 = arith.addf %add3A_1102, %mul3A_1100 : vector<16xf32>
        %mul3A_1104 = arith.mulf %mul3A_1093, %add3A_1103 : vector<16xf32>
        %add3A_1105 = arith.constant 0.666666686 : f32
        %add3A_1106 = vector.broadcast %add3A_1105 : f32 to vector<16xf32>
        %add3A_1107 = arith.addf %add3A_1106, %mul3A_1104 : vector<16xf32>
        %mul3A_1108 = arith.mulf %mul3A_1093, %add3A_1107 : vector<16xf32>
        %add3A_1109 = arith.constant 2.000000e+00 : f32
        %add3A_1110 = vector.broadcast %add3A_1109 : f32 to vector<16xf32>
        %add3A_1111 = arith.addf %add3A_1110, %mul3A_1108 : vector<16xf32>
        %mul3A_1112 = arith.mulf %div3A_1092, %add3A_1111 : vector<16xf32>
        %add3A_1113 = arith.addf %max3A_1083, %mul3A_1112 : vector<16xf32>
        %add3A_1114 = arith.addf %add3A_1077, %add3A_1113 : vector<16xf32>
        %mul3A_1115 = arith.constant 0.899999976 : f32
        %mul3A_1116 = vector.broadcast %mul3A_1115 : f32 to vector<16xf32>
        %mul3A_1117 = arith.mulf %mul3A_1116, %scan3A_262#20 : vector<16xf32>
        %add3A_1118 = arith.addf %add3A_1114, %mul3A_1117 : vector<16xf32>
        %mul3A_1119 = arith.constant 16 : i32
        %mul3A_1120 = arith.muli %scan3A_257, %mul3A_1119 : i32
        %swap3A = arith.index_cast %mul3A_1120 : i32 to index
        %swap3A_1121 = tpu.vector_load %arg14[%swap3A] {strides = array<i32>} : memref<64xf32, #tpu.memory_space<vmem>>, vector<16xf32>,
        tpu.vector_store %arg14[%swap3A], %add3A_1118 {strides = array<i32>} : memref<64xf32, #tpu.memory_space<vmem>>, vector<16xf32>,
      }
      %scan3A_256 = arith.constant 4 : i32
      "tpu.region"() ({
        %run_scoped3A = tpu.sem_alloc : memref<!tpu.dma_semaphore, #tpu.memory_space<semaphore_mem>>
        %dma_start3A_257 = tpu.memref_slice %arg7[%add3A_12] : memref<16384xf32, #tpu.memory_space<hbm>> -> memref<64xf32, #tpu.memory_space<hbm>>
        %dma_start3A_258 = tpu.memref_slice %arg7[%add3A_12] : memref<16384xf32, #tpu.memory_space<hbm>> -> memref<64xf32, #tpu.memory_space<hbm>>
        tpu.enqueue_dma source(%arg14 : memref<64xf32, #tpu.memory_space<vmem>>) target(%dma_start3A_258 : memref<64xf32, #tpu.memory_space<hbm>>) target_semaphore(%run_scoped3A : memref<!tpu.dma_semaphore, #tpu.memory_space<semaphore_mem>>)
        %dma_wait3A_259 = tpu.memref_slice %arg7[%add3A_12] : memref<16384xf32, #tpu.memory_space<hbm>> -> memref<64xf32, #tpu.memory_space<hbm>>
        %dma_wait3A_260 = tpu.memref_slice %arg7[%add3A_12] : memref<16384xf32, #tpu.memory_space<hbm>> -> memref<64xf32, #tpu.memory_space<hbm>>
        tpu.wait_dma2 semaphore(%run_scoped3A : memref<!tpu.dma_semaphore, #tpu.memory_space<semaphore_mem>>) src(%arg14 : memref<64xf32, #tpu.memory_space<vmem>>) dst(%dma_wait3A_260 : memref<64xf32, #tpu.memory_space<hbm>>)
        tpu.yield
      }) : () -> ()
    }
    %scan3A_8 = arith.constant 8 : i32
    return
  }
}

</mosaic_0001>

<sc_bundles>
// kernel: _skipgram_sc.3.cloned.1.call-start
scs
__scs_entry_jumppad:
0x0: {  	(pc) =	sbr.rel $0x88, $3  }
0x1: {  	(tag) =	ssettag $0x0;
	lr =	simm.s32 $0x1  }
0x2: {  	[smem:$0x3F9C] =	sst lr;
	_ =	strace $0xD0000000  }
0x3: {  	_ = 	snop  }
0x4: {  	_ = 	snop  }
0x5: {  	_ = 	snop  }
0x6: {  	_ = 	snop  }
0x7: {  	_ = 	snop  }
__scs_overlays_trampoline_lowered:
0x8: {  	[smem:$0x3FAB] =	sst s0  }
0x9: {  	[smem:$0x3FAC] =	sst s1  }
0xa: {  	[smem:$0x3FAD] =	sst s2  }
0xb: {  	[smem:$0x3FAE] =	sst s3  }
0xc: {  	[smem:$0x3FAF] =	sst s4  }
0xd: {  	[smem:$0x3FB0] =	sst s5  }
0xe: {  	[smem:$0x3FB1] =	sst s6  }
0xf: {  	[smem:$0x3FB2] =	sst s7  }
0x10: {  	[smem:$0x3FB3] =	sst s8  }
0x11: {  	[smem:$0x3FB4] =	sst s9;
	s0 =	simm.s32 @!p0 $0x0  }
0x12: {  	s1 =	sld [smem:$0x3F9A];
	s0 =	simm.s32 @p0 $0x1  }
0x13: {  	[smem:$0x3FB5] =	sst s0;
	s0 =	simm.s32 @!p1 $0x0  }
0x14: {  	s2 =	sld [smem:$0x3F99];
	s0 =	simm.s32 @p1 $0x1  }
0x15: {  	[smem:$0x3FB6] =	sst s0;
	s0 =	simm.s32 @!p2 $0x0  }
0x16: {  	s3 =	sld [smem:$0x3FDB];
	s0 =	simm.s32 @p2 $0x1  }
0x17: {  	s4 =	simm.s32 $0x1BF5;
	[smem:$0x3FB8] =	sst s0  }
0x18: {  	s0 =	sld [smem:$0x3F9B];
	_ =	swait.ge [sflag:s4], $0x0  }
0x19: {  	s7 =	sld [smem:$0x3F9C]  }
0x1a: {  	s8 =	sadd.s32 $0xFFFFE003, lr  }
0x1b: {  	s9 =	sadd.s32 $0xFFFFFEF7, lr;
	s5 =	simm.s32 $0xFFFFFFFF;
	p2 =	slt.u32 s8, $0xFFFFF086  }
0x1c: {  	p1 =	slt.u32 s9, $0xF7A;
	s5 =	simm.s32 @!p2 $0x0  }
0x1d: {  	s5 =	simm.s32 @p1 $0x1;
	p0 =	seq.s32 s7, s2  }
0x1e: {  	s7 =	smul.u32 @!p0 $0xF7A, s2;
	p2 =	seq.s32 @!p0 s5, $0x0  }
0x1f: {  	s9 =	smul.u32 $0xF7A, s1;
	s8 =	simm.s32 @!p0 $0x1BF5;
	p2 =	por !p2, p0  }
0x20: {  	[sflag:s8] =	ssyncset.s32 @!p0 $0xFFFFF086;
	s6 =	sadd.s32 @!p0 s3, s7;
	s7 =	simm.s32 @!p0 $0x108  }
0x21: {  	s3 =	sadd.s32 s3, s9;
	s6 =	sadd.s32 @!p0 $0x88, s6;
	s7 =	simm.s32 @p2 $0x1082  }
0x22: {  	[simem:s7], [sflag:s8] =	dma.local @!p0 [hbm:s6], $0xF7A  }
0x23: {  	s9 =	sor.u32 $0xD0000000, s2;
	s6 =	simm.s32 $0x108;
	_ =	swait.ge @!p0 [sflag:s8], $0x0  }
0x24: {  	s3 =	sadd.s32 $0x88, s3;
	s6 =	simm.s32 @!p1 $0x1082;
	[sflag:s4] =	ssyncset.s32 $0xFFFFF086  }
0x25: {  	[simem:s6], [sflag:s4] =	dma.local [hbm:s3], $0xF7A  }
0x26: {  	[smem:$0x3F9C] =	sst s1;
	(tag) =	ssettag s2;
	_ =	strace s9  }
0x27: {  	s1 =	sld [smem:$0x3FAC]  }
0x28: {  	s2 =	sld [smem:$0x3FAD]  }
0x29: {  	s4 =	sld [smem:$0x3FAF]  }
0x2a: {  	p0 =	seq.s32 s5, $0x0;
	s5 =	sld [smem:$0x3FB0]  }
0x2b: {  	s6 =	sld [smem:$0x3FB1]  }
0x2c: {  	s7 =	sld [smem:$0x3FB2]  }
0x2d: {  	s3 =	simm.s32 $0x108;
	s8 =	sld [smem:$0x3FB3]  }
0x2e: {  	s3 =	simm.s32 @!p0 $0x1082;
	s9 =	sld [smem:$0x3FB4]  }
0x2f: {  	lr =	sadd.s32 s0, s3;
	s0 =	sld [smem:$0x3FAB]  }
0x30: {  	s3 =	sld [smem:$0x3FAE]  }
0x31: {  	[smem:$0x3FB7] =	sst s10  }
0x32: {  	s10 =	sld [smem:$0x3FB5];
	_ =	sdelay $0x3  }
0x33: {  	p0 =	seq.s32 s10, $0x1;
	s10 =	sld [smem:$0x3FB7];
	_ =	sdelay $0x3  }
0x34: {  	[smem:$0x3FB7] =	sst s10  }
0x35: {  	s10 =	sld [smem:$0x3FB6];
	_ =	sdelay $0x3  }
0x36: {  	p1 =	seq.s32 s10, $0x1;
	s10 =	sld [smem:$0x3FB7];
	_ =	sdelay $0x3  }
0x37: {  	[smem:$0x3FB7] =	sst s10  }
0x38: {  	s10 =	sld [smem:$0x3FB8]  }
0x39: {  	_ = 	snop;
	(pc) =	sbr.ind lr, $3  }
0x3a: {  	_ = 	snop  }
0x3b: {  	_ = 	snop  }
0x3c: {  	p2 =	seq.s32 s10, $0x1;
	s10 =	sld [smem:$0x3FB7]  }
0x3d: {  	_ =	shalt  }
0x3e: {  	_ =	shalt  }
0x3f: {  	_ =	shalt  }
0x40: {  	_ =	shalt  }
0x41: {  	_ =	shalt  }
0x42: {  	_ =	shalt  }
0x43: {  	_ =	shalt  }
0x44: {  	_ =	shalt  }
0x45: {  	_ =	shalt  }
0x46: {  	_ =	shalt  }
0x47: {  	_ =	shalt  }
0x48: {  	_ =	shalt  }
0x49: {  	_ =	shalt  }
0x4a: {  	_ =	shalt  }
0x4b: {  	_ =	shalt  }
0x4c: {  	_ =	shalt  }
0x4d: {  	_ =	shalt  }
0x4e: {  	_ =	shalt  }
0x4f: {  	_ =	shalt  }
0x50: {  	_ =	shalt  }
0x51: {  	_ =	shalt  }
0x52: {  	_ =	shalt  }
0x53: {  	_ =	shalt  }
0x54: {  	_ =	shalt  }
0x55: {  	_ =	shalt  }
0x56: {  	_ =	shalt  }
0x57: {  	_ =	shalt  }
0x58: {  	_ =	shalt  }
0x59: {  	_ =	shalt  }
0x5a: {  	_ =	shalt  }
0x5b: {  	_ =	shalt  }
0x5c: {  	_ =	shalt  }
0x5d: {  	_ =	shalt  }
0x5e: {  	_ =	shalt  }
0x5f: {  	_ =	shalt  }
0x60: {  	_ =	shalt  }
0x61: {  	_ =	shalt  }
0x62: {  	_ =	shalt  }
0x63: {  	_ =	shalt  }
0x64: {  	_ =	shalt  }
0x65: {  	_ =	shalt  }
0x66: {  	_ =	shalt  }
0x67: {  	_ =	shalt  }
0x68: {  	_ =	shalt  }
0x69: {  	_ =	shalt  }
0x6a: {  	_ =	shalt  }
0x6b: {  	_ =	shalt  }
0x6c: {  	_ =	shalt  }
0x6d: {  	_ =	shalt  }
0x6e: {  	_ =	shalt  }
0x6f: {  	_ =	shalt  }
0x70: {  	_ =	shalt  }
0x71: {  	_ =	shalt  }
0x72: {  	_ =	shalt  }
0x73: {  	_ =	shalt  }
0x74: {  	_ =	shalt  }
0x75: {  	_ =	shalt  }
0x76: {  	_ =	shalt  }
0x77: {  	_ =	shalt  }
0x78: {  	_ =	shalt  }
0x79: {  	_ =	shalt  }
0x7a: {  	_ =	shalt  }
0x7b: {  	_ =	shalt  }
0x7c: {  	_ =	shalt  }
0x7d: {  	_ =	shalt  }
0x7e: {  	_ =	shalt  }
0x7f: {  	_ =	shalt  }
0x80: {  	_ =	shalt  }
0x81: {  	_ =	shalt  }
0x82: {  	_ =	shalt  }
0x83: {  	_ =	shalt  }
0x84: {  	_ =	shalt  }
0x85: {  	_ =	shalt  }
0x86: {  	_ =	shalt  }
0x87: {  	_ =	shalt  }
.Lfunc_end0:
.L_simem_size_0:
called_computation_lowered:
.L_overlay_start_0:
0x88: {  	s2 =	sld [smem:$0x3FD9]  }
0x89: {  	s3 =	sld [smem:$0x3FFE];
	_ =	sdelay $0x1  }
0x8a: {  	s1 =	srdreg.scid  }
0x8b: {  	s0 =	sand.u32 $0x1, s1  }
0x8c: {  	s17 =	sshll.u32 s0, $0xA;
	s2 =	sadd.s32 s3, s2  }
0x8d: {  	s2 =	sadd.s32 s2, s17  }
0x8e: {  	[smem:$0x3FC3] =	sst s2  }
0x8f: {  	_ = 	snop  }
0x90: {  	s2 =	sld [smem:$0x3FC9]  }
0x91: {  	s18 =	sld [smem:$0x3FC8]  }
0x92: {  	s4 =	sld [smem:$0x3FC7]  }
0x93: {  	s5 =	sld [smem:$0x3FD0];
	(tm) =	ssettm $0x1  }
0x94: {  	s6 =	sld [smem:$0x3FFB];
	_ =	sdelay $0x3  }
0x95: {  	_ =	strace s6  }
0x96: {  	s6 =	sld [smem:$0x3FFC];
	_ =	sdelay $0x3  }
0x97: {  	_ =	strace s6  }
0x98: {  	s6 =	sld [smem:$0x3FFD];
	_ =	sdelay $0x3  }
0x99: {  	_ =	strace s6  }
0x9a: {  	_ =	strace $0x8FFFFFFF  }
0x9b: {  	s19 =	sld [smem:$0x3FDB];
	_ =	sdelay $0x1  }
0x9c: {  	s7 =	simm.s32 $_scs_section_size  }
0x9d: {  	s8 =	simm.s32 $_size__tile_overlayer_lowered;
	s9 =	simm.s32 $_tile_overlayer_lowered  }
0x9e: {  	s22 =	simm.s32 $0x1BFF;
	s21 =	sshll.u32 s9, $0x1;
	s6 =	sadd.s32 s7, s19  }
0x9f: {  	s10 =	simm.s32 $0x0;
	s20 =	sshll.u32 s8, $0x1;
	s8 =	sadd.s32 s21, s6  }
0xa0: {  	[timem:s10], [sflag:s22] =	dma.local [hbm:s8], s20  }
0xa1: {  	_ =	swait.ge [sflag:s22], s20  }
0xa2: {  	s7 =	ssub.s32 $0x0, s20;
	[sflag:s22] =	ssyncset.done $0x0  }
0xa3: {  	[sflag:s22] =	ssyncadd.s32 s7;
	_ =	sdelay $0x1  }
0xa4: {  	s23 =	simm.s32 $0x1B8B  }
0xa5: {  	_ =	swait.ge [sflag:s23], $0x1  }
0xa6: {  	[sflag:s23] =	ssyncset.done $0x0  }
0xa7: {  	s25 =	simm.s32 $0x1B8E;
	s24 =	sld [smem:$0x3FFE];
	[sflag:s23] =	ssyncadd.s32 $0xFFFFFFFF  }
0xa8: {  	s26 =	simm.s32 $execute0_lowered;
	[smem:$0x3FD2] =	sst s25  }
0xa9: {  	s8 =	sshll.u32 s26, $0x1;
	_ =	strace $0x80000046;
	[dreg:$0x1] =	wrdreg $0xFFFFFFFF  }
0xaa: {  	s28 =	simm.s32 $_size_execute0_lowered;
	s6 =	sadd.s32 s6, s8;
	[dreg:$0x0] =	wrdreg $0x0  }
0xab: {  	s8 =	sshll.u32 s28, $0x1;
	[dreg:$0x2] =	wrdreg s6  }
0xac: {  	[dreg:$0x3] =	wrdreg s8  }
0xad: {  	[dreg:$0x4] =	wrdreg $0xC0  }
0xae: {  	_ =	task [dreg:s10], $0x5FFFF  }
0xaf: {  	[dreg:$0x1] =	wrdreg $0xFFFFFFFF  }
0xb0: {  	[dreg:$0x0] =	wrdreg $0x60  }
0xb1: {  	[dreg:$0x2] =	wrdreg s2  }
0xb2: {  	[dreg:$0x3] =	wrdreg s18  }
0xb3: {  	[dreg:$0x4] =	wrdreg s4  }
0xb4: {  	[dreg:$0x5] =	wrdreg s24  }
0xb5: {  	[dreg:$0x6] =	wrdreg s5  }
0xb6: {  	[dreg:$0x7] =	wrdreg $0x9  }
0xb7: {  	_ =	task.clear_ibuf [dreg:s10], $0x8FFFF;
	_ =	strace $0x90000046  }
0xb8: {  	s29 =	simm.s32 $0x9;
	_ =	strace $0x80000048  }
0xb9: {  	_ =	swait.ge [sflag:s29], $0x1  }
0xba: {  	[sflag:s29] =	ssyncadd.s32 $0xFFFFFFFF  }
0xbb: {  	_ =	strace $0x90000048  }
0xbc: {  	_ =	sfence  }
0xbd: {  	s30 =	sld [smem:$0x0];
	_ =	sdelay $0x2  }
0xbe: {  	s31 =	sshll.u32 s1, $0xD;
	s1 =	sshrl.u32 s1, $0x2  }
0xbf: {  	s3 =	sand.u32 $0x4000, s31;
	s1 =	sadd.s32 s1, s30  }
0xc0: {  	s0 =	sor.u32 s3, s0;
	s1 =	sshll.u32 s1, $0x11  }
0xc1: {  	s0 =	sor.u32 s1, s0  }
0xc2: {  	s0 =	sadd.s32 $0x8F2B, s0  }
0xc3: {  	[sflag:s0] =	ssyncadd.remote.s32 $0x1  }
0xc4: {  	_ =	sfence.sel $0xFFFF  }
0xc5: {  	[dreg:$0x0] =	wrdreg $0xFFFFFFFF;
	(pc) =	sbr.abs _section_cstart, $3  }
0xc6: {  	[dreg:$0x1] =	wrdreg $0xFFFFFFFF  }
0xc7: {  	_ =	task.clear_ibuf [dreg:s10], $0x2FFFF;
	_ =	strace $0x9FFFFFFF  }
0xc8: {  	(tm) =	ssettm $0x7FFFFFFF  }
0xc9: {  	_ =	shalt  }
tec
execute0_lowered:
.L_overlay_start_1:
0x0: {  	(tag) =	ssettag $0x1  }
0x1: {  	s0 =	rddreg [dreg:$0x0]  }
0x2: {  	s1 =	rddreg [dreg:$0x1]  }
0x3: {  	s2 =	rddreg [dreg:$0x2]  }
0x4: {  	s5 =	rddreg [dreg:$0x3];
	s3 =	simm.s32 $0x0;
	s4 =	srdreg.scid  }
0x5: {  	s7 =	stileid.u32;
	s11 =	simm.s32 $0x2;
	s14 =	simm.s32 $0x40  }
0x6: {  	s17 =	simm.s32 $0x80;
	s18 =	simm.s32 $0x4C00;
	s19 =	simm.s32 $0x6C00  }
0x7: {  	s20 =	simm.s32 $0x8C00;
	s21 =	simm.s32 $0xAC00;
	s22 =	simm.s32 $0xCC00  }
0x8: {  	s23 =	simm.s32 $0xEC00;
	s28 =	simm.s32 $0x16C00;
	s29 =	simm.s32 $0x1  }
0x9: {  	s30 =	simm.s32 $0x18C00;
	s12 =	simm.s32 $0x0;
	[smem:$0x7FF] =	sst s3  }
0xa: {  	s6 =	sand.u32 $0x1, s4;
	s7 =	sshll.u32 s7, $0x1;
	s4 =	sadd.s32 $0xF42800, s5  }
0xb: {  	s5 =	sadd.s32 $0x16E3A00, s5;
	s8 =	ssub.s32 $0x2, s6;
	s7 =	sor.u32 s6, s7  }
0xc: {  	s9 =	smul.u32 $0x500, s7;
	s6 =	sshll.u32 s7, $0x9;
	s7 =	sshll.u32 s7, $0x6  }
0xd: {  	_ =	strace $0x80000047;
	s24 =	sshrl.u32 s8, $0x1;
	s0 =	sadd.s32 s0, s7  }
0xe: {  	s8 =	ssub.s32 s8, s24;
	s25 =	sadd.s32 s1, s7;
	[dreg:$0x6] =	wrdreg s0  }
0xf: {  	s24 =	simm.s32 $0x10C00;
	[dreg:$0x7] =	wrdreg s25;
	s26 =	sadd.s32 s2, s9  }
0x10: {  	s1 =	simm.s32 $0x0;
	s31 =	smax.u32 s8, $0x1;
	[dreg:$0x8] =	wrdreg s26  }
0x11: {  	v0 =	vlaneseq.u32;
	s25 =	simm.s32 $0x12C00;
	[dreg:$0x9] =	wrdreg s31;
	s26 =	simm.s32 $0x14C00  }
.LBB2_1:
0x12: {  	[dreg:$0xa] =	wrdreg s1  }
0x13: {  	s0 =	rddreg [dreg:$0x6]  }
0x14: {  	[tilespmem:s3], [sflag:$0x2] =	stream.linear.gather [hbm4b:s0+s3], $0x200, $0x38;
	[tilespmem:$0x18C40] =	vst v63  }
0x15: {  	_ =	swait.ge [sflag:s11], $0x200  }
0x16: {  	[sflag:s11] =	ssyncset.done $0x0  }
0x17: {  	s15 =	simm.s32 $0x200;
	s13 =	rddreg [dreg:$0x7];
	[sflag:s11] =	ssyncadd.s32 $0xFFFFFE00  }
0x18: {  	[tilespmem:s15], [sflag:$0x2] =	stream.linear.gather [hbm4b:s13+s3], $0x200, $0x38;
	[tilespmem:$0x18C40] =	vst v63  }
0x19: {  	_ =	swait.ge [sflag:s11], $0x200  }
0x1a: {  	[sflag:s11] =	ssyncset.done $0x0  }
0x1b: {  	s31 =	simm.s32 $0x400;
	s16 =	rddreg [dreg:$0x8];
	[sflag:s11] =	ssyncadd.s32 $0xFFFFFE00  }
0x1c: {  	[tilespmem:s31], [sflag:$0x2] =	stream.linear.gather [hbm4b:s16+s3], $0x2800, $0x38;
	[tilespmem:$0x18C40] =	vst v63  }
0x1d: {  	_ =	swait.ge [sflag:s11], $0x2800  }
0x1e: {  	[sflag:s11] =	ssyncset.done $0x0  }
0x1f: {  	s0 =	simm.s32 $0x0;
	[sflag:s11] =	ssyncadd.s32 $0xFFFFD800  }
.LBB2_2:
0x20: {  	s2 =	sshll.u32 s0, $0x6;
	s1 =	simm.s32 $0x2C00;
	s7 =	smul.u32 $0x1400, s0  }
0x21: {  	[tilespmem:s1], [sflag:$0x1] =	stream.indirect.gather [hbm4b:s4+s14], $0x40, s2, s14, $0xb8;
	[tilespmem:$0x18C40] =	vst v63  }
0x22: {  	s8 =	simm.s32 $0x3C00;
	s16 =	sadd.s32 $0x200, s2;
	s1 =	sshra.s32 s7, $0x2  }
0x23: {  	[tilespmem:s8], [sflag:$0x1] =	stream.indirect.gather [hbm4b:s5+s14], $0x40, s16, s14, $0xb8;
	[tilespmem:$0x18C40] =	vst v63  }
0x24: {  	s7 =	sadd.s32 $0x400, s1  }
0x25: {  	[tilespmem:s18], [sflag:$0x1] =	stream.indirect.gather [hbm4b:s5+s17], $0x40, s7, s17, $0xb8;
	[tilespmem:$0x18C40] =	vst v63  }
0x26: {  	s31 =	sadd.s32 $0x480, s1  }
0x27: {  	[tilespmem:s19], [sflag:$0x1] =	stream.indirect.gather [hbm4b:s5+s17], $0x40, s31, s17, $0xb8;
	[tilespmem:$0x18C40] =	vst v63  }
0x28: {  	s8 =	sadd.s32 $0x500, s1  }
0x29: {  	[tilespmem:s20], [sflag:$0x1] =	stream.indirect.gather [hbm4b:s5+s17], $0x40, s8, s17, $0xb8;
	[tilespmem:$0x18C40] =	vst v63  }
0x2a: {  	s9 =	sadd.s32 $0x580, s1  }
0x2b: {  	[tilespmem:s21], [sflag:$0x1] =	stream.indirect.gather [hbm4b:s5+s17], $0x40, s9, s17, $0xb8;
	[tilespmem:$0x18C40] =	vst v63  }
0x2c: {  	s10 =	sadd.s32 $0x600, s1  }
0x2d: {  	[tilespmem:s22], [sflag:$0x1] =	stream.indirect.gather [hbm4b:s5+s17], $0x40, s10, s17, $0xb8;
	[tilespmem:$0x18C40] =	vst v63  }
0x2e: {  	s13 =	sadd.s32 $0x680, s1  }
0x2f: {  	[tilespmem:s23], [sflag:$0x1] =	stream.indirect.gather [hbm4b:s5+s17], $0x40, s13, s17, $0xb8;
	[tilespmem:$0x18C40] =	vst v63  }
0x30: {  	s15 =	sadd.s32 $0x700, s1  }
0x31: {  	[tilespmem:s24], [sflag:$0x1] =	stream.indirect.gather [hbm4b:s5+s17], $0x40, s15, s17, $0xb8;
	[tilespmem:$0x18C40] =	vst v63  }
0x32: {  	s16 =	sadd.s32 $0x780, s1  }
0x33: {  	[tilespmem:s25], [sflag:$0x1] =	stream.indirect.gather [hbm4b:s5+s17], $0x40, s16, s17, $0xb8;
	[tilespmem:$0x18C40] =	vst v63  }
0x34: {  	s31 =	sadd.s32 $0x800, s1  }
0x35: {  	[tilespmem:s26], [sflag:$0x1] =	stream.indirect.gather [hbm4b:s5+s17], $0x40, s31, s17, $0xb8;
	[tilespmem:$0x18C40] =	vst v63  }
0x36: {  	s1 =	sadd.s32 $0x880, s1  }
0x37: {  	[tilespmem:s28], [sflag:$0x1] =	stream.indirect.gather [hbm4b:s5+s17], $0x40, s1, s17, $0xb8;
	[tilespmem:$0x18C40] =	vst v63  }
0x38: {  	_ =	swait.ge [sflag:s29], $0x1000  }
0x39: {  	[sflag:s29] =	ssyncset.done $0x0  }
0x3a: {  	[sflag:s29] =	ssyncadd.s32 $0xFFFFF000  }
0x3b: {  	_ =	swait.ge [sflag:s29], $0x1000  }
0x3c: {  	[sflag:s29] =	ssyncset.done $0x0  }
0x3d: {  	[sflag:s29] =	ssyncadd.s32 $0xFFFFF000  }
0x3e: {  	_ =	swait.ge [sflag:s29], $0x2000  }
0x3f: {  	[sflag:s29] =	ssyncset.done $0x0  }
0x40: {  	[sflag:s29] =	ssyncadd.s32 $0xFFFFE000  }
0x41: {  	_ =	swait.ge [sflag:s29], $0x2000  }
0x42: {  	[sflag:s29] =	ssyncset.done $0x0  }
0x43: {  	[sflag:s29] =	ssyncadd.s32 $0xFFFFE000  }
0x44: {  	_ =	swait.ge [sflag:s29], $0x2000  }
0x45: {  	[sflag:s29] =	ssyncset.done $0x0  }
0x46: {  	[sflag:s29] =	ssyncadd.s32 $0xFFFFE000  }
0x47: {  	_ =	swait.ge [sflag:s29], $0x2000  }
0x48: {  	[sflag:s29] =	ssyncset.done $0x0  }
0x49: {  	[sflag:s29] =	ssyncadd.s32 $0xFFFFE000  }
0x4a: {  	_ =	swait.ge [sflag:s29], $0x2000  }
0x4b: {  	[sflag:s29] =	ssyncset.done $0x0  }
0x4c: {  	[sflag:s29] =	ssyncadd.s32 $0xFFFFE000  }
0x4d: {  	_ =	swait.ge [sflag:s29], $0x2000  }
0x4e: {  	[sflag:s29] =	ssyncset.done $0x0  }
0x4f: {  	[sflag:s29] =	ssyncadd.s32 $0xFFFFE000  }
0x50: {  	_ =	swait.ge [sflag:s29], $0x2000  }
0x51: {  	[sflag:s29] =	ssyncset.done $0x0  }
0x52: {  	[sflag:s29] =	ssyncadd.s32 $0xFFFFE000  }
0x53: {  	_ =	swait.ge [sflag:s29], $0x2000  }
0x54: {  	[sflag:s29] =	ssyncset.done $0x0  }
0x55: {  	[sflag:s29] =	ssyncadd.s32 $0xFFFFE000  }
0x56: {  	_ =	swait.ge [sflag:s29], $0x2000  }
0x57: {  	[sflag:s29] =	ssyncset.done $0x0  }
0x58: {  	[sflag:s29] =	ssyncadd.s32 $0xFFFFE000  }
0x59: {  	_ =	swait.ge [sflag:s29], $0x2000  }
0x5a: {  	s7 =	simm.s32 $0x3C20;
	s8 =	simm.s32 $0x2C20;
	[sflag:s29] =	ssyncset.done $0x0  }
0x5b: {  	s9 =	simm.s32 $0x0;
	s13 =	simm.s32 $0x4E80;
	[sflag:s29] =	ssyncadd.s32 $0xFFFFE000  }
.LBB2_3:
0x5c: {  	v5 =	vld [tilespmem:s7+$0x10]  }
0x5d: {  	v6 =	vld [tilespmem:s7+$0x0]  }
0x5e: {  	v7 =	vld [tilespmem:s7+$0xFFFFFFE0]  }
0x5f: {  	v8 =	vld [tilespmem:s7+$0xFFFFFFF0]  }
0x60: {  	v1 =	vld [tilespmem:s8+$0xFFFFFFE0]  }
0x61: {  	v4 =	vld [tilespmem:s8+$0xFFFFFFF0]  }
0x62: {  	v9 =	vld [tilespmem:s13+$0x240]  }
0x63: {  	v10 =	vld [tilespmem:s13+$0x250]  }
0x64: {  	v3 =	vld [tilespmem:s8+$0x0]  }
0x65: {  	v11 =	vld [tilespmem:s13+$0x260]  }
0x66: {  	v2 =	vld [tilespmem:s8+$0x10]  }
0x67: {  	v12 =	vld [tilespmem:s13+$0x270]  }
0x68: {  	v13 =	vld [tilespmem:s13+$0xFFFFFD80]  }
0x69: {  	v14 =	vld [tilespmem:s13+$0xFFFFFD90]  }
0x6a: {  	v15 =	vld [tilespmem:s13+$0xFFFFFDC0]  }
0x6b: {  	v16 =	vld [tilespmem:s13+$0xFFFFFDD0]  }
0x6c: {  	v17 =	vld [tilespmem:s13+$0xFFFFFE00]  }
0x6d: {  	v18 =	vld [tilespmem:s13+$0xFFFFFE10]  }
0x6e: {  	v19 =	vld [tilespmem:s13+$0xFFFFFE40]  }
0x6f: {  	v20 =	vld [tilespmem:s13+$0xFFFFFE50]  }
0x70: {  	v21 =	vld [tilespmem:s13+$0xFFFFFE80]  }
0x71: {  	v22 =	vld [tilespmem:s13+$0xFFFFFE90]  }
0x72: {  	v23 =	vld [tilespmem:s13+$0xFFFFFEC0]  }
0x73: {  	v24 =	vld [tilespmem:s13+$0xFFFFFED0]  }
0x74: {  	v25 =	vld [tilespmem:s13+$0xFFFFFF00]  }
0x75: {  	v26 =	vld [tilespmem:s13+$0xFFFFFF10]  }
0x76: {  	v27 =	vld [tilespmem:s13+$0xFFFFFF40]  }
0x77: {  	v28 =	vld [tilespmem:s13+$0xFFFFFF50]  }
0x78: {  	v29 =	vld [tilespmem:s13+$0xFFFFFF80]  }
0x79: {  	v30 =	vld [tilespmem:s13+$0xFFFFFF90]  }
0x7a: {  	v31 =	vld [tilespmem:s13+$0xFFFFFFC0]  }
0x7b: {  	v32 =	vld [tilespmem:s13+$0xFFFFFFD0]  }
0x7c: {  	v33 =	vld [tilespmem:s13+$0x0]  }
0x7d: {  	v34 =	vld [tilespmem:s13+$0x10]  }
0x7e: {  	v35 =	vld [tilespmem:s13+$0x40]  }
0x7f: {  	v36 =	vld [tilespmem:s13+$0x50]  }
0x80: {  	v37 =	vld [tilespmem:s13+$0x90]  }
0x81: {  	v38 =	vld [tilespmem:s13+$0xD0]  }
0x82: {  	v39 =	vld [tilespmem:s13+$0x110];
	v9 =	vmul.f32 v9, v1;
	v10 =	vmul.f32 v10, v4  }
0x83: {  	v40 =	vld [tilespmem:s13+$0x180];
	v7 =	vmul.f32 v7, v1;
	v8 =	vmul.f32 v8, v4  }
0x84: {  	v41 =	vld [tilespmem:s13+$0x1C0];
	v6 =	vmul.f32 v6, v3;
	v5 =	vmul.f32 v5, v2  }
0x85: {  	v42 =	vld [tilespmem:s13+$0xFFFFFE60];
	v15 =	vmul.f32 v15, v1;
	v16 =	vmul.f32 v16, v4  }
0x86: {  	v54 =	vld [tilespmem:s13+$0xFFFFFEE0];
	v28 =	vmul.f32 v28, v4;
	v55 =	vmul.f32 v34, v4  }
0x87: {  	v56 =	vld [tilespmem:s13+$0xFFFFFF20];
	v57 =	vmul.f32 v36, v4;
	v60 =	vmul.f32 v38, v4  }
0x88: {  	v58 =	vld [tilespmem:s13+$0xFFFFFF60];
	v62 =	vmul.f32 v39, v4;
	v49 =	vmul.f32 v40, v1  }
0x89: {  	v59 =	vld [tilespmem:s13+$0xFFFFFFA0];
	v50 =	vmul.f32 v41, v1;
	v9 =	vadd.f32 v10, v9;
	v10 =	vmul.f32 v11, v3  }
0x8a: {  	v11 =	vld [tilespmem:s13+$0x80];
	v7 =	vadd.f32 v8, v7;
	v15 =	vadd.f32 v16, v15;
	v16 =	vmul.f32 v21, v1  }
0x8b: {  	v8 =	vld [tilespmem:s13+$0x150];
	v21 =	vmul.f32 v22, v4;
	v9 =	vadd.f32 v10, v9;
	v10 =	vmul.f32 v12, v2  }
0x8c: {  	v61 =	vld [tilespmem:s13+$0xFFFFFFE0];
	v6 =	vadd.f32 v6, v7;
	v7 =	vmul.f32 v13, v1;
	v13 =	vmul.f32 v14, v4  }
0x8d: {  	v63 =	vld [tilespmem:s13+$0x20];
	v16 =	vadd.f32 v21, v16;
	v21 =	vmul.f32 v26, v4;
	v9 =	vadd.f32 v10, v9  }
0x8e: {  	v12 =	vld [tilespmem:s13+$0xC0];
	v5 =	vadd.f32 v5, v6;
	v6 =	vmul.f32 v17, v1;
	v17 =	vmul.f32 v18, v4  }
0x8f: {  	v53 =	vld [tilespmem:s13+$0xFFFFFDB0];
	v7 =	vadd.f32 v13, v7;
	v13 =	vmul.f32 v19, v1;
	v19 =	vmul.f32 v20, v4  }
0x90: {  	v10 =	vld [tilespmem:s13+$0x100];
	v11 =	vmul.f32 v11, v1;
	v8 =	vmul.f32 v8, v4;
	(xrf2) =	vadd.scan.msk.f32 $0xffff, v9;
	v6 =	vadd.f32 v17, v6  }
0x91: {  	v20 =	vld [tilespmem:s13+$0x200];
	v17 =	vmul.f32 v23, v1;
	v23 =	vmul.f32 v24, v4;
	(xrf2) =	vadd.scan.msk.f32 $0xffff, v5;
	v5 =	vadd.f32 v19, v13  }
0x92: {  	v18 =	vld [tilespmem:s13+$0x1D0];
	v13 =	vmul.f32 v25, v1;
	v25 =	vmul.f32 v27, v1;
	v27 =	vmov s12  }
0x93: {  	v48 =	vld [tilespmem:s13+$0xA0];
	v12 =	vmul.f32 v12, v1;
	vm0 =	veq.s32 v27, v0;
	v27 =	vmul.f32 v29, v1  }
0x94: {  	v51 =	vld [tilespmem:s13+$0x120];
	v29 =	vmul.f32 v30, v4;
	v21 =	vadd.f32 v21, v13;
	v13 =	vmul.f32 v31, v1  }
0x95: {  	v9 =	vld [tilespmem:s13+$0x140];
	v31 =	vmul.f32 v32, v4;
	v25 =	vadd.f32 v28, v25;
	v28 =	vmul.f32 v33, v1  }
0x96: {  	v19 =	vld [tilespmem:s13+$0xFFFFFDE0];
	v17 =	vadd.f32 v23, v17;
	v10 =	vmul.f32 v10, v1;
	v20 =	vmul.f32 v20, v1  }
0x97: {  	v22 =	vld [tilespmem:s13+$0x210];
	v12 =	vadd.f32 v60, v12;
	v18 =	vmul.f32 v18, v4;
	v32 =	vmul.f32 v53, v2  }
0x98: {  	v14 =	vld [tilespmem:s13+$0x190];
	v33 =	vmul.f32 v48, v3;
	v27 =	vadd.f32 v29, v27;
	v29 =	vmul.f32 v35, v1  }
0x99: {  	v44 =	vld [tilespmem:s13+$0x60];
	v31 =	vadd.f32 v31, v13;
	v13 =	vmul.f32 v37, v4;
	v28 =	vadd.f32 v55, v28  }
0x9a: {  	v52 =	vld [tilespmem:s13+$0x220];
	v9 =	vmul.f32 v9, v1;
	v10 =	vadd.f32 v62, v10;
	v18 =	vadd.f32 v18, v50  }
0x9b: {  	v26 =	vld [tilespmem:s13+$0xFFFFFE20];
	v62 =	vmul.f32 v51, v3;
	v29 =	vadd.f32 v57, v29;
	v19 =	vmul.f32 v19, v3  }
0x9c: {  	v24 =	vld [tilespmem:s13+$0xFFFFFDA0];
	v57 =	vmul.f32 v63, v3;
	v11 =	vadd.f32 v13, v11;
	v8 =	vadd.f32 v8, v9  }
0x9d: {  	v30 =	vld [tilespmem:s13+$0xFFFFFEA0];
	v9 =	vmul.f32 v14, v4;
	v4 =	vmul.f32 v22, v4;
	v10 =	vadd.f32 v62, v10  }
0x9e: {  	v60 =	vld [tilespmem:s13+$0xFFFFFF30];
	v15 =	vadd.f32 v19, v15;
	v19 =	vmul.f32 v42, v3;
	v28 =	vadd.f32 v57, v28  }
0x9f: {  	v55 =	vld [tilespmem:s13+$0xFFFFFDF0];
	v13 =	vimm.f32 $0.0e+00;
	v9 =	vadd.f32 v9, v49;
	v4 =	vadd.f32 v4, v20  }
0xa0: {  	v14 =	vld [tilespmem:s13+$0xE0];
	v20 =	vmul.f32 v26, v3;
	v23, _, _ =	vpop (xrf2);
	v5 =	vadd.f32 v19, v5;
	v19 =	vmul.f32 v56, v3  }
0xa1: {  	v63 =	vld [tilespmem:s13+$0xFFFFFFB0];
	v11 =	vadd.f32 v33, v11;
	v56 =	vmul.f32 v61, v3;
	v23 =	vbroadcast v23, $0xF  }
0xa2: {  	v22 =	vld [tilespmem:s13+$0x160];
	v43, _, _ =	vpop (xrf2);
	v6 =	vadd.f32 v20, v6;
	v20 =	vmul.f32 v30, v3;
	v30 =	vmul.f32 v54, v3  }
0xa3: {  	v26 =	vld [tilespmem:s13+$0x1E0];
	v54 =	vmul.f32 v58, v3;
	v43 =	vbroadcast v43, $0xF;
	v19 =	vadd.f32 v19, v21  }
0xa4: {  	v21 =	vmul.f32 v59, v3;
	v1 =	vsel vm0, v23, v13;
	v23 =	vmul.f32 v24, v3;
	v24 =	vld [tilespmem:s13+$0x1A0]  }
0xa5: {  	v31 =	vadd.f32 v56, v31;
	v14 =	vmul.f32 v14, v3;
	v16 =	vadd.f32 v20, v16;
	v20 =	vld [tilespmem:s13+$0xFFFFFE30]  }
0xa6: {  	v59 =	vld [tilespmem:s13+$0xFFFFFEF0];
	v21 =	vadd.f32 v21, v27;
	v27 =	vmul.f32 v44, v3;
	v7 =	vadd.f32 v23, v7  }
0xa7: {  	v22 =	vmul.f32 v22, v3;
	v17 =	vadd.f32 v30, v17;
	v25 =	vadd.f32 v54, v25;
	v30 =	vld [tilespmem:s13+$0xFFFFFE70]  }
0xa8: {  	v58 =	vld [tilespmem:s13+$0xFFFFFEB0];
	v27 =	vadd.f32 v27, v29;
	v29 =	vmul.f32 v55, v2;
	v7 =	vadd.f32 v32, v7  }
0xa9: {  	v61 =	vld [tilespmem:s13+$0xFFFFFF70];
	v8 =	vadd.f32 v22, v8;
	v23 =	vsel vm0, v43, v13;
	v24 =	vmul.f32 v24, v3  }
0xaa: {  	v22 =	vld [tilespmem:s13+$0x70];
	v15 =	vadd.f32 v29, v15;
	(xrf2) =	vadd.scan.msk.f32 $0xffff, v7;
	v7 =	vadd.f32 v14, v12;
	v12 =	vmul.f32 v20, v2  }
0xab: {  	vm0 =	vmmov vm0;
	v29 =	vld [tilespmem:s13+$0xFFFFFFF0];
	v20 =	vmul.f32 v26, v3;
	v3 =	vmul.f32 v52, v3  }
0xac: {  	v14 =	vld [tilespmem:s13+$0x30];
	v9 =	vadd.f32 v24, v9;
	(xrf2) =	vadd.scan.msk.f32 $0xffff, v15;
	v15 =	vmul.f32 v30, v2;
	v24 =	vmul.f32 v59, v2  }
0xad: {  	v6 =	vadd.f32 v12, v6;
	v12 =	vld [tilespmem:s13+$0xB0];
	v18 =	vadd.f32 v20, v18;
	v20 =	vmul.f32 v58, v2  }
0xae: {  	v26 =	vld [tilespmem:s13+$0xF0];
	v3 =	vadd.f32 v3, v4;
	v4 =	vadd.f32 v15, v5;
	v5 =	vmul.f32 v60, v2  }
0xaf: {  	v15 =	vld [tilespmem:s13+$0x130];
	(xrf2) =	vadd.scan.msk.f32 $0xffff, v6;
	v6 =	vadd.f32 v20, v16;
	v20 =	vadd.f32 v24, v17;
	v16 =	vmul.f32 v61, v2  }
0xb0: {  	v17 =	vld [tilespmem:s13+$0x170];
	v40 =	vadd.f32 v5, v19;
	v5 =	vmul.f32 v63, v2;
	v19 =	vmul.f32 v29, v2  }
0xb1: {  	v24 =	vld [tilespmem:s13+$0x1B0];
	v14 =	vmul.f32 v14, v2;
	v39 =	vadd.f32 v16, v25;
	v16 =	vmul.f32 v22, v2  }
0xb2: {  	v22 =	vld [tilespmem:s13+$0x1F0];
	v38 =	vadd.f32 v5, v21;
	v36 =	vadd.f32 v19, v31;
	v5 =	vmul.f32 v12, v2  }
0xb3: {  	v35 =	vadd.f32 v14, v28;
	v14 =	vmul.f32 v26, v2;
	v21 =	vimm.f32 $0.0e+00  }
0xb4: {  	v19 =	vimm.f32 $0.0e+00;
	v34 =	vadd.f32 v16, v27;
	v33 =	vadd.f32 v5, v11  }
0xb5: {  	v12 =	vld [tilespmem:s13+$0x230];
	v5 =	vmul.f32 v15, v2;
	v32 =	vadd.f32 v14, v7;
	v7 =	vmul.f32 v17, v2;
	v16, _, _ =	vpop (xrf2)  }
0xb6: {  	s10 =	sadd.s32 $0x500, s13;
	v14 =	vmul.f32 v24, v2;
	(xrf2) =	vadd.scan.msk.f32 $0xffff, v4;
	v4 =	vimm.f32 $0.0e+00;
	v11 =	vbroadcast v16, $0xF  }
0xb7: {  	v45 =	vld [tilespmem:s10+$0x240];
	v31 =	vadd.f32 v5, v10;
	v5 =	vmul.f32 v22, v2;
	v30 =	vadd.f32 v7, v8  }
0xb8: {  	s1 =	sadd.s32 $0x40, s7;
	v46 =	vld [tilespmem:s10+$0x250];
	v29 =	vadd.f32 v14, v9;
	v22 =	vimm.f32 $0.0e+00;
	v9 =	vimm.f32 $0.0e+00  }
0xb9: {  	v44 =	vld [tilespmem:s1+$0xFFFFFFF0];
	v15, _, _ =	vpop (xrf2);
	v8 =	vimm.f32 $0.0e+00;
	(xrf2) =	vadd.scan.msk.f32 $0xffff, v6;
	v7 =	vimm.f32 $0.0e+00;
	v6 =	vimm.f32 $0.0e+00  }
0xba: {  	s15 =	sadd.s32 $0x40, s8;
	v43 =	vld [tilespmem:s1+$0xFFFFFFE0];
	v10 =	vbroadcast v15, $0xF;
	v2 =	vmul.f32 v12, v2;
	v15 =	vimm.f32 $0.0e+00  }
0xbb: {  	v17 =	vld [tilespmem:s15+$0xFFFFFFE0];
	v12 =	vimm.f32 $0.0e+00;
	v25 =	vsel vm0, v11, v13;
	v28 =	vadd.f32 v5, v18  }
0xbc: {  	v16 =	vld [tilespmem:s15+$0xFFFFFFF0];
	v18 =	vimm.f32 $0.0e+00;
	v11 =	vimm.f32 $0.0e+00;
	v24 =	vsel vm0, v10, v13;
	v5, _, _ =	vpop (xrf2);
	(xrf2) =	vadd.scan.msk.f32 $0xffff, v20  }
0xbd: {  	v41 =	vld [tilespmem:s1+$0x10];
	v26 =	vadd.f32 v2, v3;
	v10 =	vimm.f32 $0.0e+00;
	v3 =	vimm.f32 $0.0e+00  }
0xbe: {  	s31 =	simm.s32 $0x1;
	s16 =	simm.s32 $0x2;
	v42 =	vld [tilespmem:s1+$0x0];
	v2 =	vimm.f32 $0.0e+00;
	v37 =	vbroadcast v5, $0xF;
	v5 =	vimm.f32 $0.0e+00  }
.LBB2_4:
0xbf: {  	p0 =	sne.s32 s16, $0xF;
	v20 =	vld [tilespmem:s15+$0x0];
	(xrf2) =	vadd.scan.msk.f32 $0xffff, v40  }
0xc0: {  	v27 =	vmul.f32 v43, v17;
	v40 =	vld [tilespmem:s10+$0x260];
	v13 =	vsel vm0, v37, v13;
	v37, _, _ =	vpop (xrf2)  }
0xc1: {  	v14 =	vld [tilespmem:s15+$0x10];
	v43 =	vmul.f32 v44, v16;
	v37 =	vbroadcast v37, $0xF  }
0xc2: {  	v44 =	vld [tilespmem:s10+$0x270];
	(xrf2) =	vadd.scan.msk.f32 $0xffff, v39  }
0xc3: {  	v27 =	vadd.f32 v43, v27;
	v39 =	vld [tilespmem:s10+$0xFFFFFD80];
	v43 =	vmul.f32 v45, v17;
	v45 =	vmul.f32 v46, v16;
	v46, _, _ =	vpop (xrf2)  }
0xc4: {  	v22 =	vsel vm0, v37, v22;
	v42 =	vmul.f32 v42, v20;
	v47 =	vld [tilespmem:s10+$0xFFFFFD90];
	v48 =	vbroadcast v46, $0xF  }
0xc5: {  	v46 =	vld [tilespmem:s10+$0xFFFFFDC0];
	v43 =	vadd.f32 v45, v43;
	v40 =	vmul.f32 v40, v20;
	(xrf2) =	vadd.scan.msk.f32 $0xffff, v38  }
0xc6: {  	v27 =	vadd.f32 v42, v27;
	v38 =	vmul.f32 v41, v14;
	v41 =	vld [tilespmem:s10+$0xFFFFFDD0];
	v21 =	vsel vm0, v48, v21;
	v37, _, _ =	vpop (xrf2)  }
0xc7: {  	v42 =	vld [tilespmem:s10+$0xFFFFFE00];
	v40 =	vadd.f32 v40, v43;
	v43 =	vmul.f32 v44, v14;
	v45 =	vbroadcast v37, $0xF  }
0xc8: {  	v38 =	vadd.f32 v38, v27;
	v27 =	vmul.f32 v39, v17;
	v39 =	vld [tilespmem:s10+$0xFFFFFE10];
	(xrf2) =	vadd.scan.msk.f32 $0xffff, v36  }
0xc9: {  	v36 =	vmul.f32 v47, v16;
	v44 =	vld [tilespmem:s10+$0xFFFFFE40];
	v40 =	vadd.f32 v43, v40;
	v19 =	vsel vm0, v45, v19;
	v37, _, _ =	vpop (xrf2)  }
0xca: {  	v43 =	vmul.f32 v46, v17;
	v45 =	vld [tilespmem:s10+$0xFFFFFE50];
	v46 =	vbroadcast v37, $0xF  }
0xcb: {  	v27 =	vadd.f32 v36, v27;
	v36 =	vmul.f32 v41, v16;
	v41 =	vld [tilespmem:s10+$0xFFFFFE80];
	(xrf2) =	vadd.scan.msk.f32 $0xffff, v40  }
0xcc: {  	v48 =	vmul.f32 v42, v17;
	v42 =	vld [tilespmem:s10+$0xFFFFFE90];
	v18 =	vsel vm0, v46, v18;
	v37, _, _ =	vpop (xrf2)  }
0xcd: {  	v36 =	vadd.f32 v36, v43;
	v39 =	vmul.f32 v39, v16;
	v43 =	vld [tilespmem:s10+$0xFFFFFEC0];
	v46 =	vbroadcast v37, $0xF  }
0xce: {  	v44 =	vmul.f32 v44, v17;
	v47 =	vld [tilespmem:s10+$0xFFFFFED0];
	(xrf2) =	vadd.scan.msk.f32 $0xffff, v38  }
0xcf: {  	v37 =	vadd.f32 v39, v48;
	v38 =	vmul.f32 v45, v16;
	v39 =	vld [tilespmem:s10+$0xFFFFFF00];
	v15 =	vsel vm0, v46, v15;
	v40, _, _ =	vpop (xrf2)  }
0xd0: {  	v41 =	vmul.f32 v41, v17;
	v45 =	vld [tilespmem:s10+$0xFFFFFF10];
	v48 =	vbroadcast v40, $0xF  }
0xd1: {  	v38 =	vadd.f32 v38, v44;
	v42 =	vmul.f32 v42, v16;
	v44 =	vld [tilespmem:s10+$0xFFFFFF40];
	(xrf2) =	vadd.scan.msk.f32 $0xffff, v35  }
0xd2: {  	v43 =	vmul.f32 v43, v17;
	v46 =	vld [tilespmem:s10+$0xFFFFFF50];
	v12 =	vsel vm0, v48, v12;
	v40, _, _ =	vpop (xrf2)  }
0xd3: {  	v35 =	vadd.f32 v42, v41;
	v41 =	vmul.f32 v47, v16;
	v42 =	vld [tilespmem:s10+$0xFFFFFF80];
	v40 =	vbroadcast v40, $0xF  }
0xd4: {  	v39 =	vmul.f32 v39, v17;
	v47 =	vld [tilespmem:s10+$0xFFFFFF90];
	(xrf2) =	vadd.scan.msk.f32 $0xffff, v34  }
0xd5: {  	v34 =	vadd.f32 v41, v43;
	v41 =	vmul.f32 v45, v16;
	v43 =	vld [tilespmem:s10+$0xFFFFFFC0];
	v45, _, _ =	vpop (xrf2);
	v11 =	vsel vm0, v40, v11  }
0xd6: {  	v40 =	vmov s31;
	s31 =	smov.u32 s16;
	v44 =	vmul.f32 v44, v17;
	v48 =	vld [tilespmem:s10+$0xFFFFFFD0];
	v45 =	vbroadcast v45, $0xF  }
0xd7: {  	vm1 =	veq.s32 v40, v0;
	v39 =	vadd.f32 v41, v39;
	v40 =	vmul.f32 v46, v16;
	v41 =	vld [tilespmem:s10+$0x0];
	(xrf2) =	vadd.scan.msk.f32 $0xffff, v33  }
0xd8: {  	v42 =	vmul.f32 v42, v17;
	v46 =	vld [tilespmem:s10+$0x10];
	v1 =	vsel vm1, v45, v1;
	v33, _, _ =	vpop (xrf2)  }
0xd9: {  	v49 =	vbroadcast v33, $0xF;
	v33 =	vadd.f32 v40, v44;
	v40 =	vmul.f32 v47, v16;
	v44 =	vld [tilespmem:s10+$0x40]  }
0xda: {  	v43 =	vmul.f32 v43, v17;
	v47 =	vld [tilespmem:s10+$0x50];
	(xrf2) =	vadd.scan.msk.f32 $0xffff, v32  }
0xdb: {  	v23 =	vsel vm1, v49, v23;
	v32 =	vadd.f32 v40, v42;
	v40 =	vmul.f32 v48, v16;
	v42 =	vld [tilespmem:s10+$0x80];
	v45, _, _ =	vpop (xrf2)  }
0xdc: {  	v41 =	vmul.f32 v41, v17;
	v48 =	vld [tilespmem:s10+$0x90];
	v49 =	vbroadcast v45, $0xF  }
0xdd: {  	v40 =	vadd.f32 v40, v43;
	v43 =	vmul.f32 v46, v16;
	v46 =	vld [tilespmem:s10+$0xC0];
	(xrf2) =	vadd.scan.msk.f32 $0xffff, v31  }
0xde: {  	v31 =	vmul.f32 v44, v17;
	v44 =	vld [tilespmem:s10+$0xD0];
	v10 =	vsel vm0, v49, v10;
	v45, _, _ =	vpop (xrf2)  }
0xdf: {  	v41 =	vadd.f32 v43, v41;
	v43 =	vmul.f32 v47, v16;
	v47 =	vld [tilespmem:s10+$0x100];
	v50 =	vbroadcast v45, $0xF  }
0xe0: {  	v42 =	vmul.f32 v42, v17;
	v49 =	vld [tilespmem:s10+$0x110];
	(xrf2) =	vadd.scan.msk.f32 $0xffff, v30  }
0xe1: {  	v30 =	vadd.f32 v43, v31;
	v31 =	vmul.f32 v48, v16;
	v43 =	vld [tilespmem:s10+$0x140];
	v9 =	vsel vm0, v50, v9;
	v45, _, _ =	vpop (xrf2)  }
0xe2: {  	v46 =	vmul.f32 v46, v17;
	v48 =	vld [tilespmem:s10+$0x150];
	v50 =	vbroadcast v45, $0xF  }
0xe3: {  	v31 =	vadd.f32 v31, v42;
	v42 =	vmul.f32 v44, v16;
	v44 =	vld [tilespmem:s10+$0x180];
	(xrf2) =	vadd.scan.msk.f32 $0xffff, v29  }
0xe4: {  	v29 =	vmul.f32 v47, v17;
	v47 =	vld [tilespmem:s10+$0x190];
	v8 =	vsel vm0, v50, v8;
	v45, _, _ =	vpop (xrf2)  }
0xe5: {  	v42 =	vadd.f32 v42, v46;
	v46 =	vmul.f32 v49, v16;
	v49 =	vld [tilespmem:s10+$0x1C0];
	v51 =	vbroadcast v45, $0xF  }
0xe6: {  	v43 =	vmul.f32 v43, v17;
	v50 =	vld [tilespmem:s10+$0x1D0];
	(xrf2) =	vadd.scan.msk.f32 $0xffff, v28  }
0xe7: {  	v28 =	vadd.f32 v46, v29;
	v29 =	vmul.f32 v48, v16;
	v46 =	vld [tilespmem:s10+$0x200];
	v7 =	vsel vm0, v51, v7;
	v45, _, _ =	vpop (xrf2)  }
0xe8: {  	v44 =	vmul.f32 v44, v17;
	v48 =	vld [tilespmem:s10+$0x210];
	v52 =	vbroadcast v45, $0xF  }
0xe9: {  	v51 =	vld [tilespmem:s10+$0xFFFFFDA0];
	v29 =	vadd.f32 v29, v43;
	v43 =	vmul.f32 v47, v16;
	(xrf2) =	vadd.scan.msk.f32 $0xffff, v26  }
0xea: {  	v26 =	vld [tilespmem:s10+$0xFFFFFDE0];
	v47 =	vmul.f32 v49, v17;
	v6 =	vsel vm0, v52, v6;
	v45, _, _ =	vpop (xrf2)  }
0xeb: {  	v49 =	vld [tilespmem:s10+$0xFFFFFE20];
	v43 =	vadd.f32 v43, v44;
	v44 =	vmul.f32 v50, v16;
	v52 =	vbroadcast v45, $0xF  }
0xec: {  	v50 =	vld [tilespmem:s10+$0xFFFFFE60];
	v17 =	vmul.f32 v46, v17  }
0xed: {  	v46 =	vld [tilespmem:s10+$0xFFFFFEA0];
	v44 =	vadd.f32 v44, v47;
	v16 =	vmul.f32 v48, v16;
	v5 =	vsel vm0, v52, v5;
	v45, _, _ =	vpop (xrf2)  }
0xee: {  	v47 =	vmul.f32 v51, v20;
	v48 =	vld [tilespmem:s10+$0xFFFFFEE0];
	v52 =	vbroadcast v45, $0xF  }
0xef: {  	v26 =	vmul.f32 v26, v20;
	v51 =	vld [tilespmem:s10+$0xFFFFFF20];
	v16 =	vadd.f32 v16, v17  }
0xf0: {  	v17 =	vadd.f32 v47, v27;
	v27 =	vmul.f32 v49, v20;
	v47 =	vld [tilespmem:s10+$0xFFFFFF60];
	v4 =	vsel vm0, v52, v4;
	v45, _, _ =	vpop (xrf2)  }
0xf1: {  	v26 =	vadd.f32 v26, v36;
	v36 =	vmul.f32 v50, v20;
	v49 =	vld [tilespmem:s10+$0xFFFFFFA0];
	v50 =	vbroadcast v45, $0xF  }
0xf2: {  	v27 =	vadd.f32 v27, v37;
	v37 =	vmul.f32 v46, v20;
	v46 =	vld [tilespmem:s10+$0xFFFFFFE0]  }
0xf3: {  	v36 =	vadd.f32 v36, v38;
	v38 =	vmul.f32 v48, v20;
	v48 =	vld [tilespmem:s10+$0x20];
	v3 =	vsel vm0, v50, v3;
	v45, _, _ =	vpop (xrf2)  }
0xf4: {  	v35 =	vadd.f32 v37, v35;
	v37 =	vmul.f32 v51, v20;
	v50 =	vld [tilespmem:s10+$0x60];
	v45 =	vbroadcast v45, $0xF  }
0xf5: {  	v34 =	vadd.f32 v38, v34;
	v38 =	vmul.f32 v47, v20;
	v47 =	vld [tilespmem:s10+$0xA0]  }
0xf6: {  	v37 =	vadd.f32 v37, v39;
	v39 =	vmul.f32 v49, v20;
	v49 =	vld [tilespmem:s10+$0xE0];
	v2 =	vsel vm0, v45, v2  }
0xf7: {  	vm0 =	vmmov vm1;
	v33 =	vadd.f32 v38, v33;
	v38 =	vmul.f32 v46, v20;
	v45 =	vld [tilespmem:s10+$0x120]  }
0xf8: {  	v32 =	vadd.f32 v39, v32;
	v39 =	vmul.f32 v48, v20;
	v46 =	vld [tilespmem:s10+$0x160]  }
0xf9: {  	v48 =	vadd.f32 v38, v40;
	v38 =	vmul.f32 v50, v20;
	v40 =	vld [tilespmem:s10+$0x1A0]  }
0xfa: {  	v41 =	vadd.f32 v39, v41;
	v39 =	vmul.f32 v47, v20;
	v47 =	vld [tilespmem:s10+$0x1E0]  }
0xfb: {  	v30 =	vadd.f32 v38, v30;
	v38 =	vmul.f32 v49, v20;
	v49 =	vld [tilespmem:s10+$0x220]  }
0xfc: {  	v50 =	vld [tilespmem:s10+$0xFFFFFDB0];
	v31 =	vadd.f32 v39, v31;
	v39 =	vmul.f32 v45, v20  }
0xfd: {  	v45 =	vld [tilespmem:s10+$0xFFFFFDF0];
	v51 =	vadd.f32 v38, v42;
	v38 =	vmul.f32 v46, v20  }
0xfe: {  	v42 =	vld [tilespmem:s10+$0xFFFFFE30];
	v28 =	vadd.f32 v39, v28;
	v39 =	vmul.f32 v40, v20  }
0xff: {  	v40 =	vld [tilespmem:s10+$0xFFFFFE70];
	v29 =	vadd.f32 v38, v29;
	v38 =	vmul.f32 v47, v20  }
0x100: {  	v46 =	vld [tilespmem:s10+$0xFFFFFEB0];
	v47 =	vadd.f32 v39, v43;
	v20 =	vmul.f32 v49, v20  }
0x101: {  	v39 =	vmul.f32 v50, v14;
	v43 =	vld [tilespmem:s10+$0xFFFFFEF0];
	v49 =	vadd.f32 v38, v44  }
0x102: {  	v38 =	vmul.f32 v45, v14;
	v44 =	vld [tilespmem:s10+$0xFFFFFF30];
	v20 =	vadd.f32 v20, v16  }
0x103: {  	v16 =	vadd.f32 v39, v17;
	v17 =	vmul.f32 v42, v14;
	v39 =	vld [tilespmem:s10+$0xFFFFFF70]  }
0x104: {  	v26 =	vadd.f32 v38, v26;
	v38 =	vmul.f32 v40, v14;
	v42 =	vld [tilespmem:s10+$0xFFFFFFB0]  }
0x105: {  	v17 =	vadd.f32 v17, v27;
	v27 =	vmul.f32 v46, v14;
	v45 =	vld [tilespmem:s10+$0xFFFFFFF0];
	(xrf2) =	vadd.scan.msk.f32 $0xffff, v16  }
0x106: {  	v16 =	vadd.f32 v38, v36;
	v36 =	vmul.f32 v43, v14;
	v43 =	vld [tilespmem:s10+$0x30]  }
0x107: {  	v27 =	vadd.f32 v27, v35;
	v35 =	vmul.f32 v44, v14;
	v44 =	vld [tilespmem:s10+$0x70]  }
0x108: {  	v46 =	vadd.f32 v36, v34;
	v34 =	vmul.f32 v39, v14;
	v50 =	vld [tilespmem:s10+$0xB0];
	(xrf2) =	vadd.scan.msk.f32 $0xffff, v26  }
0x109: {  	v40 =	vadd.f32 v35, v37;
	v26 =	vmul.f32 v42, v14;
	v37 =	vld [tilespmem:s10+$0xF0]  }
0x10a: {  	v39 =	vadd.f32 v34, v33;
	v33 =	vmul.f32 v45, v14;
	v42 =	vld [tilespmem:s10+$0x130]  }
0x10b: {  	v38 =	vadd.f32 v26, v32;
	v26 =	vmul.f32 v43, v14;
	v43 =	vld [tilespmem:s10+$0x170];
	(xrf2) =	vadd.scan.msk.f32 $0xffff, v17  }
0x10c: {  	v36 =	vadd.f32 v33, v48;
	v17 =	vmul.f32 v44, v14;
	v44 =	vld [tilespmem:s10+$0x1B0]  }
0x10d: {  	v35 =	vadd.f32 v26, v41;
	v32 =	vmul.f32 v50, v14;
	v45 =	vld [tilespmem:s10+$0x1F0]  }
0x10e: {  	s1 =	sadd.s32 $0x40, s1;
	v34 =	vadd.f32 v17, v30;
	v17 =	vmul.f32 v37, v14;
	v37 =	vld [tilespmem:s10+$0x230];
	(xrf2) =	vadd.scan.msk.f32 $0xffff, v16  }
0x10f: {  	v41 =	vld [tilespmem:s1+$0x10];
	v33 =	vadd.f32 v32, v31;
	v16 =	vmul.f32 v42, v14;
	v26, _, _ =	vpop (xrf2)  }
0x110: {  	v42 =	vld [tilespmem:s1+$0x0];
	v26 =	vbroadcast v26, $0xF;
	v32 =	vadd.f32 v17, v51;
	v17 =	vmul.f32 v43, v14  }
0x111: {  	v43 =	vld [tilespmem:s1+$0xFFFFFFE0];
	v31 =	vadd.f32 v16, v28;
	v16 =	vmul.f32 v44, v14;
	(xrf2) =	vadd.scan.msk.f32 $0xffff, v27  }
.Ltmp0:
0x112: {  	s15 =	sadd.s32 $0x40, s15;
	v44 =	vld [tilespmem:s1+$0xFFFFFFF0];
	v25 =	vsel vm0, v26, v25;
	v30 =	vadd.f32 v17, v29;
	v26 =	vmul.f32 v45, v14;
	v27, _, _ =	vpop (xrf2);
	(pc) =	sbr.rel @p0 .LBB2_4-.Ltmp0, $4  }
0x113: {  	v17 =	vld [tilespmem:s15+$0xFFFFFFE0];
	v27 =	vbroadcast v27, $0xF;
	v29 =	vadd.f32 v16, v47;
	v37 =	vmul.f32 v37, v14  }
0x114: {  	s10 =	sadd.s32 $0x500, s10;
	v16 =	vld [tilespmem:s15+$0xFFFFFFF0];
	v28 =	vadd.f32 v26, v49;
	(xrf2) =	vadd.scan.msk.f32 $0xffff, v46  }
0x115: {  	v45 =	vld [tilespmem:s10+$0x240];
	v24 =	vsel vm0, v27, v24;
	v26 =	vadd.f32 v37, v20;
	v14, _, _ =	vpop (xrf2)  }
0x116: {  	s16 =	sadd.s32 $0x1, s16;
	v46 =	vld [tilespmem:s10+$0x250];
	v37 =	vbroadcast v14, $0xF  }
0x117: {  	v27 =	vld [tilespmem:s15+$0x0]  }
0x118: {  	v14 =	vld [tilespmem:s10+$0x260]  }
0x119: {  	v48 =	vld [tilespmem:s15+$0x10]  }
0x11a: {  	v47 =	vld [tilespmem:s10+$0x270]  }
0x11b: {  	v45 =	vmul.f32 v45, v17;
	v46 =	vmul.f32 v46, v16  }
0x11c: {  	v43 =	vmul.f32 v43, v17;
	v44 =	vmul.f32 v44, v16  }
0x11d: {  	v14 =	vmul.f32 v14, v27;
	v45 =	vadd.f32 v46, v45  }
0x11e: {  	v43 =	vadd.f32 v44, v43;
	v42 =	vmul.f32 v42, v27  }
0x11f: {  	(xrf2) =	vadd.scan.msk.f32 $0xffff, v40;
	v46 =	vmul.f32 v47, v48;
	v14 =	vadd.f32 v14, v45  }
0x120: {  	(xrf2) =	vadd.scan.msk.f32 $0xffff, v39;
	v41 =	vmul.f32 v41, v48;
	v47 =	vadd.f32 v42, v43  }
0x121: {  	(xrf2) =	vadd.scan.msk.f32 $0xffff, v38;
	v14 =	vadd.f32 v46, v14  }
0x122: {  	v50 =	vld [tilespmem:s10+$0xFFFFFD80];
	(xrf2) =	vadd.scan.msk.f32 $0xffff, v36;
	v49 =	vadd.f32 v41, v47  }
0x123: {  	(xrf2) =	vadd.scan.msk.f32 $0xffff, v14  }
0x124: {  	v51 =	vld [tilespmem:s10+$0xFFFFFD90];
	(xrf2) =	vadd.scan.msk.f32 $0xffff, v49;
	_ =	sdelay $0x1  }
0x125: {  	v52 =	vld [tilespmem:s10+$0xFFFFFDA0];
	v46, _, _ =	vpop (xrf2)  }
0x126: {  	v39 =	vmul.f32 v50, v17;
	v41, _, _ =	vpop (xrf2)  }
0x127: {  	v53 =	vld [tilespmem:s10+$0xFFFFFDB0];
	v36, _, _ =	vpop (xrf2);
	(xrf2) =	vadd.scan.msk.f32 $0xffff, v35  }
0x128: {  	v54 =	vmul.f32 v51, v16;
	v14, _, _ =	vpop (xrf2);
	(xrf2) =	vadd.scan.msk.f32 $0xffff, v34  }
0x129: {  	v38, _, _ =	vpop (xrf2);
	(xrf2) =	vadd.scan.msk.f32 $0xffff, v33  }
0x12a: {  	v56 =	vmul.f32 v52, v27;
	v55 =	vadd.f32 v54, v39;
	v39, _, _ =	vpop (xrf2);
	(xrf2) =	vadd.scan.msk.f32 $0xffff, v32  }
0x12b: {  	v40, _, _ =	vpop (xrf2);
	(xrf2) =	vadd.scan.msk.f32 $0xffff, v31  }
0x12c: {  	v58 =	vmul.f32 v53, v48;
	v57 =	vadd.f32 v56, v55;
	(xrf2) =	vadd.scan.msk.f32 $0xffff, v30;
	v20, _, _ =	vpop (xrf2)  }
0x12d: {  	(xrf2) =	vadd.scan.msk.f32 $0xffff, v29;
	v59, _, _ =	vpop (xrf2)  }
0x12e: {  	v60 =	vmov s31;
	v61 =	vadd.f32 v58, v57;
	(xrf2) =	vadd.scan.msk.f32 $0xffff, v28;
	v32 =	vbroadcast v59, $0xF  }
0x12f: {  	v62 =	vld [tilespmem:s10+$0xFFFFFDC0];
	vm1 =	veq.s32 v60, v0;
	(xrf2) =	vadd.scan.msk.f32 $0xffff, v26  }
0x130: {  	v63 =	vld [tilespmem:s10+$0xFFFFFDD0];
	(xrf2) =	vadd.scan.msk.f32 $0xffff, v61;
	v45 =	vsel vm1, v32, v23  }
0x131: {  	[tilespmem:$0x1FFF0] =	vst v20;
	v30, _, _ =	vpop (xrf2);
	v20 =	vsub.f32 $0.0e+00, v45  }
0x132: {  	v47 =	vld [tilespmem:s10+$0xFFFFFDE0];
	v42, _, _ =	vpop (xrf2)  }
0x133: {  	v49, _, _ =	vpop (xrf2);
	v50 =	vand.u32 $0x7FFFFFFF, v20  }
0x134: {  	v52 =	vld [tilespmem:s10+$0xFFFFFDF0];
	v51, _, _ =	vpop (xrf2);
	v28 =	vsub.f32 $0.0e+00, v50  }
0x135: {  	v31 =	vmul.f32 v62, v17;
	v26 =	vmul.f32 v63, v16;
	v53, _, _ =	vpop (xrf2)  }
0x136: {  	v54, _, _ =	vpop (xrf2);
	v28 =	vmul.f32 $1.442695020e+00, v28  }
0x137: {  	v26 =	vadd.f32 v26, v31;
	v23 =	vmul.f32 v47, v27;
	v55, _, _ =	vpop (xrf2)  }
0x138: {  	v56, _, _ =	vpop (xrf2);
	(erf) = vpow2.f32 v28  }
0x139: {  	v58 =	vmul.f32 v52, v48;
	v23 =	vadd.f32 v23, v26;
	v57, _, _ =	vpop (xrf2)  }
0x13a: {  	v59, _, _ =	vpop (xrf2)  }
0x13b: {  	v23 =	vadd.f32 v58, v23;
	v60 =	vbroadcast v59, $0xF  }
0x13c: {  	vm2 =	vmmov vm1;
	v62 =	vld [tilespmem:s10+$0xFFFFFE10]  }
0x13d: {  	v61 =	vld [tilespmem:s10+$0xFFFFFE00];
	(xrf2) =	vadd.scan.msk.f32 $0xffff, v23;
	v31 =	vsel vm2, v60, v25  }
0x13e: {  	v34 =	vsub.f32 $0.0e+00, v31  }
0x13f: {  	v63 =	vld [tilespmem:s10+$0xFFFFFE20]  }
0x140: {  	v35 =	vand.u32 $0x7FFFFFFF, v34  }
0x141: {  	v43 =	vld [tilespmem:s10+$0xFFFFFE30];
	v25 =	vsub.f32 $0.0e+00, v35;
	v29 =	vpop (erf)  }
0x142: {  	v32 =	vmul.f32 v62, v16;
	v28 =	vmul.f32 v61, v17;
	v44 =	vadd.f32 $2.000000000e+00, v29  }
0x143: {  	v25 =	vmul.f32 $1.442695020e+00, v25  }
0x144: {  	v23 =	vmul.f32 v63, v27;
	v28 =	vadd.f32 v32, v28;
	(erf) = vrcp.f32 v44  }
0x145: {  	(erf) = vpow2.f32 v25  }
0x146: {  	[tilespmem:$0x1FF20] =	vst v45;
	v45 =	vmul.f32 v43, v48;
	v23 =	vadd.f32 v23, v28  }
0x147: {  	v47, _, _ =	vpop (xrf2)  }
0x148: {  	[tilespmem:$0x1FEB0] =	vst v49;
	v23 =	vadd.f32 v45, v23;
	v49 =	vbroadcast v47, $0xF  }
0x149: {  	[tilespmem:$0x1FEC0] =	vst v51;
	v51 =	vld [tilespmem:s10+$0xFFFFFE50]  }
0x14a: {  	v50 =	vld [tilespmem:s10+$0xFFFFFE40];
	[tilespmem:$0x1FFE0] =	vst v57;
	(xrf2) =	vadd.scan.msk.f32 $0xffff, v23;
	v57 =	vsel vm2, v49, v24  }
0x14b: {  	v35 =	vsub.f32 $0.0e+00, v57  }
0x14c: {  	v58 =	vld [tilespmem:s10+$0xFFFFFE60]  }
0x14d: {  	v59 =	vand.u32 $0x7FFFFFFF, v35;
	v45 =	vpop (erf)  }
0x14e: {  	[tilespmem:$0x1FEE0] =	vst v54;
	v60 =	vld [tilespmem:s10+$0xFFFFFE70];
	v24 =	vsub.f32 $0.0e+00, v59;
	v54 =	vpop (erf)  }
0x14f: {  	v26 =	vmul.f32 v50, v17;
	v28 =	vmul.f32 v51, v16;
	v61 =	vadd.f32 $2.000000000e+00, v54  }
0x150: {  	v24 =	vmul.f32 $1.442695020e+00, v24  }
0x151: {  	v26 =	vadd.f32 v28, v26;
	v23 =	vmul.f32 v58, v27;
	(erf) = vrcp.f32 v61  }
0x152: {  	(erf) = vpow2.f32 v24  }
0x153: {  	v62 =	vmul.f32 v60, v48;
	v23 =	vadd.f32 v23, v26  }
0x154: {  	v63, _, _ =	vpop (xrf2)  }
0x155: {  	[tilespmem:$0x1FF00] =	vst v20;
	v23 =	vadd.f32 v62, v23;
	v20 =	vbroadcast v63, $0xF  }
0x156: {  	v13 =	vsel vm0, v37, v13;
	v43 =	vld [tilespmem:s10+$0xFFFFFE80]  }
0x157: {  	v44 =	vld [tilespmem:s10+$0xFFFFFE90];
	(xrf2) =	vadd.scan.msk.f32 $0xffff, v23;
	v13 =	vsel vm2, v20, v13  }
0x158: {  	v25 =	vsub.f32 $0.0e+00, v13  }
0x159: {  	v47 =	vld [tilespmem:s10+$0xFFFFFEA0]  }
0x15a: {  	v52 =	vand.u32 $0x7FFFFFFF, v25;
	v26 =	vpop (erf)  }
0x15b: {  	[tilespmem:$0x1FED0] =	vst v53;
	v53 =	vld [tilespmem:s10+$0xFFFFFEB0];
	v23 =	vsub.f32 $0.0e+00, v52;
	v49 =	vpop (erf)  }
0x15c: {  	[tilespmem:$0x1FF10] =	vst v55;
	v28 =	vmul.f32 v43, v17;
	v33 =	vmul.f32 v44, v16;
	v55 =	vadd.f32 $2.000000000e+00, v49  }
0x15d: {  	v23 =	vmul.f32 $1.442695020e+00, v23  }
0x15e: {  	v28 =	vadd.f32 v33, v28;
	[tilespmem:$0x1FF60] =	vst v13;
	v13 =	vmul.f32 v47, v27;
	(erf) = vrcp.f32 v55  }
0x15f: {  	(erf) = vpow2.f32 v23  }
0x160: {  	[tilespmem:$0x1FF90] =	vst v56;
	v56 =	vmul.f32 v53, v48;
	v13 =	vadd.f32 v13, v28  }
0x161: {  	[tilespmem:$0x1FF50] =	vst v57;
	v57 =	vbroadcast v46, $0xF;
	v58, _, _ =	vpop (xrf2)  }
0x162: {  	v13 =	vadd.f32 v56, v13;
	v59 =	vbroadcast v58, $0xF  }
0x163: {  	v60 =	vld [tilespmem:s10+$0xFFFFFEC0];
	v22 =	vsel vm0, v57, v22  }
0x164: {  	v61 =	vld [tilespmem:s10+$0xFFFFFED0];
	(xrf2) =	vadd.scan.msk.f32 $0xffff, v13;
	v62 =	vsel vm2, v59, v22  }
0x165: {  	v63 =	vsub.f32 $0.0e+00, v62  }
0x166: {  	v28 =	vld [tilespmem:s10+$0xFFFFFEE0]  }
0x167: {  	v32 =	vand.u32 $0x7FFFFFFF, v63;
	v47 =	vpop (erf)  }
0x168: {  	v43 =	vld [tilespmem:s10+$0xFFFFFEF0];
	v23 =	vsub.f32 $0.0e+00, v32;
	v50 =	vpop (erf)  }
0x169: {  	v24 =	vmul.f32 v60, v17;
	v33 =	vmul.f32 v61, v16;
	v52 =	vadd.f32 $2.000000000e+00, v50  }
0x16a: {  	v23 =	vmul.f32 $1.442695020e+00, v23  }
0x16b: {  	v13 =	vmul.f32 v28, v27;
	v24 =	vadd.f32 v33, v24;
	(erf) = vrcp.f32 v52  }
0x16c: {  	(erf) = vpow2.f32 v23  }
0x16d: {  	v53 =	vmul.f32 v43, v48;
	v13 =	vadd.f32 v13, v24  }
0x16e: {  	v55 =	vbroadcast v41, $0xF;
	v56, _, _ =	vpop (xrf2)  }
0x16f: {  	v13 =	vadd.f32 v53, v13;
	v57 =	vbroadcast v56, $0xF  }
0x170: {  	v58 =	vld [tilespmem:s10+$0xFFFFFF00];
	v21 =	vsel vm0, v55, v21  }
0x171: {  	v59 =	vld [tilespmem:s10+$0xFFFFFF10];
	(xrf2) =	vadd.scan.msk.f32 $0xffff, v13;
	v60 =	vsel vm2, v57, v21  }
0x172: {  	v43 =	vsub.f32 $0.0e+00, v60  }
0x173: {  	v61 =	vld [tilespmem:s10+$0xFFFFFF20];
	[tilespmem:$0x1FFA0] =	vst v62  }
0x174: {  	[tilespmem:$0x1FF80] =	vst v63;
	v63 =	vand.u32 $0x7FFFFFFF, v43;
	v62 =	vpop (erf)  }
0x175: {  	v28 =	vld [tilespmem:s10+$0xFFFFFF30];
	v23 =	vsub.f32 $0.0e+00, v63;
	v46 =	vpop (erf)  }
0x176: {  	v24 =	vmul.f32 v58, v17;
	v37 =	vmul.f32 v59, v16;
	v51 =	vadd.f32 $2.000000000e+00, v46  }
0x177: {  	v23 =	vmul.f32 $1.442695020e+00, v23  }
0x178: {  	v24 =	vadd.f32 v37, v24;
	v13 =	vmul.f32 v61, v27;
	(erf) = vrcp.f32 v51  }
0x179: {  	(erf) = vpow2.f32 v23  }
0x17a: {  	v32 =	vmul.f32 v28, v48;
	v13 =	vadd.f32 v13, v24  }
0x17b: {  	v33 =	vbroadcast v36, $0xF;
	v41, _, _ =	vpop (xrf2)  }
0x17c: {  	v13 =	vadd.f32 v32, v13;
	v44 =	vbroadcast v41, $0xF  }
0x17d: {  	v19 =	vsel vm0, v33, v19;
	v57 =	vld [tilespmem:s10+$0xFFFFFF50]  }
0x17e: {  	(xrf2) =	vadd.scan.msk.f32 $0xffff, v13;
	[tilespmem:$0x1FEF0] =	vst v62;
	v62 =	vsel vm2, v44, v19;
	v51 =	vld [tilespmem:s10+$0xFFFFFF40]  }
0x17f: {  	v36 =	vsub.f32 $0.0e+00, v62  }
0x180: {  	v58 =	vld [tilespmem:s10+$0xFFFFFF60]  }
0x181: {  	[tilespmem:$0x1FFC0] =	vst v60;
	v60 =	vand.u32 $0x7FFFFFFF, v36;
	v59 =	vpop (erf)  }
0x182: {  	v61 =	vld [tilespmem:s10+$0xFFFFFF70];
	v23 =	vsub.f32 $0.0e+00, v60;
	v55 =	vpop (erf)  }
0x183: {  	v37 =	vmul.f32 v57, v16;
	v24 =	vmul.f32 v51, v17;
	v63 =	vadd.f32 $2.000000000e+00, v55  }
0x184: {  	v23 =	vmul.f32 $1.442695020e+00, v23  }
0x185: {  	v13 =	vmul.f32 v58, v27;
	v24 =	vadd.f32 v37, v24;
	(erf) = vrcp.f32 v63  }
0x186: {  	(erf) = vpow2.f32 v23  }
0x187: {  	v19 =	vmul.f32 v61, v48;
	v13 =	vadd.f32 v13, v24  }
0x188: {  	v14 =	vbroadcast v14, $0xF;
	v22, _, _ =	vpop (xrf2)  }
0x189: {  	v28 =	vbroadcast v22, $0xF;
	v13 =	vadd.f32 v19, v13  }
0x18a: {  	v14 =	vsel vm0, v14, v18;
	v33 =	vld [tilespmem:s10+$0xFFFFFF90]  }
0x18b: {  	v32 =	vld [tilespmem:s10+$0xFFFFFF80];
	[tilespmem:$0x1FF30] =	vst v59;
	v59 =	vsel vm2, v28, v14;
	(xrf2) =	vadd.scan.msk.f32 $0xffff, v13  }
0x18c: {  	v37 =	vsub.f32 $0.0e+00, v59  }
0x18d: {  	v44 =	vld [tilespmem:s10+$0xFFFFFFA0]  }
0x18e: {  	v61 =	vand.u32 $0x7FFFFFFF, v37;
	v60 =	vpop (erf)  }
0x18f: {  	v63 =	vld [tilespmem:s10+$0xFFFFFFB0];
	v23 =	vsub.f32 $0.0e+00, v61;
	v58 =	vpop (erf)  }
0x190: {  	v41 =	vmul.f32 v33, v16;
	v24 =	vmul.f32 v32, v17;
	v52 =	vadd.f32 $2.000000000e+00, v58  }
0x191: {  	v23 =	vmul.f32 $1.442695020e+00, v23  }
0x192: {  	v24 =	vadd.f32 v41, v24;
	v13 =	vmul.f32 v44, v27;
	(erf) = vrcp.f32 v52  }
0x193: {  	(erf) = vpow2.f32 v23  }
0x194: {  	v13 =	vadd.f32 v13, v24;
	v18 =	vmul.f32 v63, v48  }
0x195: {  	v19 =	vbroadcast v38, $0xF;
	v28, _, _ =	vpop (xrf2)  }
0x196: {  	v13 =	vadd.f32 v18, v13;
	v32 =	vbroadcast v28, $0xF  }
0x197: {  	v33 =	vld [tilespmem:s10+$0xFFFFFFC0];
	v15 =	vsel vm0, v19, v15  }
0x198: {  	v44 =	vld [tilespmem:s10+$0xFFFFFFD0];
	[tilespmem:$0x1FF40] =	vst v60;
	(xrf2) =	vadd.scan.msk.f32 $0xffff, v13;
	v60 =	vsel vm2, v32, v15  }
0x199: {  	v38 =	vsub.f32 $0.0e+00, v60  }
0x19a: {  	v13 =	vld [tilespmem:s10+$0xFFFFFFE0]  }
0x19b: {  	v14 =	vand.u32 $0x7FFFFFFF, v38;
	v61 =	vpop (erf)  }
0x19c: {  	v15 =	vld [tilespmem:s10+$0xFFFFFFF0];
	v51 =	vsub.f32 $0.0e+00, v14;
	v56 =	vpop (erf)  }
0x19d: {  	v24 =	vmul.f32 v33, v17;
	v41 =	vmul.f32 v44, v16;
	v53 =	vadd.f32 $2.000000000e+00, v56  }
0x19e: {  	v51 =	vmul.f32 $1.442695020e+00, v51  }
0x19f: {  	v24 =	vadd.f32 v41, v24;
	v23 =	vmul.f32 v13, v27;
	(erf) = vrcp.f32 v53  }
0x1a0: {  	(erf) = vpow2.f32 v51  }
0x1a1: {  	v23 =	vadd.f32 v23, v24;
	v18 =	vmul.f32 v15, v48  }
0x1a2: {  	v39 =	vbroadcast v39, $0xF;
	v19, _, _ =	vpop (xrf2)  }
0x1a3: {  	v23 =	vadd.f32 v18, v23;
	v22 =	vbroadcast v19, $0xF  }
0x1a4: {  	v12 =	vsel vm0, v39, v12;
	v28 =	vld [tilespmem:s10+$0x0]  }
0x1a5: {  	v32 =	vld [tilespmem:s10+$0x10];
	(xrf2) =	vadd.scan.msk.f32 $0xffff, v23;
	v44 =	vsel vm2, v22, v12  }
0x1a6: {  	v39 =	vsub.f32 $0.0e+00, v44  }
0x1a7: {  	v33 =	vld [tilespmem:s10+$0x20]  }
0x1a8: {  	v63 =	vand.u32 $0x7FFFFFFF, v39;
	v57 =	vpop (erf)  }
0x1a9: {  	v12 =	vsub.f32 $0.0e+00, v63;
	[tilespmem:$0x1FF70] =	vst v57;
	v51 =	vpop (erf);
	v57 =	vld [tilespmem:s10+$0x30]  }
0x1aa: {  	v41 =	vmul.f32 v28, v17;
	v24 =	vmul.f32 v32, v16;
	v63 =	vadd.f32 $2.000000000e+00, v51  }
0x1ab: {  	v53 =	vmul.f32 $1.442695020e+00, v12  }
0x1ac: {  	v13 =	vmul.f32 v33, v27;
	v24 =	vadd.f32 v24, v41;
	(erf) = vrcp.f32 v63  }
0x1ad: {  	(erf) = vpow2.f32 v53  }
0x1ae: {  	v24 =	vadd.f32 v13, v24;
	v14 =	vmul.f32 v57, v48  }
0x1af: {  	v40 =	vbroadcast v40, $0xF;
	v15, _, _ =	vpop (xrf2)  }
0x1b0: {  	v52 =	vbroadcast v15, $0xF;
	v24 =	vadd.f32 v14, v24  }
0x1b1: {  	v11 =	vsel vm0, v40, v11  }
0x1b2: {  	v33 =	vsel vm2, v52, v11;
	(xrf2) =	vadd.scan.msk.f32 $0xffff, v24  }
0x1b3: {  	v40 =	vsub.f32 $0.0e+00, v33  }
0x1b4: {  	v21 =	vld [tilespmem:s10+$0x50]  }
0x1b5: {  	v18 =	vld [tilespmem:s10+$0x40];
	v20 =	vand.u32 $0x7FFFFFFF, v40;
	v19 =	vpop (erf)  }
0x1b6: {  	v41 =	vsub.f32 $0.0e+00, v20;
	v52 =	vpop (erf)  }
0x1b7: {  	v23 =	vld [tilespmem:s10+$0x60];
	v22 =	vadd.f32 $2.000000000e+00, v52  }
0x1b8: {  	v41 =	vmul.f32 $1.442695020e+00, v41  }
0x1b9: {  	v53 =	vmul.f32 v21, v16;
	v57 =	vld [tilespmem:s10+$0x70];
	(erf) = vrcp.f32 v22  }
0x1ba: {  	v24 =	vmul.f32 v18, v17;
	(erf) = vpow2.f32 v41;
	_ =	sdelay $0x1  }
0x1bb: {  	v30 =	vbroadcast v30, $0xF;
	v11 =	vmul.f32 v23, v27;
	v24 =	vadd.f32 v53, v24;
	v63, _, _ =	vpop (xrf2)  }
0x1bc: {  	v53 =	vbroadcast v63, $0xF  }
0x1bd: {  	v10 =	vsel vm0, v30, v10;
	v12 =	vmul.f32 v57, v48;
	v11 =	vadd.f32 v11, v24  }
0x1be: {  	v30 =	vsel vm2, v53, v10  }
0x1bf: {  	v11 =	vadd.f32 v12, v11;
	v41 =	vsub.f32 $0.0e+00, v30;
	_ =	sdelay $0x1  }
0x1c0: {  	v15 =	vld [tilespmem:s10+$0x80];
	(xrf2) =	vadd.scan.msk.f32 $0xffff, v11;
	v13 =	vpop (erf);
	v14 =	vand.u32 $0x7FFFFFFF, v41  }
0x1c1: {  	v18 =	vld [tilespmem:s10+$0x90];
	v11 =	vsub.f32 $0.0e+00, v14;
	v53 =	vpop (erf)  }
0x1c2: {  	[tilespmem:$0x1FFB0] =	vst v19;
	v19 =	vadd.f32 $2.000000000e+00, v53  }
0x1c3: {  	v20 =	vld [tilespmem:s10+$0xA0];
	v11 =	vmul.f32 $1.442695020e+00, v11  }
0x1c4: {  	(erf) = vrcp.f32 v19  }
0x1c5: {  	v21 =	vld [tilespmem:s10+$0xB0];
	(erf) = vpow2.f32 v11  }
0x1c6: {  	v24 =	vmul.f32 v15, v17;
	v57 =	vmul.f32 v18, v16;
	_ =	sdelay $0x1  }
0x1c7: {  	v24 =	vadd.f32 v57, v24;
	v10 =	vmul.f32 v20, v27  }
0x1c8: {  	v28 =	vld [tilespmem:s10+$0xE0]  }
0x1c9: {  	v42 =	vbroadcast v42, $0xF;
	v15 =	vld [tilespmem:s10+$0xD0];
	v10 =	vadd.f32 v10, v24;
	v22, _, _ =	vpop (xrf2);
	v11 =	vmul.f32 v21, v48  }
0x1ca: {  	v18 =	vld [tilespmem:s10+$0x110];
	v23 =	vbroadcast v22, $0xF  }
0x1cb: {  	v9 =	vsel vm0, v42, v9;
	v12 =	vld [tilespmem:s10+$0xC0];
	v10 =	vadd.f32 v11, v10  }
0x1cc: {  	v32 =	vsel vm2, v23, v9;
	v23 =	vld [tilespmem:$0x1FEB0];
	v63 =	vpop (erf)  }
0x1cd: {  	v19 =	vld [tilespmem:s10+$0x100];
	v42 =	vsub.f32 $0.0e+00, v32;
	(xrf2) =	vadd.scan.msk.f32 $0xffff, v10;
	v57 =	vpop (erf)  }
0x1ce: {  	[tilespmem:$0x1FFD0] =	vst v13;
	v13 =	vld [tilespmem:s10+$0xF0];
	v24 =	vadd.f32 $2.000000000e+00, v57  }
0x1cf: {  	v28 =	vmul.f32 v28, v27;
	v15 =	vmul.f32 v15, v16;
	v20 =	vld [tilespmem:s10+$0x190];
	v21 =	vand.u32 $0x7FFFFFFF, v42  }
0x1d0: {  	v12 =	vmul.f32 v12, v17;
	v9 =	vsub.f32 $0.0e+00, v21;
	(erf) = vrcp.f32 v24;
	v24 =	vld [tilespmem:s10+$0x180]  }
0x1d1: {  	v18 =	vmul.f32 v18, v16;
	v10 =	vbroadcast v23, $0xF;
	v23 =	vld [tilespmem:$0x1FEC0]  }
0x1d2: {  	v12 =	vadd.f32 v15, v12;
	v22 =	vld [tilespmem:s10+$0x140];
	v19 =	vmul.f32 v19, v17;
	v9 =	vmul.f32 $1.442695020e+00, v9  }
0x1d3: {  	v15 =	vld [tilespmem:s10+$0x1C0];
	v13 =	vmul.f32 v13, v48;
	v8 =	vsel vm0, v10, v8  }
0x1d4: {  	v10 =	vadd.f32 v18, v19;
	v19 =	vld [tilespmem:s10+$0x200];
	(erf) = vpow2.f32 v9;
	v9 =	vadd.f32 v28, v12  }
0x1d5: {  	v14 =	vmul.f32 v24, v17;
	v24 =	vld [tilespmem:$0x1FED0]  }
0x1d6: {  	v20 =	vmul.f32 v20, v16;
	v21 =	vld [tilespmem:s10+$0x150];
	v11 =	vbroadcast v23, $0xF;
	v9 =	vadd.f32 v13, v9  }
0x1d7: {  	v18 =	vld [tilespmem:s10+$0x1D0];
	v12 =	vmul.f32 v22, v17;
	v22 =	vmul.f32 v45, v29;
	v28, _, _ =	vpop (xrf2)  }
0x1d8: {  	v45 =	vbroadcast v28, $0xF;
	(xrf2) =	vadd.scan.msk.f32 $0xffff, v9;
	v9 =	vmul.f32 v15, v17;
	v15 =	vld [tilespmem:s10+$0x210]  }
0x1d9: {  	v17 =	vmul.f32 v19, v17;
	v19 =	vmul.f32 v26, v54;
	v26 =	vld [tilespmem:$0x1FEE0]  }
0x1da: {  	v49 =	vmul.f32 v47, v49;
	v13 =	vbroadcast v24, $0xF  }
0x1db: {  	v11 =	vsel vm0, v11, v7;
	v7 =	vmul.f32 v21, v16;
	v14 =	vadd.f32 v20, v14;
	v20 =	vld [tilespmem:s10+$0x120]  }
0x1dc: {  	v28 =	vsel vm2, v45, v8;
	v23 =	vsel vm0, v13, v6;
	v13 =	vmul.f32 v18, v16  }
0x1dd: {  	v12 =	vadd.f32 v7, v12;
	v45 =	vpop (erf);
	v24 =	vsub.f32 $0.0e+00, v28;
	v15 =	vmul.f32 v15, v16  }
0x1de: {  	v21 =	vld [tilespmem:s10+$0x160];
	v18 =	vmul.f32 v22, v22;
	v13 =	vadd.f32 v13, v9;
	v9 =	vbroadcast v26, $0xF;
	v26 =	vpop (erf)  }
0x1df: {  	v7 =	vmul.f32 v19, v19;
	v15 =	vadd.f32 v15, v17;
	v17 =	vld [tilespmem:s10+$0x1E0];
	v8 =	vadd.f32 $2.000000000e+00, v26  }
0x1e0: {  	v16 =	vmul.f32 v20, v27;
	v29 =	vmul.f32 $2.222222240e-01, v18  }
0x1e1: {  	v6 =	vand.u32 $0x7FFFFFFF, v24;
	v20 =	vld [tilespmem:s10+$0x170];
	(erf) = vrcp.f32 v8;
	v8 =	vmul.f32 $2.222222240e-01, v7  }
0x1e2: {  	v54 =	vld [tilespmem:s10+$0x1A0];
	v10 =	vadd.f32 v16, v10;
	v9 =	vsel vm0, v9, v5;
	v5 =	vsub.f32 $0.0e+00, v6  }
0x1e3: {  	v16 =	vld [tilespmem:s10+$0x130];
	v6 =	vadd.f32 $2.857142980e-01, v29;
	v29 =	vmul.f32 v21, v27;
	v8 =	vadd.f32 $2.857142980e-01, v8  }
0x1e4: {  	v17 =	vmul.f32 v17, v27;
	v5 =	vmul.f32 $1.442695020e+00, v5  }
0x1e5: {  	v6 =	vmul.f32 v6, v18;
	v8 =	vmul.f32 v8, v7  }
0x1e6: {  	v21 =	vld [tilespmem:s10+$0x220];
	v20 =	vmul.f32 v20, v48;
	v12 =	vadd.f32 v29, v12;
	(erf) = vpow2.f32 v5  }
0x1e7: {  	v5 =	vmul.f32 v54, v27;
	v6 =	vadd.f32 $4.000000060e-01, v6;
	v54, _, _ =	vpop (xrf2);
	v8 =	vadd.f32 $4.000000060e-01, v8  }
0x1e8: {  	v16 =	vmul.f32 v16, v48;
	v29 =	vbroadcast v54, $0xF  }
0x1e9: {  	v12 =	vadd.f32 v20, v12;
	v20 =	vld [tilespmem:$0x1FEF0];
	v6 =	vmul.f32 v6, v18;
	v47 =	vmul.f32 v8, v7  }
0x1ea: {  	v14 =	vadd.f32 v5, v14;
	v5 =	vsel vm2, v29, v11;
	v11 =	vmul.f32 v49, v49  }
0x1eb: {  	v21 =	vmul.f32 v21, v27;
	v6 =	vadd.f32 $6.666666860e-01, v6;
	v27 =	vadd.f32 $6.666666860e-01, v47  }
0x1ec: {  	v10 =	vadd.f32 v16, v10;
	v54 =	vmul.f32 $2.222222240e-01, v11  }
0x1ed: {  	v8 =	vsub.f32 $0.0e+00, v5;
	v6 =	vmul.f32 v6, v18  }
0x1ee: {  	(xrf2) =	vadd.scan.msk.f32 $0xffff, v10;
	v10 =	vmul.f32 v20, v50;
	v18 =	vadd.f32 $2.857142980e-01, v54;
	v47 =	vpop (erf)  }
0x1ef: {  	v50 =	vld [tilespmem:$0x1FF00];
	v29 =	vand.u32 $0x7FFFFFFF, v8;
	v6 =	vadd.f32 $2.000000000e+00, v6;
	v7 =	vmul.f32 v27, v7;
	v27 =	vpop (erf)  }
0x1f0: {  	v54 =	vsub.f32 $0.0e+00, v29;
	v29 =	vadd.f32 $2.000000000e+00, v27  }
0x1f1: {  	v20 =	vmul.f32 v10, v10;
	v18 =	vmul.f32 v18, v11;
	v7 =	vadd.f32 $2.000000000e+00, v7  }
0x1f2: {  	v6 =	vmul.f32 v6, v22;
	(erf) = vrcp.f32 v29;
	v29 =	vld [tilespmem:$0x1FF20]  }
0x1f3: {  	v16 =	vmul.f32 $1.442695020e+00, v54;
	v7 =	vmul.f32 v7, v19;
	v19 =	vld [tilespmem:$0x1FF10]  }
0x1f4: {  	(xrf2) =	vadd.scan.msk.f32 $0xffff, v12;
	v12 =	vmax.f32 v50, $0.0e+00;
	v54 =	vmul.f32 $2.222222240e-01, v20;
	v18 =	vadd.f32 $4.000000060e-01, v18  }
0x1f5: {  	v50 =	vmax.f32 v34, $0.0e+00;
	v34 =	vadd.f32 v21, v15;
	v21 =	vmul.f32 $8.999999760e-01, v31  }
0x1f6: {  	v22 =	vadd.f32 v17, v13;
	v13 =	vmul.f32 v18, v11;
	(erf) = vpow2.f32 v16;
	v16 =	vld [tilespmem:s10+$0x1B0]  }
0x1f7: {  	v31 =	vld [tilespmem:$0x1FF40];
	v6 =	vadd.f32 v6, v12;
	v17 =	vadd.f32 $2.857142980e-01, v54;
	v18 =	vmul.f32 $1.000000010e-01, v29  }
0x1f8: {  	v13 =	vadd.f32 $6.666666860e-01, v13;
	v12 =	vbroadcast v19, $0xF  }
0x1f9: {  	v29 =	vmul.f32 v17, v20;
	v54 =	vadd.f32 v6, v18;
	v18 =	vadd.f32 v7, v50;
	v50 =	vld [tilespmem:$0x1FF30]  }
0x1fa: {  	v19 =	vmul.f32 v13, v11;
	v12 =	vsel vm0, v12, v4  }
0x1fb: {  	v11 =	vadd.f32 $4.000000060e-01, v29;
	v4 =	vadd.f32 v18, v54;
	v54 =	vmul.f32 v16, v48  }
0x1fc: {  	v7 =	vadd.f32 $2.000000000e+00, v19;
	v18 =	vmul.f32 v31, v55  }
0x1fd: {  	v31 =	vmax.f32 v35, $0.0e+00;
	v14 =	vadd.f32 v54, v14;
	v54 =	vmul.f32 v11, v20  }
0x1fe: {  	v29, _, _ =	vpop (xrf2);
	v15 =	vadd.f32 v4, v21;
	v21 =	vmul.f32 v18, v18;
	v6 =	vmul.f32 v50, v46  }
0x1ff: {  	v46 =	vbroadcast v29, $0xF;
	v50 =	vmul.f32 v7, v49  }
0x200: {  	v55, _, _ =	vpop (xrf2);
	v35 =	vadd.f32 $6.666666860e-01, v54;
	v49 =	vmul.f32 $2.222222240e-01, v21  }
0x201: {  	v19 =	vmul.f32 v6, v6;
	v16 =	vsel vm2, v46, v23;
	v13 =	vadd.f32 v50, v31;
	v31 =	vpop (erf)  }
0x202: {  	v50 =	vbroadcast v55, $0xF;
	v29 =	vpop (erf);
	v17 =	vsub.f32 $0.0e+00, v16;
	v23 =	vadd.f32 $2.857142980e-01, v49  }
0x203: {  	v20 =	vmul.f32 v35, v20;
	v46 =	vmul.f32 $2.222222240e-01, v19;
	v54 =	vadd.f32 $2.000000000e+00, v29  }
0x204: {  	v4 =	vsel vm2, v50, v9;
	v50 =	vld [tilespmem:s10+$0x1F0];
	v55 =	vand.u32 $0x7FFFFFFF, v17;
	v49 =	vmul.f32 v23, v21  }
0x205: {  	v20 =	vadd.f32 $2.000000000e+00, v20;
	v7 =	vadd.f32 $2.857142980e-01, v46;
	(erf) = vrcp.f32 v54;
	v54 =	vld [tilespmem:$0x1FF50]  }
0x206: {  	v46 =	vmul.f32 v61, v58;
	v35 =	vsub.f32 $0.0e+00, v55;
	v61 =	vld [tilespmem:$0x1FF60]  }
0x207: {  	v9 =	vadd.f32 $4.000000060e-01, v49;
	v10 =	vmul.f32 v20, v10;
	v7 =	vmul.f32 v7, v19  }
0x208: {  	v13 =	vadd.f32 v15, v13;
	v11 =	vmul.f32 $1.442695020e+00, v35;
	v35 =	vmul.f32 v46, v46  }
0x209: {  	v9 =	vmul.f32 v9, v21;
	v15 =	vmul.f32 v50, v48;
	v7 =	vadd.f32 $4.000000060e-01, v7  }
0x20a: {  	v58 =	vmax.f32 v25, $0.0e+00;
	v25 =	vld [tilespmem:$0x1FF70];
	v55 =	vmul.f32 $2.222222240e-01, v35;
	v23 =	vmul.f32 $8.999999760e-01, v54  }
0x20b: {  	v10 =	vadd.f32 v10, v58;
	v20 =	vmul.f32 $8.999999760e-01, v61;
	v7 =	vmul.f32 v7, v19  }
0x20c: {  	(erf) = vpow2.f32 v11;
	v9 =	vadd.f32 $6.666666860e-01, v9;
	v61 =	vld [tilespmem:$0x1FFB0];
	v11 =	vadd.f32 $2.857142980e-01, v55  }
0x20d: {  	v13 =	vadd.f32 v13, v23;
	v7 =	vadd.f32 $6.666666860e-01, v7  }
0x20e: {  	v15 =	vadd.f32 v15, v22;
	v9 =	vmul.f32 v9, v21;
	v11 =	vmul.f32 v11, v35  }
0x20f: {  	v55 =	vld [tilespmem:$0x1FF80];
	v10 =	vadd.f32 v13, v10;
	v7 =	vmul.f32 v7, v19;
	v19 =	vmul.f32 v25, v56  }
0x210: {  	v58 =	vld [tilespmem:$0x1FFA0];
	v13 =	vsub.f32 $0.0e+00, v4;
	v9 =	vadd.f32 $2.000000000e+00, v9  }
0x211: {  	(xrf2) =	vadd.scan.msk.f32 $0xffff, v14;
	v11 =	vadd.f32 $4.000000060e-01, v11;
	v22 =	vmul.f32 v61, v51;
	v14 =	vmul.f32 v19, v19  }
0x212: {  	v10 =	vadd.f32 v10, v20;
	v9 =	vmul.f32 v9, v18;
	v7 =	vadd.f32 $2.000000000e+00, v7  }
0x213: {  	v56 =	vld [tilespmem:$0x1FF90];
	v49 =	vand.u32 $0x7FFFFFFF, v13;
	v11 =	vmul.f32 v11, v35;
	v50 =	vmul.f32 $2.222222240e-01, v14  }
0x214: {  	v25 =	vpop (erf);
	v21 =	vmax.f32 v55, $0.0e+00;
	v20 =	vsub.f32 $0.0e+00, v49;
	v6 =	vmul.f32 v7, v6  }
0x215: {  	v18 =	vmul.f32 $8.999999760e-01, v58;
	v23 =	vpop (erf);
	v11 =	vadd.f32 $6.666666860e-01, v11;
	v7 =	vadd.f32 $2.857142980e-01, v50  }
0x216: {  	v54 =	vadd.f32 $2.000000000e+00, v23;
	v20 =	vmul.f32 $1.442695020e+00, v20;
	v6 =	vadd.f32 v6, v21  }
0x217: {  	v11 =	vmul.f32 v11, v35;
	v7 =	vmul.f32 v7, v14  }
0x218: {  	(erf) = vrcp.f32 v54;
	v6 =	vadd.f32 v10, v6;
	v10 =	vbroadcast v56, $0xF  }
0x219: {  	v58 =	vld [tilespmem:$0x1FFD0];
	v35 =	vmax.f32 v43, $0.0e+00;
	(erf) = vpow2.f32 v20;
	v7 =	vadd.f32 $4.000000060e-01, v7  }
0x21a: {  	v51 =	vld [tilespmem:$0x1FFC0];
	v43 =	vadd.f32 v9, v35;
	v10 =	vsel vm0, v10, v3;
	v3 =	vadd.f32 v6, v18  }
0x21b: {  	v37 =	vmax.f32 v37, $0.0e+00;
	v49 =	vld [tilespmem:s10+$0x230];
	v50, _, _ =	vpop (xrf2);
	v7 =	vmul.f32 v7, v14  }
0x21c: {  	v35 =	vmul.f32 v22, v22;
	v6 =	vadd.f32 v3, v43;
	v3 =	vbroadcast v50, $0xF  }
0x21d: {  	v55 =	vmax.f32 v36, $0.0e+00;
	v11 =	vadd.f32 $2.000000000e+00, v11;
	v7 =	vadd.f32 $6.666666860e-01, v7  }
0x21e: {  	(xrf2) =	vadd.scan.msk.f32 $0xffff, v15;
	v15 =	vmul.f32 v58, v52;
	v54 =	vmul.f32 $2.222222240e-01, v35;
	v3 =	vsel vm2, v3, v12  }
0x21f: {  	v11 =	vmul.f32 v11, v46;
	v7 =	vmul.f32 v7, v14;
	v14 =	vsub.f32 $0.0e+00, v3  }
0x220: {  	v9 =	vmul.f32 v49, v48;
	v18 =	vmul.f32 $8.999999760e-01, v51;
	v56 =	vadd.f32 $2.857142980e-01, v54  }
0x221: {  	v11 =	vadd.f32 v11, v55;
	v43 =	vmul.f32 v15, v15;
	v21 =	vpop (erf);
	v48 =	vand.u32 $0x7FFFFFFF, v14  }
0x222: {  	v61 =	vmul.f32 v56, v35;
	v6 =	vadd.f32 v6, v18;
	v20 =	vpop (erf);
	v36 =	vsub.f32 $0.0e+00, v48  }
0x223: {  	v33 =	vmul.f32 $8.999999760e-01, v33;
	v50 =	vmul.f32 $2.222222240e-01, v43;
	v46 =	vadd.f32 $2.000000000e+00, v20  }
0x224: {  	v51 =	vld [tilespmem:$0x1FFE0];
	v6 =	vadd.f32 v6, v11;
	v11 =	vadd.f32 $4.000000060e-01, v61;
	v36 =	vmul.f32 $1.442695020e+00, v36  }
0x225: {  	v49 =	vmul.f32 $8.999999760e-01, v62;
	v18 =	vadd.f32 $2.857142980e-01, v50;
	(erf) = vrcp.f32 v46  }
0x226: {  	v7 =	vadd.f32 $2.000000000e+00, v7;
	v11 =	vmul.f32 v11, v35;
	(erf) = vpow2.f32 v36  }
0x227: {  	v27 =	vmul.f32 v31, v27;
	v9 =	vadd.f32 v9, v34;
	v18 =	vmul.f32 v18, v43  }
0x228: {  	v6 =	vadd.f32 v6, v49;
	v52, _, _ =	vpop (xrf2);
	v7 =	vmul.f32 v7, v19;
	v11 =	vadd.f32 $6.666666860e-01, v11  }
0x229: {  	v34 =	vbroadcast v52, $0xF;
	v19 =	vbroadcast v51, $0xF;
	v18 =	vadd.f32 $4.000000060e-01, v18  }
0x22a: {  	(xrf2) =	vadd.scan.msk.f32 $0xffff, v9;
	v7 =	vadd.f32 v7, v37;
	v37 =	vmul.f32 v63, v53;
	v11 =	vmul.f32 v11, v35  }
0x22b: {  	v19 =	vsel vm0, v19, v2;
	v2 =	vsel vm2, v34, v10;
	v56 =	vmul.f32 v18, v43  }
0x22c: {  	v18 =	vsub.f32 $0.0e+00, v2;
	v6 =	vadd.f32 v6, v7;
	v7 =	vmul.f32 v37, v37  }
0x22d: {  	v53 =	vmul.f32 $8.999999760e-01, v59;
	v34 =	vmul.f32 v45, v57;
	v55 =	vadd.f32 $2.000000000e+00, v11  }
0x22e: {  	v11 =	vadd.f32 $6.666666860e-01, v56;
	v59 =	vand.u32 $0x7FFFFFFF, v18;
	v54 =	vmul.f32 $2.222222240e-01, v7;
	v36 =	vpop (erf)  }
0x22f: {  	v9 =	vmul.f32 v55, v22;
	v22 =	vmul.f32 v34, v34;
	v61 =	vsub.f32 $0.0e+00, v59;
	v35 =	vpop (erf)  }
0x230: {  	v11 =	vmul.f32 v11, v43;
	v10 =	vadd.f32 $2.857142980e-01, v54;
	v63 =	vadd.f32 $2.000000000e+00, v35  }
0x231: {  	v58 =	vmax.f32 v38, $0.0e+00;
	v62 =	vmul.f32 $2.222222240e-01, v22;
	v12 =	vmul.f32 $1.442695020e+00, v61  }
0x232: {  	v6 =	vadd.f32 v6, v53;
	v10 =	vmul.f32 v10, v7;
	(erf) = vrcp.f32 v63  }
0x233: {  	v9 =	vadd.f32 v9, v58;
	v11 =	vadd.f32 $2.000000000e+00, v11;
	(erf) = vpow2.f32 v12  }
0x234: {  	v48 =	vmul.f32 $8.999999760e-01, v60;
	v52, _, _ =	vpop (xrf2);
	v38 =	vadd.f32 $2.857142980e-01, v62;
	v10 =	vadd.f32 $4.000000060e-01, v10  }
0x235: {  	v6 =	vadd.f32 v6, v9;
	v49 =	vmul.f32 v11, v15;
	v15 =	vbroadcast v52, $0xF  }
0x236: {  	v51 =	vmul.f32 v38, v22;
	v10 =	vmul.f32 v10, v7  }
0x237: {  	v50 =	vmax.f32 v39, $0.0e+00;
	v53 =	vmul.f32 v47, v26;
	v6 =	vadd.f32 v6, v48  }
0x238: {  	v54 =	vadd.f32 $4.000000060e-01, v51;
	v10 =	vadd.f32 $6.666666860e-01, v10;
	v12 =	vsel vm2, v15, v19  }
0x239: {  	v26 =	vmul.f32 v53, v53;
	v9 =	vadd.f32 v49, v50;
	v15 =	vsub.f32 $0.0e+00, v12  }
0x23a: {  	v7 =	vmul.f32 v10, v7;
	v10 =	vmul.f32 v54, v22  }
0x23b: {  	v60 =	vmul.f32 v27, v27;
	v6 =	vadd.f32 v6, v9;
	v58 =	vand.u32 $0x7FFFFFFF, v15;
	v31 =	vpop (erf)  }
0x23c: {  	v56 =	vmul.f32 $2.222222240e-01, v26;
	v10 =	vadd.f32 $6.666666860e-01, v10;
	v59 =	vsub.f32 $0.0e+00, v58;
	v19 =	vpop (erf)  }
0x23d: {  	v55 =	vmul.f32 $8.999999760e-01, v44;
	v7 =	vadd.f32 $2.000000000e+00, v7;
	v61 =	vadd.f32 $2.000000000e+00, v19  }
0x23e: {  	v39 =	vld [tilespmem:$0x1FFF0];
	v9 =	vadd.f32 $2.857142980e-01, v56;
	v10 =	vmul.f32 v10, v22;
	v22 =	vmul.f32 $1.442695020e+00, v59  }
0x23f: {  	v57 =	vmax.f32 v40, $0.0e+00;
	v7 =	vmul.f32 v7, v37;
	(erf) = vrcp.f32 v61  }
0x240: {  	v6 =	vadd.f32 v6, v55;
	v9 =	vmul.f32 v9, v26;
	(erf) = vpow2.f32 v22  }
0x241: {  	v5 =	vmul.f32 $8.999999760e-01, v5;
	v7 =	vadd.f32 v7, v57;
	v10 =	vadd.f32 $2.000000000e+00, v10  }
0x242: {  	v25 =	vmul.f32 v25, v29;
	v62 =	vmul.f32 $2.222222240e-01, v60;
	v9 =	vadd.f32 $4.000000060e-01, v9  }
0x243: {  	v6 =	vadd.f32 v6, v7;
	v63 =	vmul.f32 v10, v34;
	v10 =	vbroadcast v39, $0xF  }
0x244: {  	v29 =	vmul.f32 v25, v25;
	v38 =	vadd.f32 $2.857142980e-01, v62;
	v9 =	vmul.f32 v9, v26  }
0x245: {  	v34 =	vmax.f32 v41, $0.0e+00;
	v6 =	vadd.f32 v6, v33;
	v1 =	vsel vm1, v10, v1  }
0x246: {  	v21 =	vmul.f32 v21, v23;
	v7 =	vadd.f32 v63, v34;
	v10 =	vsub.f32 $0.0e+00, v1  }
0x247: {  	v40 =	vmul.f32 $8.999999760e-01, v30;
	v9 =	vadd.f32 $6.666666860e-01, v9;
	v41 =	vmul.f32 $2.222222240e-01, v29  }
0x248: {  	v22 =	vmul.f32 v38, v60;
	v6 =	vadd.f32 v6, v7;
	v45 =	vand.u32 $0x7FFFFFFF, v10;
	v44 =	vpop (erf)  }
0x249: {  	v48 =	vmul.f32 v21, v21;
	v7 =	vadd.f32 $2.857142980e-01, v41;
	v30 =	vsub.f32 $0.0e+00, v45;
	v47 =	vpop (erf)  }
0x24a: {  	v9 =	vmul.f32 v9, v26;
	v22 =	vadd.f32 $4.000000060e-01, v22;
	v49 =	vadd.f32 $2.000000000e+00, v47  }
0x24b: {  	v24 =	vmax.f32 v24, $0.0e+00;
	v7 =	vmul.f32 v7, v29;
	v50 =	vmul.f32 $1.442695020e+00, v30  }
0x24c: {  	v9 =	vadd.f32 $2.000000000e+00, v9;
	v22 =	vmul.f32 v22, v60;
	(erf) = vrcp.f32 v49  }
0x24d: {  	v20 =	vmul.f32 v36, v20;
	v7 =	vadd.f32 $4.000000060e-01, v7;
	(erf) = vpow2.f32 v50  }
0x24e: {  	v51 =	vmul.f32 $2.222222240e-01, v48;
	v9 =	vmul.f32 v9, v53;
	v46 =	vadd.f32 $6.666666860e-01, v22  }
0x24f: {  	v43 =	vmax.f32 v42, $0.0e+00;
	v54 =	vmul.f32 v20, v20;
	v7 =	vmul.f32 v7, v29  }
0x250: {  	v9 =	vadd.f32 v9, v43;
	v6 =	vadd.f32 v6, v40;
	v11 =	vmul.f32 v46, v60  }
0x251: {  	v52 =	vmul.f32 $8.999999760e-01, v32;
	v30 =	vadd.f32 $2.857142980e-01, v51;
	v7 =	vadd.f32 $6.666666860e-01, v7  }
0x252: {  	v56 =	vmul.f32 $2.222222240e-01, v54;
	v6 =	vadd.f32 v6, v9;
	v11 =	vadd.f32 $2.000000000e+00, v11  }
0x253: {  	v8 =	vmax.f32 v8, $0.0e+00;
	v55 =	vmul.f32 v30, v48;
	v7 =	vmul.f32 v7, v29  }
0x254: {  	v62 =	vmul.f32 v31, v35;
	v6 =	vadd.f32 v6, v52;
	v53 =	vmul.f32 v11, v27  }
0x255: {  	v58 =	vmul.f32 $8.999999760e-01, v28;
	v57 =	vadd.f32 $4.000000060e-01, v55;
	v7 =	vadd.f32 $2.000000000e+00, v7;
	v59 =	vpop (erf)  }
0x256: {  	v35 =	vmul.f32 v62, v62;
	v9 =	vadd.f32 v53, v24;
	v24 =	vadd.f32 $2.857142980e-01, v56;
	v63 =	vpop (erf)  }
0x257: {  	v26 =	vmul.f32 v57, v48;
	v7 =	vmul.f32 v7, v25;
	v32 =	vadd.f32 $2.000000000e+00, v63  }
0x258: {  	v19 =	vmul.f32 v44, v19;
	v6 =	vadd.f32 v6, v9;
	v60 =	vmul.f32 v24, v54  }
0x259: {  	v61 =	vadd.f32 $6.666666860e-01, v26;
	v7 =	vadd.f32 v7, v8;
	(erf) = vrcp.f32 v32  }
0x25a: {  	v36 =	vmul.f32 $2.222222240e-01, v35;
	v6 =	vadd.f32 v6, v58;
	v9 =	vadd.f32 $4.000000060e-01, v60  }
0x25b: {  	v23 =	vmul.f32 v19, v19;
	v34 =	vmul.f32 v61, v48  }
0x25c: {  	v9 =	vmul.f32 v9, v54;
	v6 =	vadd.f32 v6, v7;
	v7 =	vadd.f32 $2.857142980e-01, v36  }
0x25d: {  	v16 =	vmul.f32 $8.999999760e-01, v16;
	v13 =	vmax.f32 v13, $0.0e+00;
	v40 =	vmul.f32 $2.222222240e-01, v23  }
0x25e: {  	v8 =	vadd.f32 $2.000000000e+00, v34;
	v9 =	vadd.f32 $6.666666860e-01, v9;
	v7 =	vmul.f32 v7, v35  }
0x25f: {  	v39 =	vmax.f32 v17, $0.0e+00;
	v11 =	vadd.f32 $2.857142980e-01, v40;
	v41 =	vmul.f32 v59, v47  }
0x260: {  	v37 =	vmul.f32 v8, v21;
	v38 =	vmul.f32 v9, v54;
	v7 =	vadd.f32 $4.000000060e-01, v7  }
0x261: {  	v11 =	vmul.f32 v11, v23;
	v5 =	vadd.f32 v6, v5;
	v43 =	vmul.f32 v41, v41  }
0x262: {  	v6 =	vadd.f32 v37, v39;
	v8 =	vadd.f32 $2.000000000e+00, v38;
	v7 =	vmul.f32 v7, v35;
	v44 =	vpop (erf)  }
0x263: {  	v11 =	vadd.f32 $4.000000060e-01, v11;
	v45 =	vmul.f32 $2.222222240e-01, v43;
	v17 =	vmul.f32 v44, v63  }
0x264: {  	v5 =	vadd.f32 v5, v6;
	v42 =	vmul.f32 v8, v20;
	v7 =	vadd.f32 $6.666666860e-01, v7  }
0x265: {  	v11 =	vmul.f32 v11, v23;
	v46 =	vadd.f32 $2.857142980e-01, v45;
	v47 =	vmul.f32 v17, v17  }
0x266: {  	v5 =	vadd.f32 v5, v16;
	v6 =	vadd.f32 v42, v13;
	v7 =	vmul.f32 v7, v35  }
0x267: {  	v11 =	vadd.f32 $6.666666860e-01, v11;
	v48 =	vmul.f32 v46, v43;
	v49 =	vmul.f32 $2.222222240e-01, v47  }
0x268: {  	v5 =	vadd.f32 v5, v6;
	v7 =	vadd.f32 $2.000000000e+00, v7  }
0x269: {  	v4 =	vmul.f32 $8.999999760e-01, v4;
	v6 =	vadd.f32 $4.000000060e-01, v48;
	v13 =	vadd.f32 $2.857142980e-01, v49  }
0x26a: {  	v52 =	vmax.f32 v14, $0.0e+00;
	v51 =	vmul.f32 v11, v23;
	v50 =	vmul.f32 v7, v62  }
0x26b: {  	v4 =	vadd.f32 v5, v4;
	v6 =	vmul.f32 v6, v43;
	v13 =	vmul.f32 v13, v47  }
0x26c: {  	v7 =	vadd.f32 $2.000000000e+00, v51;
	v5 =	vadd.f32 v50, v52  }
0x26d: {  	v6 =	vadd.f32 $6.666666860e-01, v6;
	v53 =	vadd.f32 $4.000000060e-01, v13  }
0x26e: {  	v3 =	vmul.f32 $8.999999760e-01, v3;
	v54 =	vmul.f32 v7, v19;
	v4 =	vadd.f32 v4, v5  }
0x26f: {  	v55 =	vmax.f32 v18, $0.0e+00;
	v6 =	vmul.f32 v6, v43;
	v56 =	vmul.f32 v53, v47  }
0x270: {  	v57 =	vadd.f32 v54, v55;
	v3 =	vadd.f32 v4, v3  }
0x271: {  	v58 =	vadd.f32 $2.000000000e+00, v6;
	v59 =	vadd.f32 $6.666666860e-01, v56  }
0x272: {  	v2 =	vmul.f32 $8.999999760e-01, v2;
	v3 =	vadd.f32 v3, v57  }
0x273: {  	v60 =	vmul.f32 v58, v41;
	v61 =	vmul.f32 v59, v47  }
0x274: {  	v2 =	vadd.f32 v3, v2;
	v3 =	vmax.f32 v15, $0.0e+00  }
0x275: {  	v3 =	vadd.f32 v60, v3;
	v62 =	vadd.f32 $2.000000000e+00, v61;
	_ =	sdelay $0x1  }
0x276: {  	v2 =	vadd.f32 v2, v3;
	v3 =	vmul.f32 $8.999999760e-01, v12;
	v4 =	vmul.f32 v62, v17  }
0x277: {  	v63 =	vmax.f32 v10, $0.0e+00  }
0x278: {  	s1 =	sshll.u32 s9, $0x4;
	s9 =	sadd.s32 $0x1, s9;
	v2 =	vadd.f32 v2, v3;
	v3 =	vadd.f32 v4, v63  }
0x279: {  	p0 =	sne.s32 s9, $0x4  }
.Ltmp1:
0x27a: {  	v1 =	vmul.f32 $8.999999760e-01, v1;
	v2 =	vadd.f32 v2, v3;
	(pc) =	sbr.rel @p0 .LBB2_3-.Ltmp1, $4  }
0x27b: {  	_ = 	snop  }
0x27c: {  	v1 =	vadd.f32 v2, v1  }
0x27d: {  	s1 =	sand.u32 $0x3FFFFFF0, s1  }
0x27e: {  	s13 =	sadd.s32 $0x5000, s13;
	s7 =	sadd.s32 $0x400, s7;
	s8 =	sadd.s32 $0x400, s8;
	[tilespmem:s1+$0x18C00] =	vst v1  }
0x27f: {  	s1 =	sadd.s32 s6, s2;
	s0 =	sadd.s32 $0x1, s0  }
0x280: {  	s31 =	rddreg [dreg:$0x4];
	s1 =	sshrl.u32 s1, $0x3;
	p0 =	sne.s32 s0, $0x8  }
.Ltmp2:
0x281: {  	s1 =	sadd.s32 s31, s1;
	(pc) =	sbr.rel @p0 .LBB2_2-.Ltmp2, $4  }
0x282: {  	[hbm4b:s1+s3] =	stream.linear.scatter [tilespmem:s30], [sflag:$0x2], $0x40, $0x38;
	[tilespmem:$0x18C40] =	vst v63  }
0x283: {  	_ =	swait.ge [sflag:s11], $0x40  }
0x284: {  	[sflag:s11] =	ssyncset.done $0x0  }
0x285: {  	[sflag:s11] =	ssyncadd.s32 $0xFFFFFFC0  }
0x286: {  	s1 =	rddreg [dreg:$0xa]  }
0x287: {  	s0 =	rddreg [dreg:$0x9];
	s1 =	sadd.s32 $0x1, s1  }
0x288: {  	p0 =	sne.s32 s1, s0  }
.Ltmp3:
0x289: {  	_ = 	snop;
	(pc) =	sbr.rel @p0 .LBB2_1-.Ltmp3, $1  }
0x28a: {  	_ =	sdelay $0x3  }
0x28b: {  	_ =	sfence.sel $0x180000  }
0x28c: {  	[bflag:$0x0] =	sbarrier.arrive $0xFFFF  }
0x28d: {  	_ =	strace $0x90000047  }
0x28e: {  	s0 =	stileid.u32;
	[bflag:$0x2] =	sbarrier.arrive $0xFFFF  }
0x28f: {  	p0 =	sne.s32 s0, $0x0;
	s0 =	rddreg [dreg:$0x5]  }
0x290: {  	s0 =	sadd.s32 @!p0 $0x100000, s0  }
0x291: {  	[sflag:s0] =	ssyncadd.tile.s32 @!p0 $0x1;
	_ =	shalt  }
.Lfunc_end2:
_tile_overlayer_lowered:
.L_overlay_start_2:
0x292: {  	(tag) =	ssettag $0x2  }
0x293: {  	s0 =	rddreg [dreg:$0x0];
	s2 =	stileid.u32  }
0x294: {  	s1 =	rddreg [dreg:$0x1];
	p0 =	sne.s32 s2, $0x0  }
0x295: {  	s3 =	rddreg [dreg:$0x2];
	[bflag:$0x3] =	sbarrier.arrive $0xFFFF;
	s2 =	simm.s32 @!p0 $0x1C02  }
0x296: {  	[timem:s3], [sflag:s2] =	dma.local @!p0 [hbm:s0], s1  }
0x297: {  	s0 =	simm.s32 @!p0 $0x2  }
0x298: {  	_ =	swait.ge @!p0 [sflag:s0], s1  }
0x299: {  	s1 =	ssub.s32 @!p0 $0x0, s1;
	[sflag:s0] =	ssyncset.done @!p0 $0x0  }
0x29a: {  	[sflag:s0] =	ssyncadd.s32 @!p0 s1  }
0x29b: {  	[bflag:$0x3] =	sbarrier.arrive $0xFFFF  }
0x29c: {  	_ =	shalt  }

</sc_bundles>
